<compile_context>
chip_gen: v7x
topology: tpu7x:2x2x1
jax: 0.10.2.dev20260603
libtpu: 0.0.44.dev20260713+nightly
codegen_flags: <defaults>
</compile_context>

<pallas_src>
import functools

import jax
import jax.numpy as jnp
from jax import lax
from jax.experimental import pallas as pl
from jax.experimental.pallas import tpu as pltpu
from jax.experimental.pallas import tpu_sc as plsc

_B = 16384
_D = 64
_V = 1000000
_NC = 2
_NS = 16
_NW = _NC * _NS
_L = 16
_NCOL = (_V + 127) // 128
_CPW = _NCOL // _NW
_CREM = _NCOL - _CPW * _NW
_NVR = _B // _L
_BATCH = 128
_NBUF = 3
_NBKT = 8


def _splat(x):
    return jnp.full((_L,), x, jnp.int32)


@functools.partial(
    pl.kernel,
    out_type=jax.ShapeDtypeStruct((_B, 2 * _D), jnp.float32),
    mesh=plsc.VectorSubcoreMesh(core_axis_name="c", subcore_axis_name="s"),
    scratch_types=[
        pltpu.VMEM((_B,), jnp.int32),
        pltpu.VMEM((_B,), jnp.int32),
        pltpu.VMEM((_B,), jnp.int32),
        pltpu.VMEM((_B,), jnp.int32),
        pltpu.VMEM((_B,), jnp.int32),
        pltpu.VMEM((_L,), jnp.int32),
        pltpu.VMEM((_L,), jnp.int32),
        pltpu.VMEM((_NBUF, _D, 128), jnp.float32),
        pltpu.VMEM((_BATCH, 2 * _D), jnp.float32),
        pltpu.VMEM((1, _BATCH), jnp.int32),
        pltpu.SemaphoreType.DMA,
        pltpu.SemaphoreType.DMA,
        pltpu.SemaphoreType.DMA,
        pltpu.SemaphoreType.DMA,
    ],
    compiler_params=pltpu.CompilerParams(
        needs_layout_passes=False, disable_bounds_checks=True),
)
def _scan_gather(idx_hbm, tabt_hbm, out_hbm, idx_v, ids_list, pos_list,
                 bkt_ids, bkt_pos, bstart, bend, grp_v, rows_acc, j_acc,
                 sem0, sem1, sem2, semw):
    wid = lax.axis_index("s") * _NC + lax.axis_index("c")
    c_lo = _CPW * wid + jnp.minimum(wid, _CREM)
    ncols = _CPW + jnp.where(wid < _CREM, 1, 0)

    pltpu.sync_copy(idx_hbm, idx_v)

    lanes = lax.iota(jnp.int32, _L)
    lane0 = lanes == _splat(0)
    c_lo_v = _splat(c_lo)
    c_hi_v = _splat(c_lo + ncols)

    sems = (sem0, sem1, sem2)

    def issue_dma(c, b, sem):
        pltpu.async_copy(
            tabt_hbm.at[:, pl.ds(pl.multiple_of(c * 128, 128), 128)],
            grp_v.at[b], sem)

    def wait_dma(b, sem):
        pltpu.make_async_copy(
            tabt_hbm.at[:, pl.ds(0, 128)], grp_v.at[b], sem
        ).wait()

    for b in range(_NBUF):
        @pl.when(ncols > b)
        def _prime(b=b):
            issue_dma(c_lo + b, b, sems[b])

    def scan_body(v, cnt):
        ivec = plsc.load_gather(idx_v, [v * _L + lanes])
        cvec = lax.shift_right_logical(ivec, 7)
        m = jnp.logical_and(cvec >= c_lo_v, cvec < c_hi_v)
        mi = jnp.where(m, 1, 0)
        cum = plsc.cumsum(mi)
        slots = _splat(cnt) + cum - mi
        plsc.store_scatter(ids_list, [slots], ivec, mask=m)
        plsc.store_scatter(pos_list, [slots], v * _L + lanes, mask=m)
        return cnt + jnp.max(cum)

    cnt = lax.fori_loop(0, _NVR, scan_body, jnp.int32(0))
    nv = lax.div(cnt + _L - 1, _L)
    cnt_v = _splat(cnt)

    bptr = jnp.int32(0)
    for k in range(_NBKT):
        plsc.store_scatter(bstart, [_splat(k)], _splat(bptr), mask=lane0)

        def bkt_body(v, bp, k=k):
            vl = v * _L + lanes
            ivec = plsc.load_gather(ids_list, [vl])
            pvec = plsc.load_gather(pos_list, [vl])
            cvec = lax.shift_right_logical(ivec, 7)
            m = jnp.logical_and(
                lax.shift_right_logical(cvec - c_lo_v, 5) == _splat(k),
                vl < cnt_v)
            mi = jnp.where(m, 1, 0)
            cum = plsc.cumsum(mi)
            slots = _splat(bp) + cum - mi
            plsc.store_scatter(bkt_ids, [slots], ivec, mask=m)
            plsc.store_scatter(bkt_pos, [slots], pvec, mask=m)
            return bp + jnp.max(cum)

        bptr = lax.fori_loop(0, nv, bkt_body, bptr)
        plsc.store_scatter(bend, [_splat(k)], _splat(bptr), mask=lane0)

    def process_column(ci, carry):
        acc, last_valid = carry
        b = lax.rem(ci, _NBUF)
        c = c_lo + ci

        for bb in range(_NBUF):
            @pl.when(b == bb)
            def _w(bb=bb):
                wait_dma(bb, sems[bb])

        wb_v = _splat(c * 128)
        c_v = _splat(c)
        kc = lax.shift_right_logical(c - c_lo, 5)
        s0 = jnp.max(plsc.load_gather(bstart, [_splat(kc)]))
        e0 = jnp.max(plsc.load_gather(bend, [_splat(kc)]))
        e0_v = _splat(e0)
        nvb = lax.div(e0 - s0 + _L - 1, _L)

        def match_body(v, mc):
            vl = _splat(s0) + v * _L + lanes
            ivec = plsc.load_gather(bkt_ids, [vl])
            pvec = plsc.load_gather(bkt_pos, [vl])
            m = jnp.logical_and(
                lax.shift_right_logical(ivec, 7) == c_v, vl < e0_v)
            mi = jnp.where(m, 1, 0)
            cum = plsc.cumsum(mi)
            slots = _splat(mc) + cum - mi
            plsc.store_scatter(ids_list, [slots], ivec - wb_v, mask=m)
            plsc.store_scatter(pos_list, [slots], pvec, mask=m)
            return mc + jnp.max(cum)

        nm = lax.fori_loop(0, nvb, match_body, jnp.int32(0))

        def extract_body(h, ec):
            acc2, _lv = ec
            lc = plsc.load_gather(ids_list, [_splat(h)])
            jj = plsc.load_gather(pos_list, [_splat(h)])
            slot = lax.rem(acc2, _BATCH)
            for q in range(_D // _L):
                vals = plsc.load_gather(
                    grp_v, [_splat(b), lanes + q * _L, lc])
                plsc.store_scatter(
                    rows_acc, [_splat(slot), lanes + q * _L], vals)
            plsc.store_scatter(j_acc, [_splat(0), _splat(slot)], jj,
                               mask=lane0)

            @pl.when(slot == _BATCH - 1)
            def _flush():
                pltpu.async_copy(
                    rows_acc, out_hbm.at[j_acc.at[0]], semw).wait()

            return acc2 + 1, jnp.max(jj)

        acc, last_valid = lax.fori_loop(
            0, nm, extract_body, (acc, last_valid))

        @pl.when(ci + _NBUF < ncols)
        def _next():
            for bb in range(_NBUF):
                @pl.when(b == bb)
                def _n(bb=bb):
                    issue_dma(c + _NBUF, bb, sems[bb])

        return acc, last_valid

    acc, last_valid = lax.fori_loop(
        0, ncols, process_column, (jnp.int32(0), jnp.int32(0)))

    tail = lax.rem(acc, _BATCH)

    @pl.when(jnp.logical_and(tail > 0, acc > 0))
    def _tail():
        lastslot = tail - 1

        def fill_body(s, _):
            for q in range(_D // _L):
                vals = plsc.load_gather(
                    rows_acc, [_splat(lastslot), lanes + q * _L])
                plsc.store_scatter(
                    rows_acc, [_splat(s), lanes + q * _L], vals)
            plsc.store_scatter(j_acc, [_splat(0), _splat(s)],
                               _splat(last_valid), mask=lane0)
            return _

        lax.fori_loop(tail, _BATCH, fill_body, 0)
        pltpu.async_copy(rows_acc, out_hbm.at[j_acc.at[0]], semw).wait()


def kernel(sentence_id, sentence_embedding_weight):
    inter = _scan_gather(sentence_id, sentence_embedding_weight.T)
    return inter[:, :_D]

# --- scband reference (transcript-rebuilt; emitter-appended) ---
"""Pipeline reference for scband-sentence-embedding-17927193494064 (READ-ONLY COPY).

The authoritative reference and input builder live on the scoring server;
editing this copy changes nothing except your own understanding.
"""

import jax, jax.numpy as jnp
import numpy as np

CORPORA_SIZE = 1000000
PROMPT_LENGTH = 4
SENT_EMBED_SIZE = 16
EMBED_DIM = PROMPT_LENGTH * SENT_EMBED_SIZE  # 64
BATCH = 16384


def setup_inputs(seed: int = 0) -> dict:
    key = jax.random.key(seed)
    k1, k2 = jax.random.split(key)
    sentence_id = jax.random.randint(k1, (BATCH,), 0, CORPORA_SIZE, dtype=jnp.int64 if jax.config.jax_enable_x64 else jnp.int32)
    # learned parameter: the sentence embedding table (nn.Embedding weight)
    sentence_embedding_weight = jax.random.normal(k2, (CORPORA_SIZE, EMBED_DIM), dtype=jnp.float32) * 0.02
    return {"sentence_id": sentence_id, "sentence_embedding_weight": sentence_embedding_weight}


def reference(sentence_id, sentence_embedding_weight):
    # optimizer_name == 'sparse_adam' -> plain embedding lookup, no layer norm branch
    return jnp.take(sentence_embedding_weight, sentence_id, axis=0)

if __name__ == "__main__":
    import jax
    _d = setup_inputs()
    print(jax.jit(kernel)(*tuple(_d.values())))

</pallas_src>

<mosaic_0001>
#map = affine_map<(d0, d1) -> (0)>
#map1 = affine_map<(d0, d1) -> (0, 0)>
module attributes {stable_mosaic.version = 14 : i64} {
  func.func @_scan_gather(%arg0: i32, %arg1: i32, %arg2: memref<16384xi32, #tpu.memory_space<hbm>>, %arg3: memref<64x1000000xf32, #tpu.memory_space<hbm>>, %arg4: memref<16384x128xf32, #tpu.memory_space<hbm>>, %arg5: memref<16384xi32, #tpu.memory_space<vmem>>, %arg6: memref<16384xi32, #tpu.memory_space<vmem>>, %arg7: memref<16384xi32, #tpu.memory_space<vmem>>, %arg8: memref<16384xi32, #tpu.memory_space<vmem>>, %arg9: memref<16384xi32, #tpu.memory_space<vmem>>, %arg10: memref<16xi32, #tpu.memory_space<vmem>>, %arg11: memref<16xi32, #tpu.memory_space<vmem>>, %arg12: memref<3x64x128xf32, #tpu.memory_space<vmem>>, %arg13: memref<128x128xf32, #tpu.memory_space<vmem>>, %arg14: memref<1x128xi32, #tpu.memory_space<vmem>>, %arg15: memref<!tpu.dma_semaphore, #tpu.memory_space<semaphore_mem>>, %arg16: memref<!tpu.dma_semaphore, #tpu.memory_space<semaphore_mem>>, %arg17: memref<!tpu.dma_semaphore, #tpu.memory_space<semaphore_mem>>, %arg18: memref<!tpu.dma_semaphore, #tpu.memory_space<semaphore_mem>>) attributes {dimension_semantics = [#tpu.dimension_semantics<core_parallel>, #tpu.dimension_semantics<subcore_parallel>], iteration_bounds = array<i64: 2, 16>, scalar_prefetch = 0 : i64, scratch_operands = 14 : i64, tpu.core_type = #tpu.core_type<sc_vector_subcore>, window_params = [{transform_indices = #map}, {transform_indices = #map1}, {transform_indices = #map1}]} {
    %mul3A = arith.constant 2 : i32
    %mul3A_0 = arith.muli %arg1, %mul3A : i32
    %add3A = arith.addi %mul3A_0, %arg0 : i32
    %mul3A_1 = arith.constant 244 : i32
    %mul3A_2 = arith.muli %mul3A_1, %add3A : i32
    %min3A = arith.constant 5 : i32
    %min3A_3 = arith.minsi %add3A, %min3A : i32
    %add3A_4 = arith.addi %mul3A_2, %min3A_3 : i32
    %lt3A = arith.constant 5 : i32
    %lt3A_5 = arith.cmpi slt, %add3A, %lt3A : i32
    %jit3A = arith.constant 1 : i32
    %jit3A_6 = arith.constant 0 : i32
    %select_n3A = arith.select %lt3A_5, %jit3A, %jit3A_6 : i32
    %add3A_7 = arith.constant 244 : i32
    %add3A_8 = arith.addi %add3A_7, %select_n3A : i32
    "tpu.region"() ({
      %run_scoped3A = tpu.sem_alloc : memref<!tpu.dma_semaphore, #tpu.memory_space<semaphore_mem>>
      tpu.enqueue_dma source(%arg2 : memref<16384xi32, #tpu.memory_space<hbm>>) target(%arg5 : memref<16384xi32, #tpu.memory_space<vmem>>) target_semaphore(%run_scoped3A : memref<!tpu.dma_semaphore, #tpu.memory_space<semaphore_mem>>)
      tpu.wait_dma2 semaphore(%run_scoped3A : memref<!tpu.dma_semaphore, #tpu.memory_space<semaphore_mem>>) src(%arg2 : memref<16384xi32, #tpu.memory_space<hbm>>) dst(%arg5 : memref<16384xi32, #tpu.memory_space<vmem>>)
      tpu.yield
    }) : () -> ()
    %iota3A = tpu.iota {dimensions = array<i32: 0>} : vector<16xi32>
    %broadcast_in_dim3A = arith.constant 0 : i32
    %broadcast_in_dim3A_9 = vector.broadcast %broadcast_in_dim3A : i32 to vector<16xi32>
    %eq3A = arith.cmpi eq, %iota3A, %broadcast_in_dim3A_9 : vector<16xi32>
    %broadcast_in_dim3A_10 = vector.broadcast %add3A_4 : i32 to vector<16xi32>
    %add3A_11 = arith.addi %add3A_4, %add3A_8 : i32
    %broadcast_in_dim3A_12 = vector.broadcast %add3A_11 : i32 to vector<16xi32>
    %gt3A = arith.constant 0 : i32
    %gt3A_13 = arith.cmpi sgt, %add3A_8, %gt3A : i32
    %convert_element_type3A = arith.extui %gt3A_13 : i1 to i32
    %cond3A = arith.constant 0 : i32
    %cond3A_14 = arith.cmpi ne, %convert_element_type3A, %cond3A : i32
    scf.if %cond3A_14 {
      %add3A_194 = arith.constant 0 : i32
      %add3A_195 = arith.addi %add3A_4, %add3A_194 : i32
      %mul3A_196 = arith.constant 128 : i32
      %mul3A_197 = arith.muli %add3A_195, %mul3A_196 : i32
      %multiple_of3A = tpu.assume_multiple %mul3A_197, 128 : i32
      %dma_start3A = arith.constant 0 : i32
      %dma_start3A_198 = arith.constant 0 : i32
      %dma_start3A_199 = arith.constant 0 : i32
      %dma_start3A_200 = tpu.memref_slice %arg12[%dma_start3A, %dma_start3A_198, %dma_start3A_199] : memref<3x64x128xf32, #tpu.memory_space<vmem>> -> memref<1x64x128xf32, #tpu.memory_space<vmem>>
      %dma_start3A_201 = tpu.memref_squeeze %dma_start3A_200 : memref<1x64x128xf32, #tpu.memory_space<vmem>> -> memref<64x128xf32, #tpu.memory_space<vmem>>
      %dma_start3A_202 = arith.constant 0 : i32
      %dma_start3A_203 = tpu.memref_slice %arg3[%dma_start3A_202, %multiple_of3A] : memref<64x1000000xf32, #tpu.memory_space<hbm>> -> memref<64x128xf32, #tpu.memory_space<hbm>>
      %dma_start3A_204 = arith.constant 0 : i32
      %dma_start3A_205 = arith.constant 0 : i32
      %dma_start3A_206 = tpu.memref_slice %arg12[%dma_start3A, %dma_start3A_204, %dma_start3A_205] : memref<3x64x128xf32, #tpu.memory_space<vmem>> -> memref<1x64x128xf32, #tpu.memory_space<vmem>>
      %dma_start3A_207 = tpu.memref_squeeze %dma_start3A_206 : memref<1x64x128xf32, #tpu.memory_space<vmem>> -> memref<64x128xf32, #tpu.memory_space<vmem>>
      %dma_start3A_208 = arith.constant 0 : i32
      %dma_start3A_209 = tpu.memref_slice %arg3[%dma_start3A_208, %multiple_of3A] : memref<64x1000000xf32, #tpu.memory_space<hbm>> -> memref<64x128xf32, #tpu.memory_space<hbm>>
      tpu.enqueue_dma source(%dma_start3A_209 : memref<64x128xf32, #tpu.memory_space<hbm>>) target(%dma_start3A_207 : memref<64x128xf32, #tpu.memory_space<vmem>>) target_semaphore(%arg15 : memref<!tpu.dma_semaphore, #tpu.memory_space<semaphore_mem>>)
    } else {
    }
    %gt3A_15 = arith.constant 1 : i32
    %gt3A_16 = arith.cmpi sgt, %add3A_8, %gt3A_15 : i32
    %convert_element_type3A_17 = arith.extui %gt3A_16 : i1 to i32
    %cond3A_18 = arith.constant 0 : i32
    %cond3A_19 = arith.cmpi ne, %convert_element_type3A_17, %cond3A_18 : i32
    scf.if %cond3A_19 {
      %add3A_194 = arith.constant 1 : i32
      %add3A_195 = arith.addi %add3A_4, %add3A_194 : i32
      %mul3A_196 = arith.constant 128 : i32
      %mul3A_197 = arith.muli %add3A_195, %mul3A_196 : i32
      %multiple_of3A = tpu.assume_multiple %mul3A_197, 128 : i32
      %dma_start3A = arith.constant 1 : i32
      %dma_start3A_198 = arith.constant 0 : i32
      %dma_start3A_199 = arith.constant 0 : i32
      %dma_start3A_200 = tpu.memref_slice %arg12[%dma_start3A, %dma_start3A_198, %dma_start3A_199] : memref<3x64x128xf32, #tpu.memory_space<vmem>> -> memref<1x64x128xf32, #tpu.memory_space<vmem>>
      %dma_start3A_201 = tpu.memref_squeeze %dma_start3A_200 : memref<1x64x128xf32, #tpu.memory_space<vmem>> -> memref<64x128xf32, #tpu.memory_space<vmem>>
      %dma_start3A_202 = arith.constant 0 : i32
      %dma_start3A_203 = tpu.memref_slice %arg3[%dma_start3A_202, %multiple_of3A] : memref<64x1000000xf32, #tpu.memory_space<hbm>> -> memref<64x128xf32, #tpu.memory_space<hbm>>
      %dma_start3A_204 = arith.constant 0 : i32
      %dma_start3A_205 = arith.constant 0 : i32
      %dma_start3A_206 = tpu.memref_slice %arg12[%dma_start3A, %dma_start3A_204, %dma_start3A_205] : memref<3x64x128xf32, #tpu.memory_space<vmem>> -> memref<1x64x128xf32, #tpu.memory_space<vmem>>
      %dma_start3A_207 = tpu.memref_squeeze %dma_start3A_206 : memref<1x64x128xf32, #tpu.memory_space<vmem>> -> memref<64x128xf32, #tpu.memory_space<vmem>>
      %dma_start3A_208 = arith.constant 0 : i32
      %dma_start3A_209 = tpu.memref_slice %arg3[%dma_start3A_208, %multiple_of3A] : memref<64x1000000xf32, #tpu.memory_space<hbm>> -> memref<64x128xf32, #tpu.memory_space<hbm>>
      tpu.enqueue_dma source(%dma_start3A_209 : memref<64x128xf32, #tpu.memory_space<hbm>>) target(%dma_start3A_207 : memref<64x128xf32, #tpu.memory_space<vmem>>) target_semaphore(%arg16 : memref<!tpu.dma_semaphore, #tpu.memory_space<semaphore_mem>>)
    } else {
    }
    %gt3A_20 = arith.constant 2 : i32
    %gt3A_21 = arith.cmpi sgt, %add3A_8, %gt3A_20 : i32
    %convert_element_type3A_22 = arith.extui %gt3A_21 : i1 to i32
    %cond3A_23 = arith.constant 0 : i32
    %cond3A_24 = arith.cmpi ne, %convert_element_type3A_22, %cond3A_23 : i32
    scf.if %cond3A_24 {
      %add3A_194 = arith.constant 2 : i32
      %add3A_195 = arith.addi %add3A_4, %add3A_194 : i32
      %mul3A_196 = arith.constant 128 : i32
      %mul3A_197 = arith.muli %add3A_195, %mul3A_196 : i32
      %multiple_of3A = tpu.assume_multiple %mul3A_197, 128 : i32
      %dma_start3A = arith.constant 2 : i32
      %dma_start3A_198 = arith.constant 0 : i32
      %dma_start3A_199 = arith.constant 0 : i32
      %dma_start3A_200 = tpu.memref_slice %arg12[%dma_start3A, %dma_start3A_198, %dma_start3A_199] : memref<3x64x128xf32, #tpu.memory_space<vmem>> -> memref<1x64x128xf32, #tpu.memory_space<vmem>>
      %dma_start3A_201 = tpu.memref_squeeze %dma_start3A_200 : memref<1x64x128xf32, #tpu.memory_space<vmem>> -> memref<64x128xf32, #tpu.memory_space<vmem>>
      %dma_start3A_202 = arith.constant 0 : i32
      %dma_start3A_203 = tpu.memref_slice %arg3[%dma_start3A_202, %multiple_of3A] : memref<64x1000000xf32, #tpu.memory_space<hbm>> -> memref<64x128xf32, #tpu.memory_space<hbm>>
      %dma_start3A_204 = arith.constant 0 : i32
      %dma_start3A_205 = arith.constant 0 : i32
      %dma_start3A_206 = tpu.memref_slice %arg12[%dma_start3A, %dma_start3A_204, %dma_start3A_205] : memref<3x64x128xf32, #tpu.memory_space<vmem>> -> memref<1x64x128xf32, #tpu.memory_space<vmem>>
      %dma_start3A_207 = tpu.memref_squeeze %dma_start3A_206 : memref<1x64x128xf32, #tpu.memory_space<vmem>> -> memref<64x128xf32, #tpu.memory_space<vmem>>
      %dma_start3A_208 = arith.constant 0 : i32
      %dma_start3A_209 = tpu.memref_slice %arg3[%dma_start3A_208, %multiple_of3A] : memref<64x1000000xf32, #tpu.memory_space<hbm>> -> memref<64x128xf32, #tpu.memory_space<hbm>>
      tpu.enqueue_dma source(%dma_start3A_209 : memref<64x128xf32, #tpu.memory_space<hbm>>) target(%dma_start3A_207 : memref<64x128xf32, #tpu.memory_space<vmem>>) target_semaphore(%arg17 : memref<!tpu.dma_semaphore, #tpu.memory_space<semaphore_mem>>)
    } else {
    }
    %scan3A = arith.constant 0 : i32
    %scan3A_25 = arith.constant 0 : i32
    %scan3A_26 = arith.constant 1024 : i32
    %scan3A_27 = arith.addi %scan3A_25, %scan3A_26 : i32
    %scan3A_28 = arith.constant 1 : i32
    %scan3A_29 = scf.for %scan3A_194 = %scan3A_25 to %scan3A_27 step %scan3A_28 iter_args(%scan3A_195 = %scan3A) -> (i32)  : i32 {
      %mul3A_196 = arith.constant 16 : i32
      %mul3A_197 = arith.muli %scan3A_194, %mul3A_196 : i32
      %add3A_198 = vector.broadcast %mul3A_197 : i32 to vector<16xi32>
      %add3A_199 = arith.addi %add3A_198, %iota3A : vector<16xi32>
      %gather3A = tpu.vector_load_idx %arg5[%add3A_199] : memref<16384xi32, #tpu.memory_space<vmem>>[vector<16xi32>], vector<16xi32>,
      %shift_right_logical3A = arith.constant 7 : i32
      %shift_right_logical3A_200 = vector.broadcast %shift_right_logical3A : i32 to vector<16xi32>
      %shift_right_logical3A_201 = arith.shrui %gather3A, %shift_right_logical3A_200 : vector<16xi32>
      %ge3A = arith.cmpi sge, %shift_right_logical3A_201, %broadcast_in_dim3A_10 : vector<16xi32>
      %lt3A_202 = arith.cmpi slt, %shift_right_logical3A_201, %broadcast_in_dim3A_12 : vector<16xi32>
      %and3A_203 = arith.andi %ge3A, %lt3A_202 : vector<16xi1>
      %jit3A_204 = arith.constant 1 : i32
      %jit3A_205 = arith.constant 0 : i32
      %broadcast_in_dim3A_206 = vector.broadcast %jit3A_204 : i32 to vector<16xi32>
      %broadcast_in_dim3A_207 = vector.broadcast %jit3A_205 : i32 to vector<16xi32>
      %select_n3A_208 = arith.select %and3A_203, %broadcast_in_dim3A_206, %broadcast_in_dim3A_207 : vector<16xi1>, vector<16xi32>
      %broadcast_in_dim3A_209 = arith.constant true
      %broadcast_in_dim3A_210 = vector.broadcast %broadcast_in_dim3A_209 : i1 to vector<16xi1>
      %masked_cumsum3A = tpu.scan <sum>, %select_n3A_208 masked %broadcast_in_dim3A_210 : vector<16xi32>, vector<16xi1> -> vector<16xi32>
      %broadcast_in_dim3A_211 = vector.broadcast %scan3A_195 : i32 to vector<16xi32>
      %add3A_212 = arith.addi %broadcast_in_dim3A_211, %masked_cumsum3A : vector<16xi32>
      %sub3A_213 = arith.subi %add3A_212, %select_n3A_208 : vector<16xi32>
      tpu.vector_store_idx %arg6[%sub3A_213], %gather3A masked %and3A_203 : memref<16384xi32, #tpu.memory_space<vmem>>[vector<16xi32>], vector<16xi32>, vector<16xi1>
      %mul3A_214 = arith.constant 16 : i32
      %mul3A_215 = arith.muli %scan3A_194, %mul3A_214 : i32
      %add3A_216 = vector.broadcast %mul3A_215 : i32 to vector<16xi32>
      %add3A_217 = arith.addi %add3A_216, %iota3A : vector<16xi32>
      tpu.vector_store_idx %arg7[%sub3A_213], %add3A_217 masked %and3A_203 : memref<16384xi32, #tpu.memory_space<vmem>>[vector<16xi32>], vector<16xi32>, vector<16xi1>
      %reduce_max3A = arith.constant true
      %reduce_max3A_218 = vector.broadcast %reduce_max3A : i1 to vector<16xi1>
      %reduce_max3A_219 = arith.constant -2147483648 : i32
      %reduce_max3A_220 = vector.broadcast %reduce_max3A_219 : i32 to vector<16xi32>
      %reduce_max3A_221 = arith.xori %masked_cumsum3A, %reduce_max3A_220 : vector<16xi32>
      %reduce_max3A_222 = tpu.scan <max>, %reduce_max3A_221 masked %reduce_max3A_218 : vector<16xi32>, vector<16xi1> -> vector<16xi32>
      %reduce_max3A_223 = arith.xori %reduce_max3A_222, %reduce_max3A_220 : vector<16xi32>
      %reduce_max3A_224 = vector.extract %reduce_max3A_223[15] : i32 from vector<16xi32>
      %add3A_225 = arith.addi %scan3A_195, %reduce_max3A_224 : i32
      scf.yield %add3A_225 : i32
    }
    %scan3A_30 = arith.constant 1024 : i32
    %add3A_31 = arith.constant 16 : i32
    %add3A_32 = arith.addi %scan3A_29, %add3A_31 : i32
    %sub3A = arith.constant 1 : i32
    %sub3A_33 = arith.subi %add3A_32, %sub3A : i32
    %div3A = arith.constant 16 : i32
    %div3A_34 = arith.divsi %sub3A_33, %div3A : i32
    %broadcast_in_dim3A_35 = vector.broadcast %scan3A_29 : i32 to vector<16xi32>
    %broadcast_in_dim3A_36 = arith.constant 0 : i32
    %broadcast_in_dim3A_37 = vector.broadcast %broadcast_in_dim3A_36 : i32 to vector<16xi32>
    %broadcast_in_dim3A_38 = arith.constant 0 : i32
    %broadcast_in_dim3A_39 = vector.broadcast %broadcast_in_dim3A_38 : i32 to vector<16xi32>
    tpu.vector_store_idx %arg10[%broadcast_in_dim3A_37], %broadcast_in_dim3A_39 masked %eq3A : memref<16xi32, #tpu.memory_space<vmem>>[vector<16xi32>], vector<16xi32>, vector<16xi1>
    %while3A = arith.constant 0 : i32
    %while3A_40 = arith.constant 0 : i32
    %while3A_41 = arith.subi %div3A_34, %while3A : i32
    %while3A_42 = arith.addi %while3A, %while3A_41 : i32
    %while3A_43 = arith.constant 1 : i32
    %while3A_44 = arith.divsi %while3A_41, %while3A_43 : i32
    %while3A_45 = arith.muli %while3A_44, %while3A_43 : i32
    %while3A_46 = arith.addi %while3A, %while3A_45 : i32
    %while3A_47 = arith.constant 1 : i32
    %while3A_48 = scf.for %while3A_194 = %while3A to %while3A_46 step %while3A_47 iter_args(%while3A_195 = %while3A_40) -> (i32)  : i32 {
      %mul3A_196 = arith.constant 16 : i32
      %mul3A_197 = arith.muli %while3A_194, %mul3A_196 : i32
      %add3A_198 = vector.broadcast %mul3A_197 : i32 to vector<16xi32>
      %add3A_199 = arith.addi %add3A_198, %iota3A : vector<16xi32>
      %gather3A = tpu.vector_load_idx %arg6[%add3A_199] : memref<16384xi32, #tpu.memory_space<vmem>>[vector<16xi32>], vector<16xi32>,
      %gather3A_200 = tpu.vector_load_idx %arg7[%add3A_199] : memref<16384xi32, #tpu.memory_space<vmem>>[vector<16xi32>], vector<16xi32>,
      %shift_right_logical3A = arith.constant 7 : i32
      %shift_right_logical3A_201 = vector.broadcast %shift_right_logical3A : i32 to vector<16xi32>
      %shift_right_logical3A_202 = arith.shrui %gather3A, %shift_right_logical3A_201 : vector<16xi32>
      %sub3A_203 = arith.subi %shift_right_logical3A_202, %broadcast_in_dim3A_10 : vector<16xi32>
      %shift_right_logical3A_204 = arith.constant 5 : i32
      %shift_right_logical3A_205 = vector.broadcast %shift_right_logical3A_204 : i32 to vector<16xi32>
      %shift_right_logical3A_206 = arith.shrui %sub3A_203, %shift_right_logical3A_205 : vector<16xi32>
      %broadcast_in_dim3A_207 = arith.constant 0 : i32
      %broadcast_in_dim3A_208 = vector.broadcast %broadcast_in_dim3A_207 : i32 to vector<16xi32>
      %eq3A_209 = arith.cmpi eq, %shift_right_logical3A_206, %broadcast_in_dim3A_208 : vector<16xi32>
      %lt3A_210 = arith.cmpi slt, %add3A_199, %broadcast_in_dim3A_35 : vector<16xi32>
      %and3A_211 = arith.andi %eq3A_209, %lt3A_210 : vector<16xi1>
      %jit3A_212 = arith.constant 1 : i32
      %jit3A_213 = arith.constant 0 : i32
      %broadcast_in_dim3A_214 = vector.broadcast %jit3A_212 : i32 to vector<16xi32>
      %broadcast_in_dim3A_215 = vector.broadcast %jit3A_213 : i32 to vector<16xi32>
      %select_n3A_216 = arith.select %and3A_211, %broadcast_in_dim3A_214, %broadcast_in_dim3A_215 : vector<16xi1>, vector<16xi32>
      %broadcast_in_dim3A_217 = arith.constant true
      %broadcast_in_dim3A_218 = vector.broadcast %broadcast_in_dim3A_217 : i1 to vector<16xi1>
      %masked_cumsum3A = tpu.scan <sum>, %select_n3A_216 masked %broadcast_in_dim3A_218 : vector<16xi32>, vector<16xi1> -> vector<16xi32>
      %broadcast_in_dim3A_219 = vector.broadcast %while3A_195 : i32 to vector<16xi32>
      %add3A_220 = arith.addi %broadcast_in_dim3A_219, %masked_cumsum3A : vector<16xi32>
      %sub3A_221 = arith.subi %add3A_220, %select_n3A_216 : vector<16xi32>
      tpu.vector_store_idx %arg8[%sub3A_221], %gather3A masked %and3A_211 : memref<16384xi32, #tpu.memory_space<vmem>>[vector<16xi32>], vector<16xi32>, vector<16xi1>
      tpu.vector_store_idx %arg9[%sub3A_221], %gather3A_200 masked %and3A_211 : memref<16384xi32, #tpu.memory_space<vmem>>[vector<16xi32>], vector<16xi32>, vector<16xi1>
      %reduce_max3A = arith.constant true
      %reduce_max3A_222 = vector.broadcast %reduce_max3A : i1 to vector<16xi1>
      %reduce_max3A_223 = arith.constant -2147483648 : i32
      %reduce_max3A_224 = vector.broadcast %reduce_max3A_223 : i32 to vector<16xi32>
      %reduce_max3A_225 = arith.xori %masked_cumsum3A, %reduce_max3A_224 : vector<16xi32>
      %reduce_max3A_226 = tpu.scan <max>, %reduce_max3A_225 masked %reduce_max3A_222 : vector<16xi32>, vector<16xi1> -> vector<16xi32>
      %reduce_max3A_227 = arith.xori %reduce_max3A_226, %reduce_max3A_224 : vector<16xi32>
      %reduce_max3A_228 = vector.extract %reduce_max3A_227[15] : i32 from vector<16xi32>
      %add3A_229 = arith.addi %while3A_195, %reduce_max3A_228 : i32
      scf.yield %add3A_229 : i32
    }
    %while3A_49 = arith.constant 1 : i32
    %while3A_50 = scf.for %while3A_194 = %while3A_46 to %while3A_42 step %while3A_49 iter_args(%while3A_195 = %while3A_48) -> (i32)  : i32 {
      %mul3A_196 = arith.constant 16 : i32
      %mul3A_197 = arith.muli %while3A_194, %mul3A_196 : i32
      %add3A_198 = vector.broadcast %mul3A_197 : i32 to vector<16xi32>
      %add3A_199 = arith.addi %add3A_198, %iota3A : vector<16xi32>
      %gather3A = tpu.vector_load_idx %arg6[%add3A_199] : memref<16384xi32, #tpu.memory_space<vmem>>[vector<16xi32>], vector<16xi32>,
      %gather3A_200 = tpu.vector_load_idx %arg7[%add3A_199] : memref<16384xi32, #tpu.memory_space<vmem>>[vector<16xi32>], vector<16xi32>,
      %shift_right_logical3A = arith.constant 7 : i32
      %shift_right_logical3A_201 = vector.broadcast %shift_right_logical3A : i32 to vector<16xi32>
      %shift_right_logical3A_202 = arith.shrui %gather3A, %shift_right_logical3A_201 : vector<16xi32>
      %sub3A_203 = arith.subi %shift_right_logical3A_202, %broadcast_in_dim3A_10 : vector<16xi32>
      %shift_right_logical3A_204 = arith.constant 5 : i32
      %shift_right_logical3A_205 = vector.broadcast %shift_right_logical3A_204 : i32 to vector<16xi32>
      %shift_right_logical3A_206 = arith.shrui %sub3A_203, %shift_right_logical3A_205 : vector<16xi32>
      %broadcast_in_dim3A_207 = arith.constant 0 : i32
      %broadcast_in_dim3A_208 = vector.broadcast %broadcast_in_dim3A_207 : i32 to vector<16xi32>
      %eq3A_209 = arith.cmpi eq, %shift_right_logical3A_206, %broadcast_in_dim3A_208 : vector<16xi32>
      %lt3A_210 = arith.cmpi slt, %add3A_199, %broadcast_in_dim3A_35 : vector<16xi32>
      %and3A_211 = arith.andi %eq3A_209, %lt3A_210 : vector<16xi1>
      %jit3A_212 = arith.constant 1 : i32
      %jit3A_213 = arith.constant 0 : i32
      %broadcast_in_dim3A_214 = vector.broadcast %jit3A_212 : i32 to vector<16xi32>
      %broadcast_in_dim3A_215 = vector.broadcast %jit3A_213 : i32 to vector<16xi32>
      %select_n3A_216 = arith.select %and3A_211, %broadcast_in_dim3A_214, %broadcast_in_dim3A_215 : vector<16xi1>, vector<16xi32>
      %broadcast_in_dim3A_217 = arith.constant true
      %broadcast_in_dim3A_218 = vector.broadcast %broadcast_in_dim3A_217 : i1 to vector<16xi1>
      %masked_cumsum3A = tpu.scan <sum>, %select_n3A_216 masked %broadcast_in_dim3A_218 : vector<16xi32>, vector<16xi1> -> vector<16xi32>
      %broadcast_in_dim3A_219 = vector.broadcast %while3A_195 : i32 to vector<16xi32>
      %add3A_220 = arith.addi %broadcast_in_dim3A_219, %masked_cumsum3A : vector<16xi32>
      %sub3A_221 = arith.subi %add3A_220, %select_n3A_216 : vector<16xi32>
      tpu.vector_store_idx %arg8[%sub3A_221], %gather3A masked %and3A_211 : memref<16384xi32, #tpu.memory_space<vmem>>[vector<16xi32>], vector<16xi32>, vector<16xi1>
      tpu.vector_store_idx %arg9[%sub3A_221], %gather3A_200 masked %and3A_211 : memref<16384xi32, #tpu.memory_space<vmem>>[vector<16xi32>], vector<16xi32>, vector<16xi1>
      %reduce_max3A = arith.constant true
      %reduce_max3A_222 = vector.broadcast %reduce_max3A : i1 to vector<16xi1>
      %reduce_max3A_223 = arith.constant -2147483648 : i32
      %reduce_max3A_224 = vector.broadcast %reduce_max3A_223 : i32 to vector<16xi32>
      %reduce_max3A_225 = arith.xori %masked_cumsum3A, %reduce_max3A_224 : vector<16xi32>
      %reduce_max3A_226 = tpu.scan <max>, %reduce_max3A_225 masked %reduce_max3A_222 : vector<16xi32>, vector<16xi1> -> vector<16xi32>
      %reduce_max3A_227 = arith.xori %reduce_max3A_226, %reduce_max3A_224 : vector<16xi32>
      %reduce_max3A_228 = vector.extract %reduce_max3A_227[15] : i32 from vector<16xi32>
      %add3A_229 = arith.addi %while3A_195, %reduce_max3A_228 : i32
      scf.yield %add3A_229 : i32
    }
    %broadcast_in_dim3A_51 = arith.constant 0 : i32
    %broadcast_in_dim3A_52 = vector.broadcast %broadcast_in_dim3A_51 : i32 to vector<16xi32>
    %broadcast_in_dim3A_53 = vector.broadcast %while3A_50 : i32 to vector<16xi32>
    tpu.vector_store_idx %arg11[%broadcast_in_dim3A_52], %broadcast_in_dim3A_53 masked %eq3A : memref<16xi32, #tpu.memory_space<vmem>>[vector<16xi32>], vector<16xi32>, vector<16xi1>
    %broadcast_in_dim3A_54 = arith.constant 1 : i32
    %broadcast_in_dim3A_55 = vector.broadcast %broadcast_in_dim3A_54 : i32 to vector<16xi32>
    %broadcast_in_dim3A_56 = vector.broadcast %while3A_50 : i32 to vector<16xi32>
    tpu.vector_store_idx %arg10[%broadcast_in_dim3A_55], %broadcast_in_dim3A_56 masked %eq3A : memref<16xi32, #tpu.memory_space<vmem>>[vector<16xi32>], vector<16xi32>, vector<16xi1>
    %while3A_57 = arith.constant 0 : i32
    %while3A_58 = arith.subi %div3A_34, %while3A_57 : i32
    %while3A_59 = arith.addi %while3A_57, %while3A_58 : i32
    %while3A_60 = arith.constant 1 : i32
    %while3A_61 = arith.divsi %while3A_58, %while3A_60 : i32
    %while3A_62 = arith.muli %while3A_61, %while3A_60 : i32
    %while3A_63 = arith.addi %while3A_57, %while3A_62 : i32
    %while3A_64 = arith.constant 1 : i32
    %while3A_65 = scf.for %while3A_194 = %while3A_57 to %while3A_63 step %while3A_64 iter_args(%while3A_195 = %while3A_50) -> (i32)  : i32 {
      %mul3A_196 = arith.constant 16 : i32
      %mul3A_197 = arith.muli %while3A_194, %mul3A_196 : i32
      %add3A_198 = vector.broadcast %mul3A_197 : i32 to vector<16xi32>
      %add3A_199 = arith.addi %add3A_198, %iota3A : vector<16xi32>
      %gather3A = tpu.vector_load_idx %arg6[%add3A_199] : memref<16384xi32, #tpu.memory_space<vmem>>[vector<16xi32>], vector<16xi32>,
      %gather3A_200 = tpu.vector_load_idx %arg7[%add3A_199] : memref<16384xi32, #tpu.memory_space<vmem>>[vector<16xi32>], vector<16xi32>,
      %shift_right_logical3A = arith.constant 7 : i32
      %shift_right_logical3A_201 = vector.broadcast %shift_right_logical3A : i32 to vector<16xi32>
      %shift_right_logical3A_202 = arith.shrui %gather3A, %shift_right_logical3A_201 : vector<16xi32>
      %sub3A_203 = arith.subi %shift_right_logical3A_202, %broadcast_in_dim3A_10 : vector<16xi32>
      %shift_right_logical3A_204 = arith.constant 5 : i32
      %shift_right_logical3A_205 = vector.broadcast %shift_right_logical3A_204 : i32 to vector<16xi32>
      %shift_right_logical3A_206 = arith.shrui %sub3A_203, %shift_right_logical3A_205 : vector<16xi32>
      %broadcast_in_dim3A_207 = arith.constant 1 : i32
      %broadcast_in_dim3A_208 = vector.broadcast %broadcast_in_dim3A_207 : i32 to vector<16xi32>
      %eq3A_209 = arith.cmpi eq, %shift_right_logical3A_206, %broadcast_in_dim3A_208 : vector<16xi32>
      %lt3A_210 = arith.cmpi slt, %add3A_199, %broadcast_in_dim3A_35 : vector<16xi32>
      %and3A_211 = arith.andi %eq3A_209, %lt3A_210 : vector<16xi1>
      %jit3A_212 = arith.constant 1 : i32
      %jit3A_213 = arith.constant 0 : i32
      %broadcast_in_dim3A_214 = vector.broadcast %jit3A_212 : i32 to vector<16xi32>
      %broadcast_in_dim3A_215 = vector.broadcast %jit3A_213 : i32 to vector<16xi32>
      %select_n3A_216 = arith.select %and3A_211, %broadcast_in_dim3A_214, %broadcast_in_dim3A_215 : vector<16xi1>, vector<16xi32>
      %broadcast_in_dim3A_217 = arith.constant true
      %broadcast_in_dim3A_218 = vector.broadcast %broadcast_in_dim3A_217 : i1 to vector<16xi1>
      %masked_cumsum3A = tpu.scan <sum>, %select_n3A_216 masked %broadcast_in_dim3A_218 : vector<16xi32>, vector<16xi1> -> vector<16xi32>
      %broadcast_in_dim3A_219 = vector.broadcast %while3A_195 : i32 to vector<16xi32>
      %add3A_220 = arith.addi %broadcast_in_dim3A_219, %masked_cumsum3A : vector<16xi32>
      %sub3A_221 = arith.subi %add3A_220, %select_n3A_216 : vector<16xi32>
      tpu.vector_store_idx %arg8[%sub3A_221], %gather3A masked %and3A_211 : memref<16384xi32, #tpu.memory_space<vmem>>[vector<16xi32>], vector<16xi32>, vector<16xi1>
      tpu.vector_store_idx %arg9[%sub3A_221], %gather3A_200 masked %and3A_211 : memref<16384xi32, #tpu.memory_space<vmem>>[vector<16xi32>], vector<16xi32>, vector<16xi1>
      %reduce_max3A = arith.constant true
      %reduce_max3A_222 = vector.broadcast %reduce_max3A : i1 to vector<16xi1>
      %reduce_max3A_223 = arith.constant -2147483648 : i32
      %reduce_max3A_224 = vector.broadcast %reduce_max3A_223 : i32 to vector<16xi32>
      %reduce_max3A_225 = arith.xori %masked_cumsum3A, %reduce_max3A_224 : vector<16xi32>
      %reduce_max3A_226 = tpu.scan <max>, %reduce_max3A_225 masked %reduce_max3A_222 : vector<16xi32>, vector<16xi1> -> vector<16xi32>
      %reduce_max3A_227 = arith.xori %reduce_max3A_226, %reduce_max3A_224 : vector<16xi32>
      %reduce_max3A_228 = vector.extract %reduce_max3A_227[15] : i32 from vector<16xi32>
      %add3A_229 = arith.addi %while3A_195, %reduce_max3A_228 : i32
      scf.yield %add3A_229 : i32
    }
    %while3A_66 = arith.constant 1 : i32
    %while3A_67 = scf.for %while3A_194 = %while3A_63 to %while3A_59 step %while3A_66 iter_args(%while3A_195 = %while3A_65) -> (i32)  : i32 {
      %mul3A_196 = arith.constant 16 : i32
      %mul3A_197 = arith.muli %while3A_194, %mul3A_196 : i32
      %add3A_198 = vector.broadcast %mul3A_197 : i32 to vector<16xi32>
      %add3A_199 = arith.addi %add3A_198, %iota3A : vector<16xi32>
      %gather3A = tpu.vector_load_idx %arg6[%add3A_199] : memref<16384xi32, #tpu.memory_space<vmem>>[vector<16xi32>], vector<16xi32>,
      %gather3A_200 = tpu.vector_load_idx %arg7[%add3A_199] : memref<16384xi32, #tpu.memory_space<vmem>>[vector<16xi32>], vector<16xi32>,
      %shift_right_logical3A = arith.constant 7 : i32
      %shift_right_logical3A_201 = vector.broadcast %shift_right_logical3A : i32 to vector<16xi32>
      %shift_right_logical3A_202 = arith.shrui %gather3A, %shift_right_logical3A_201 : vector<16xi32>
      %sub3A_203 = arith.subi %shift_right_logical3A_202, %broadcast_in_dim3A_10 : vector<16xi32>
      %shift_right_logical3A_204 = arith.constant 5 : i32
      %shift_right_logical3A_205 = vector.broadcast %shift_right_logical3A_204 : i32 to vector<16xi32>
      %shift_right_logical3A_206 = arith.shrui %sub3A_203, %shift_right_logical3A_205 : vector<16xi32>
      %broadcast_in_dim3A_207 = arith.constant 1 : i32
      %broadcast_in_dim3A_208 = vector.broadcast %broadcast_in_dim3A_207 : i32 to vector<16xi32>
      %eq3A_209 = arith.cmpi eq, %shift_right_logical3A_206, %broadcast_in_dim3A_208 : vector<16xi32>
      %lt3A_210 = arith.cmpi slt, %add3A_199, %broadcast_in_dim3A_35 : vector<16xi32>
      %and3A_211 = arith.andi %eq3A_209, %lt3A_210 : vector<16xi1>
      %jit3A_212 = arith.constant 1 : i32
      %jit3A_213 = arith.constant 0 : i32
      %broadcast_in_dim3A_214 = vector.broadcast %jit3A_212 : i32 to vector<16xi32>
      %broadcast_in_dim3A_215 = vector.broadcast %jit3A_213 : i32 to vector<16xi32>
      %select_n3A_216 = arith.select %and3A_211, %broadcast_in_dim3A_214, %broadcast_in_dim3A_215 : vector<16xi1>, vector<16xi32>
      %broadcast_in_dim3A_217 = arith.constant true
      %broadcast_in_dim3A_218 = vector.broadcast %broadcast_in_dim3A_217 : i1 to vector<16xi1>
      %masked_cumsum3A = tpu.scan <sum>, %select_n3A_216 masked %broadcast_in_dim3A_218 : vector<16xi32>, vector<16xi1> -> vector<16xi32>
      %broadcast_in_dim3A_219 = vector.broadcast %while3A_195 : i32 to vector<16xi32>
      %add3A_220 = arith.addi %broadcast_in_dim3A_219, %masked_cumsum3A : vector<16xi32>
      %sub3A_221 = arith.subi %add3A_220, %select_n3A_216 : vector<16xi32>
      tpu.vector_store_idx %arg8[%sub3A_221], %gather3A masked %and3A_211 : memref<16384xi32, #tpu.memory_space<vmem>>[vector<16xi32>], vector<16xi32>, vector<16xi1>
      tpu.vector_store_idx %arg9[%sub3A_221], %gather3A_200 masked %and3A_211 : memref<16384xi32, #tpu.memory_space<vmem>>[vector<16xi32>], vector<16xi32>, vector<16xi1>
      %reduce_max3A = arith.constant true
      %reduce_max3A_222 = vector.broadcast %reduce_max3A : i1 to vector<16xi1>
      %reduce_max3A_223 = arith.constant -2147483648 : i32
      %reduce_max3A_224 = vector.broadcast %reduce_max3A_223 : i32 to vector<16xi32>
      %reduce_max3A_225 = arith.xori %masked_cumsum3A, %reduce_max3A_224 : vector<16xi32>
      %reduce_max3A_226 = tpu.scan <max>, %reduce_max3A_225 masked %reduce_max3A_222 : vector<16xi32>, vector<16xi1> -> vector<16xi32>
      %reduce_max3A_227 = arith.xori %reduce_max3A_226, %reduce_max3A_224 : vector<16xi32>
      %reduce_max3A_228 = vector.extract %reduce_max3A_227[15] : i32 from vector<16xi32>
      %add3A_229 = arith.addi %while3A_195, %reduce_max3A_228 : i32
      scf.yield %add3A_229 : i32
    }
    %broadcast_in_dim3A_68 = arith.constant 1 : i32
    %broadcast_in_dim3A_69 = vector.broadcast %broadcast_in_dim3A_68 : i32 to vector<16xi32>
    %broadcast_in_dim3A_70 = vector.broadcast %while3A_67 : i32 to vector<16xi32>
    tpu.vector_store_idx %arg11[%broadcast_in_dim3A_69], %broadcast_in_dim3A_70 masked %eq3A : memref<16xi32, #tpu.memory_space<vmem>>[vector<16xi32>], vector<16xi32>, vector<16xi1>
    %broadcast_in_dim3A_71 = arith.constant 2 : i32
    %broadcast_in_dim3A_72 = vector.broadcast %broadcast_in_dim3A_71 : i32 to vector<16xi32>
    %broadcast_in_dim3A_73 = vector.broadcast %while3A_67 : i32 to vector<16xi32>
    tpu.vector_store_idx %arg10[%broadcast_in_dim3A_72], %broadcast_in_dim3A_73 masked %eq3A : memref<16xi32, #tpu.memory_space<vmem>>[vector<16xi32>], vector<16xi32>, vector<16xi1>
    %while3A_74 = arith.constant 0 : i32
    %while3A_75 = arith.subi %div3A_34, %while3A_74 : i32
    %while3A_76 = arith.addi %while3A_74, %while3A_75 : i32
    %while3A_77 = arith.constant 1 : i32
    %while3A_78 = arith.divsi %while3A_75, %while3A_77 : i32
    %while3A_79 = arith.muli %while3A_78, %while3A_77 : i32
    %while3A_80 = arith.addi %while3A_74, %while3A_79 : i32
    %while3A_81 = arith.constant 1 : i32
    %while3A_82 = scf.for %while3A_194 = %while3A_74 to %while3A_80 step %while3A_81 iter_args(%while3A_195 = %while3A_67) -> (i32)  : i32 {
      %mul3A_196 = arith.constant 16 : i32
      %mul3A_197 = arith.muli %while3A_194, %mul3A_196 : i32
      %add3A_198 = vector.broadcast %mul3A_197 : i32 to vector<16xi32>
      %add3A_199 = arith.addi %add3A_198, %iota3A : vector<16xi32>
      %gather3A = tpu.vector_load_idx %arg6[%add3A_199] : memref<16384xi32, #tpu.memory_space<vmem>>[vector<16xi32>], vector<16xi32>,
      %gather3A_200 = tpu.vector_load_idx %arg7[%add3A_199] : memref<16384xi32, #tpu.memory_space<vmem>>[vector<16xi32>], vector<16xi32>,
      %shift_right_logical3A = arith.constant 7 : i32
      %shift_right_logical3A_201 = vector.broadcast %shift_right_logical3A : i32 to vector<16xi32>
      %shift_right_logical3A_202 = arith.shrui %gather3A, %shift_right_logical3A_201 : vector<16xi32>
      %sub3A_203 = arith.subi %shift_right_logical3A_202, %broadcast_in_dim3A_10 : vector<16xi32>
      %shift_right_logical3A_204 = arith.constant 5 : i32
      %shift_right_logical3A_205 = vector.broadcast %shift_right_logical3A_204 : i32 to vector<16xi32>
      %shift_right_logical3A_206 = arith.shrui %sub3A_203, %shift_right_logical3A_205 : vector<16xi32>
      %broadcast_in_dim3A_207 = arith.constant 2 : i32
      %broadcast_in_dim3A_208 = vector.broadcast %broadcast_in_dim3A_207 : i32 to vector<16xi32>
      %eq3A_209 = arith.cmpi eq, %shift_right_logical3A_206, %broadcast_in_dim3A_208 : vector<16xi32>
      %lt3A_210 = arith.cmpi slt, %add3A_199, %broadcast_in_dim3A_35 : vector<16xi32>
      %and3A_211 = arith.andi %eq3A_209, %lt3A_210 : vector<16xi1>
      %jit3A_212 = arith.constant 1 : i32
      %jit3A_213 = arith.constant 0 : i32
      %broadcast_in_dim3A_214 = vector.broadcast %jit3A_212 : i32 to vector<16xi32>
      %broadcast_in_dim3A_215 = vector.broadcast %jit3A_213 : i32 to vector<16xi32>
      %select_n3A_216 = arith.select %and3A_211, %broadcast_in_dim3A_214, %broadcast_in_dim3A_215 : vector<16xi1>, vector<16xi32>
      %broadcast_in_dim3A_217 = arith.constant true
      %broadcast_in_dim3A_218 = vector.broadcast %broadcast_in_dim3A_217 : i1 to vector<16xi1>
      %masked_cumsum3A = tpu.scan <sum>, %select_n3A_216 masked %broadcast_in_dim3A_218 : vector<16xi32>, vector<16xi1> -> vector<16xi32>
      %broadcast_in_dim3A_219 = vector.broadcast %while3A_195 : i32 to vector<16xi32>
      %add3A_220 = arith.addi %broadcast_in_dim3A_219, %masked_cumsum3A : vector<16xi32>
      %sub3A_221 = arith.subi %add3A_220, %select_n3A_216 : vector<16xi32>
      tpu.vector_store_idx %arg8[%sub3A_221], %gather3A masked %and3A_211 : memref<16384xi32, #tpu.memory_space<vmem>>[vector<16xi32>], vector<16xi32>, vector<16xi1>
      tpu.vector_store_idx %arg9[%sub3A_221], %gather3A_200 masked %and3A_211 : memref<16384xi32, #tpu.memory_space<vmem>>[vector<16xi32>], vector<16xi32>, vector<16xi1>
      %reduce_max3A = arith.constant true
      %reduce_max3A_222 = vector.broadcast %reduce_max3A : i1 to vector<16xi1>
      %reduce_max3A_223 = arith.constant -2147483648 : i32
      %reduce_max3A_224 = vector.broadcast %reduce_max3A_223 : i32 to vector<16xi32>
      %reduce_max3A_225 = arith.xori %masked_cumsum3A, %reduce_max3A_224 : vector<16xi32>
      %reduce_max3A_226 = tpu.scan <max>, %reduce_max3A_225 masked %reduce_max3A_222 : vector<16xi32>, vector<16xi1> -> vector<16xi32>
      %reduce_max3A_227 = arith.xori %reduce_max3A_226, %reduce_max3A_224 : vector<16xi32>
      %reduce_max3A_228 = vector.extract %reduce_max3A_227[15] : i32 from vector<16xi32>
      %add3A_229 = arith.addi %while3A_195, %reduce_max3A_228 : i32
      scf.yield %add3A_229 : i32
    }
    %while3A_83 = arith.constant 1 : i32
    %while3A_84 = scf.for %while3A_194 = %while3A_80 to %while3A_76 step %while3A_83 iter_args(%while3A_195 = %while3A_82) -> (i32)  : i32 {
      %mul3A_196 = arith.constant 16 : i32
      %mul3A_197 = arith.muli %while3A_194, %mul3A_196 : i32
      %add3A_198 = vector.broadcast %mul3A_197 : i32 to vector<16xi32>
      %add3A_199 = arith.addi %add3A_198, %iota3A : vector<16xi32>
      %gather3A = tpu.vector_load_idx %arg6[%add3A_199] : memref<16384xi32, #tpu.memory_space<vmem>>[vector<16xi32>], vector<16xi32>,
      %gather3A_200 = tpu.vector_load_idx %arg7[%add3A_199] : memref<16384xi32, #tpu.memory_space<vmem>>[vector<16xi32>], vector<16xi32>,
      %shift_right_logical3A = arith.constant 7 : i32
      %shift_right_logical3A_201 = vector.broadcast %shift_right_logical3A : i32 to vector<16xi32>
      %shift_right_logical3A_202 = arith.shrui %gather3A, %shift_right_logical3A_201 : vector<16xi32>
      %sub3A_203 = arith.subi %shift_right_logical3A_202, %broadcast_in_dim3A_10 : vector<16xi32>
      %shift_right_logical3A_204 = arith.constant 5 : i32
      %shift_right_logical3A_205 = vector.broadcast %shift_right_logical3A_204 : i32 to vector<16xi32>
      %shift_right_logical3A_206 = arith.shrui %sub3A_203, %shift_right_logical3A_205 : vector<16xi32>
      %broadcast_in_dim3A_207 = arith.constant 2 : i32
      %broadcast_in_dim3A_208 = vector.broadcast %broadcast_in_dim3A_207 : i32 to vector<16xi32>
      %eq3A_209 = arith.cmpi eq, %shift_right_logical3A_206, %broadcast_in_dim3A_208 : vector<16xi32>
      %lt3A_210 = arith.cmpi slt, %add3A_199, %broadcast_in_dim3A_35 : vector<16xi32>
      %and3A_211 = arith.andi %eq3A_209, %lt3A_210 : vector<16xi1>
      %jit3A_212 = arith.constant 1 : i32
      %jit3A_213 = arith.constant 0 : i32
      %broadcast_in_dim3A_214 = vector.broadcast %jit3A_212 : i32 to vector<16xi32>
      %broadcast_in_dim3A_215 = vector.broadcast %jit3A_213 : i32 to vector<16xi32>
      %select_n3A_216 = arith.select %and3A_211, %broadcast_in_dim3A_214, %broadcast_in_dim3A_215 : vector<16xi1>, vector<16xi32>
      %broadcast_in_dim3A_217 = arith.constant true
      %broadcast_in_dim3A_218 = vector.broadcast %broadcast_in_dim3A_217 : i1 to vector<16xi1>
      %masked_cumsum3A = tpu.scan <sum>, %select_n3A_216 masked %broadcast_in_dim3A_218 : vector<16xi32>, vector<16xi1> -> vector<16xi32>
      %broadcast_in_dim3A_219 = vector.broadcast %while3A_195 : i32 to vector<16xi32>
      %add3A_220 = arith.addi %broadcast_in_dim3A_219, %masked_cumsum3A : vector<16xi32>
      %sub3A_221 = arith.subi %add3A_220, %select_n3A_216 : vector<16xi32>
      tpu.vector_store_idx %arg8[%sub3A_221], %gather3A masked %and3A_211 : memref<16384xi32, #tpu.memory_space<vmem>>[vector<16xi32>], vector<16xi32>, vector<16xi1>
      tpu.vector_store_idx %arg9[%sub3A_221], %gather3A_200 masked %and3A_211 : memref<16384xi32, #tpu.memory_space<vmem>>[vector<16xi32>], vector<16xi32>, vector<16xi1>
      %reduce_max3A = arith.constant true
      %reduce_max3A_222 = vector.broadcast %reduce_max3A : i1 to vector<16xi1>
      %reduce_max3A_223 = arith.constant -2147483648 : i32
      %reduce_max3A_224 = vector.broadcast %reduce_max3A_223 : i32 to vector<16xi32>
      %reduce_max3A_225 = arith.xori %masked_cumsum3A, %reduce_max3A_224 : vector<16xi32>
      %reduce_max3A_226 = tpu.scan <max>, %reduce_max3A_225 masked %reduce_max3A_222 : vector<16xi32>, vector<16xi1> -> vector<16xi32>
      %reduce_max3A_227 = arith.xori %reduce_max3A_226, %reduce_max3A_224 : vector<16xi32>
      %reduce_max3A_228 = vector.extract %reduce_max3A_227[15] : i32 from vector<16xi32>
      %add3A_229 = arith.addi %while3A_195, %reduce_max3A_228 : i32
      scf.yield %add3A_229 : i32
    }
    %broadcast_in_dim3A_85 = arith.constant 2 : i32
    %broadcast_in_dim3A_86 = vector.broadcast %broadcast_in_dim3A_85 : i32 to vector<16xi32>
    %broadcast_in_dim3A_87 = vector.broadcast %while3A_84 : i32 to vector<16xi32>
    tpu.vector_store_idx %arg11[%broadcast_in_dim3A_86], %broadcast_in_dim3A_87 masked %eq3A : memref<16xi32, #tpu.memory_space<vmem>>[vector<16xi32>], vector<16xi32>, vector<16xi1>
    %broadcast_in_dim3A_88 = arith.constant 3 : i32
    %broadcast_in_dim3A_89 = vector.broadcast %broadcast_in_dim3A_88 : i32 to vector<16xi32>
    %broadcast_in_dim3A_90 = vector.broadcast %while3A_84 : i32 to vector<16xi32>
    tpu.vector_store_idx %arg10[%broadcast_in_dim3A_89], %broadcast_in_dim3A_90 masked %eq3A : memref<16xi32, #tpu.memory_space<vmem>>[vector<16xi32>], vector<16xi32>, vector<16xi1>
    %while3A_91 = arith.constant 0 : i32
    %while3A_92 = arith.subi %div3A_34, %while3A_91 : i32
    %while3A_93 = arith.addi %while3A_91, %while3A_92 : i32
    %while3A_94 = arith.constant 1 : i32
    %while3A_95 = arith.divsi %while3A_92, %while3A_94 : i32
    %while3A_96 = arith.muli %while3A_95, %while3A_94 : i32
    %while3A_97 = arith.addi %while3A_91, %while3A_96 : i32
    %while3A_98 = arith.constant 1 : i32
    %while3A_99 = scf.for %while3A_194 = %while3A_91 to %while3A_97 step %while3A_98 iter_args(%while3A_195 = %while3A_84) -> (i32)  : i32 {
      %mul3A_196 = arith.constant 16 : i32
      %mul3A_197 = arith.muli %while3A_194, %mul3A_196 : i32
      %add3A_198 = vector.broadcast %mul3A_197 : i32 to vector<16xi32>
      %add3A_199 = arith.addi %add3A_198, %iota3A : vector<16xi32>
      %gather3A = tpu.vector_load_idx %arg6[%add3A_199] : memref<16384xi32, #tpu.memory_space<vmem>>[vector<16xi32>], vector<16xi32>,
      %gather3A_200 = tpu.vector_load_idx %arg7[%add3A_199] : memref<16384xi32, #tpu.memory_space<vmem>>[vector<16xi32>], vector<16xi32>,
      %shift_right_logical3A = arith.constant 7 : i32
      %shift_right_logical3A_201 = vector.broadcast %shift_right_logical3A : i32 to vector<16xi32>
      %shift_right_logical3A_202 = arith.shrui %gather3A, %shift_right_logical3A_201 : vector<16xi32>
      %sub3A_203 = arith.subi %shift_right_logical3A_202, %broadcast_in_dim3A_10 : vector<16xi32>
      %shift_right_logical3A_204 = arith.constant 5 : i32
      %shift_right_logical3A_205 = vector.broadcast %shift_right_logical3A_204 : i32 to vector<16xi32>
      %shift_right_logical3A_206 = arith.shrui %sub3A_203, %shift_right_logical3A_205 : vector<16xi32>
      %broadcast_in_dim3A_207 = arith.constant 3 : i32
      %broadcast_in_dim3A_208 = vector.broadcast %broadcast_in_dim3A_207 : i32 to vector<16xi32>
      %eq3A_209 = arith.cmpi eq, %shift_right_logical3A_206, %broadcast_in_dim3A_208 : vector<16xi32>
      %lt3A_210 = arith.cmpi slt, %add3A_199, %broadcast_in_dim3A_35 : vector<16xi32>
      %and3A_211 = arith.andi %eq3A_209, %lt3A_210 : vector<16xi1>
      %jit3A_212 = arith.constant 1 : i32
      %jit3A_213 = arith.constant 0 : i32
      %broadcast_in_dim3A_214 = vector.broadcast %jit3A_212 : i32 to vector<16xi32>
      %broadcast_in_dim3A_215 = vector.broadcast %jit3A_213 : i32 to vector<16xi32>
      %select_n3A_216 = arith.select %and3A_211, %broadcast_in_dim3A_214, %broadcast_in_dim3A_215 : vector<16xi1>, vector<16xi32>
      %broadcast_in_dim3A_217 = arith.constant true
      %broadcast_in_dim3A_218 = vector.broadcast %broadcast_in_dim3A_217 : i1 to vector<16xi1>
      %masked_cumsum3A = tpu.scan <sum>, %select_n3A_216 masked %broadcast_in_dim3A_218 : vector<16xi32>, vector<16xi1> -> vector<16xi32>
      %broadcast_in_dim3A_219 = vector.broadcast %while3A_195 : i32 to vector<16xi32>
      %add3A_220 = arith.addi %broadcast_in_dim3A_219, %masked_cumsum3A : vector<16xi32>
      %sub3A_221 = arith.subi %add3A_220, %select_n3A_216 : vector<16xi32>
      tpu.vector_store_idx %arg8[%sub3A_221], %gather3A masked %and3A_211 : memref<16384xi32, #tpu.memory_space<vmem>>[vector<16xi32>], vector<16xi32>, vector<16xi1>
      tpu.vector_store_idx %arg9[%sub3A_221], %gather3A_200 masked %and3A_211 : memref<16384xi32, #tpu.memory_space<vmem>>[vector<16xi32>], vector<16xi32>, vector<16xi1>
      %reduce_max3A = arith.constant true
      %reduce_max3A_222 = vector.broadcast %reduce_max3A : i1 to vector<16xi1>
      %reduce_max3A_223 = arith.constant -2147483648 : i32
      %reduce_max3A_224 = vector.broadcast %reduce_max3A_223 : i32 to vector<16xi32>
      %reduce_max3A_225 = arith.xori %masked_cumsum3A, %reduce_max3A_224 : vector<16xi32>
      %reduce_max3A_226 = tpu.scan <max>, %reduce_max3A_225 masked %reduce_max3A_222 : vector<16xi32>, vector<16xi1> -> vector<16xi32>
      %reduce_max3A_227 = arith.xori %reduce_max3A_226, %reduce_max3A_224 : vector<16xi32>
      %reduce_max3A_228 = vector.extract %reduce_max3A_227[15] : i32 from vector<16xi32>
      %add3A_229 = arith.addi %while3A_195, %reduce_max3A_228 : i32
      scf.yield %add3A_229 : i32
    }
    %while3A_100 = arith.constant 1 : i32
    %while3A_101 = scf.for %while3A_194 = %while3A_97 to %while3A_93 step %while3A_100 iter_args(%while3A_195 = %while3A_99) -> (i32)  : i32 {
      %mul3A_196 = arith.constant 16 : i32
      %mul3A_197 = arith.muli %while3A_194, %mul3A_196 : i32
      %add3A_198 = vector.broadcast %mul3A_197 : i32 to vector<16xi32>
      %add3A_199 = arith.addi %add3A_198, %iota3A : vector<16xi32>
      %gather3A = tpu.vector_load_idx %arg6[%add3A_199] : memref<16384xi32, #tpu.memory_space<vmem>>[vector<16xi32>], vector<16xi32>,
      %gather3A_200 = tpu.vector_load_idx %arg7[%add3A_199] : memref<16384xi32, #tpu.memory_space<vmem>>[vector<16xi32>], vector<16xi32>,
      %shift_right_logical3A = arith.constant 7 : i32
      %shift_right_logical3A_201 = vector.broadcast %shift_right_logical3A : i32 to vector<16xi32>
      %shift_right_logical3A_202 = arith.shrui %gather3A, %shift_right_logical3A_201 : vector<16xi32>
      %sub3A_203 = arith.subi %shift_right_logical3A_202, %broadcast_in_dim3A_10 : vector<16xi32>
      %shift_right_logical3A_204 = arith.constant 5 : i32
      %shift_right_logical3A_205 = vector.broadcast %shift_right_logical3A_204 : i32 to vector<16xi32>
      %shift_right_logical3A_206 = arith.shrui %sub3A_203, %shift_right_logical3A_205 : vector<16xi32>
      %broadcast_in_dim3A_207 = arith.constant 3 : i32
      %broadcast_in_dim3A_208 = vector.broadcast %broadcast_in_dim3A_207 : i32 to vector<16xi32>
      %eq3A_209 = arith.cmpi eq, %shift_right_logical3A_206, %broadcast_in_dim3A_208 : vector<16xi32>
      %lt3A_210 = arith.cmpi slt, %add3A_199, %broadcast_in_dim3A_35 : vector<16xi32>
      %and3A_211 = arith.andi %eq3A_209, %lt3A_210 : vector<16xi1>
      %jit3A_212 = arith.constant 1 : i32
      %jit3A_213 = arith.constant 0 : i32
      %broadcast_in_dim3A_214 = vector.broadcast %jit3A_212 : i32 to vector<16xi32>
      %broadcast_in_dim3A_215 = vector.broadcast %jit3A_213 : i32 to vector<16xi32>
      %select_n3A_216 = arith.select %and3A_211, %broadcast_in_dim3A_214, %broadcast_in_dim3A_215 : vector<16xi1>, vector<16xi32>
      %broadcast_in_dim3A_217 = arith.constant true
      %broadcast_in_dim3A_218 = vector.broadcast %broadcast_in_dim3A_217 : i1 to vector<16xi1>
      %masked_cumsum3A = tpu.scan <sum>, %select_n3A_216 masked %broadcast_in_dim3A_218 : vector<16xi32>, vector<16xi1> -> vector<16xi32>
      %broadcast_in_dim3A_219 = vector.broadcast %while3A_195 : i32 to vector<16xi32>
      %add3A_220 = arith.addi %broadcast_in_dim3A_219, %masked_cumsum3A : vector<16xi32>
      %sub3A_221 = arith.subi %add3A_220, %select_n3A_216 : vector<16xi32>
      tpu.vector_store_idx %arg8[%sub3A_221], %gather3A masked %and3A_211 : memref<16384xi32, #tpu.memory_space<vmem>>[vector<16xi32>], vector<16xi32>, vector<16xi1>
      tpu.vector_store_idx %arg9[%sub3A_221], %gather3A_200 masked %and3A_211 : memref<16384xi32, #tpu.memory_space<vmem>>[vector<16xi32>], vector<16xi32>, vector<16xi1>
      %reduce_max3A = arith.constant true
      %reduce_max3A_222 = vector.broadcast %reduce_max3A : i1 to vector<16xi1>
      %reduce_max3A_223 = arith.constant -2147483648 : i32
      %reduce_max3A_224 = vector.broadcast %reduce_max3A_223 : i32 to vector<16xi32>
      %reduce_max3A_225 = arith.xori %masked_cumsum3A, %reduce_max3A_224 : vector<16xi32>
      %reduce_max3A_226 = tpu.scan <max>, %reduce_max3A_225 masked %reduce_max3A_222 : vector<16xi32>, vector<16xi1> -> vector<16xi32>
      %reduce_max3A_227 = arith.xori %reduce_max3A_226, %reduce_max3A_224 : vector<16xi32>
      %reduce_max3A_228 = vector.extract %reduce_max3A_227[15] : i32 from vector<16xi32>
      %add3A_229 = arith.addi %while3A_195, %reduce_max3A_228 : i32
      scf.yield %add3A_229 : i32
    }
    %broadcast_in_dim3A_102 = arith.constant 3 : i32
    %broadcast_in_dim3A_103 = vector.broadcast %broadcast_in_dim3A_102 : i32 to vector<16xi32>
    %broadcast_in_dim3A_104 = vector.broadcast %while3A_101 : i32 to vector<16xi32>
    tpu.vector_store_idx %arg11[%broadcast_in_dim3A_103], %broadcast_in_dim3A_104 masked %eq3A : memref<16xi32, #tpu.memory_space<vmem>>[vector<16xi32>], vector<16xi32>, vector<16xi1>
    %broadcast_in_dim3A_105 = arith.constant 4 : i32
    %broadcast_in_dim3A_106 = vector.broadcast %broadcast_in_dim3A_105 : i32 to vector<16xi32>
    %broadcast_in_dim3A_107 = vector.broadcast %while3A_101 : i32 to vector<16xi32>
    tpu.vector_store_idx %arg10[%broadcast_in_dim3A_106], %broadcast_in_dim3A_107 masked %eq3A : memref<16xi32, #tpu.memory_space<vmem>>[vector<16xi32>], vector<16xi32>, vector<16xi1>
    %while3A_108 = arith.constant 0 : i32
    %while3A_109 = arith.subi %div3A_34, %while3A_108 : i32
    %while3A_110 = arith.addi %while3A_108, %while3A_109 : i32
    %while3A_111 = arith.constant 1 : i32
    %while3A_112 = arith.divsi %while3A_109, %while3A_111 : i32
    %while3A_113 = arith.muli %while3A_112, %while3A_111 : i32
    %while3A_114 = arith.addi %while3A_108, %while3A_113 : i32
    %while3A_115 = arith.constant 1 : i32
    %while3A_116 = scf.for %while3A_194 = %while3A_108 to %while3A_114 step %while3A_115 iter_args(%while3A_195 = %while3A_101) -> (i32)  : i32 {
      %mul3A_196 = arith.constant 16 : i32
      %mul3A_197 = arith.muli %while3A_194, %mul3A_196 : i32
      %add3A_198 = vector.broadcast %mul3A_197 : i32 to vector<16xi32>
      %add3A_199 = arith.addi %add3A_198, %iota3A : vector<16xi32>
      %gather3A = tpu.vector_load_idx %arg6[%add3A_199] : memref<16384xi32, #tpu.memory_space<vmem>>[vector<16xi32>], vector<16xi32>,
      %gather3A_200 = tpu.vector_load_idx %arg7[%add3A_199] : memref<16384xi32, #tpu.memory_space<vmem>>[vector<16xi32>], vector<16xi32>,
      %shift_right_logical3A = arith.constant 7 : i32
      %shift_right_logical3A_201 = vector.broadcast %shift_right_logical3A : i32 to vector<16xi32>
      %shift_right_logical3A_202 = arith.shrui %gather3A, %shift_right_logical3A_201 : vector<16xi32>
      %sub3A_203 = arith.subi %shift_right_logical3A_202, %broadcast_in_dim3A_10 : vector<16xi32>
      %shift_right_logical3A_204 = arith.constant 5 : i32
      %shift_right_logical3A_205 = vector.broadcast %shift_right_logical3A_204 : i32 to vector<16xi32>
      %shift_right_logical3A_206 = arith.shrui %sub3A_203, %shift_right_logical3A_205 : vector<16xi32>
      %broadcast_in_dim3A_207 = arith.constant 4 : i32
      %broadcast_in_dim3A_208 = vector.broadcast %broadcast_in_dim3A_207 : i32 to vector<16xi32>
      %eq3A_209 = arith.cmpi eq, %shift_right_logical3A_206, %broadcast_in_dim3A_208 : vector<16xi32>
      %lt3A_210 = arith.cmpi slt, %add3A_199, %broadcast_in_dim3A_35 : vector<16xi32>
      %and3A_211 = arith.andi %eq3A_209, %lt3A_210 : vector<16xi1>
      %jit3A_212 = arith.constant 1 : i32
      %jit3A_213 = arith.constant 0 : i32
      %broadcast_in_dim3A_214 = vector.broadcast %jit3A_212 : i32 to vector<16xi32>
      %broadcast_in_dim3A_215 = vector.broadcast %jit3A_213 : i32 to vector<16xi32>
      %select_n3A_216 = arith.select %and3A_211, %broadcast_in_dim3A_214, %broadcast_in_dim3A_215 : vector<16xi1>, vector<16xi32>
      %broadcast_in_dim3A_217 = arith.constant true
      %broadcast_in_dim3A_218 = vector.broadcast %broadcast_in_dim3A_217 : i1 to vector<16xi1>
      %masked_cumsum3A = tpu.scan <sum>, %select_n3A_216 masked %broadcast_in_dim3A_218 : vector<16xi32>, vector<16xi1> -> vector<16xi32>
      %broadcast_in_dim3A_219 = vector.broadcast %while3A_195 : i32 to vector<16xi32>
      %add3A_220 = arith.addi %broadcast_in_dim3A_219, %masked_cumsum3A : vector<16xi32>
      %sub3A_221 = arith.subi %add3A_220, %select_n3A_216 : vector<16xi32>
      tpu.vector_store_idx %arg8[%sub3A_221], %gather3A masked %and3A_211 : memref<16384xi32, #tpu.memory_space<vmem>>[vector<16xi32>], vector<16xi32>, vector<16xi1>
      tpu.vector_store_idx %arg9[%sub3A_221], %gather3A_200 masked %and3A_211 : memref<16384xi32, #tpu.memory_space<vmem>>[vector<16xi32>], vector<16xi32>, vector<16xi1>
      %reduce_max3A = arith.constant true
      %reduce_max3A_222 = vector.broadcast %reduce_max3A : i1 to vector<16xi1>
      %reduce_max3A_223 = arith.constant -2147483648 : i32
      %reduce_max3A_224 = vector.broadcast %reduce_max3A_223 : i32 to vector<16xi32>
      %reduce_max3A_225 = arith.xori %masked_cumsum3A, %reduce_max3A_224 : vector<16xi32>
      %reduce_max3A_226 = tpu.scan <max>, %reduce_max3A_225 masked %reduce_max3A_222 : vector<16xi32>, vector<16xi1> -> vector<16xi32>
      %reduce_max3A_227 = arith.xori %reduce_max3A_226, %reduce_max3A_224 : vector<16xi32>
      %reduce_max3A_228 = vector.extract %reduce_max3A_227[15] : i32 from vector<16xi32>
      %add3A_229 = arith.addi %while3A_195, %reduce_max3A_228 : i32
      scf.yield %add3A_229 : i32
    }
    %while3A_117 = arith.constant 1 : i32
    %while3A_118 = scf.for %while3A_194 = %while3A_114 to %while3A_110 step %while3A_117 iter_args(%while3A_195 = %while3A_116) -> (i32)  : i32 {
      %mul3A_196 = arith.constant 16 : i32
      %mul3A_197 = arith.muli %while3A_194, %mul3A_196 : i32
      %add3A_198 = vector.broadcast %mul3A_197 : i32 to vector<16xi32>
      %add3A_199 = arith.addi %add3A_198, %iota3A : vector<16xi32>
      %gather3A = tpu.vector_load_idx %arg6[%add3A_199] : memref<16384xi32, #tpu.memory_space<vmem>>[vector<16xi32>], vector<16xi32>,
      %gather3A_200 = tpu.vector_load_idx %arg7[%add3A_199] : memref<16384xi32, #tpu.memory_space<vmem>>[vector<16xi32>], vector<16xi32>,
      %shift_right_logical3A = arith.constant 7 : i32
      %shift_right_logical3A_201 = vector.broadcast %shift_right_logical3A : i32 to vector<16xi32>
      %shift_right_logical3A_202 = arith.shrui %gather3A, %shift_right_logical3A_201 : vector<16xi32>
      %sub3A_203 = arith.subi %shift_right_logical3A_202, %broadcast_in_dim3A_10 : vector<16xi32>
      %shift_right_logical3A_204 = arith.constant 5 : i32
      %shift_right_logical3A_205 = vector.broadcast %shift_right_logical3A_204 : i32 to vector<16xi32>
      %shift_right_logical3A_206 = arith.shrui %sub3A_203, %shift_right_logical3A_205 : vector<16xi32>
      %broadcast_in_dim3A_207 = arith.constant 4 : i32
      %broadcast_in_dim3A_208 = vector.broadcast %broadcast_in_dim3A_207 : i32 to vector<16xi32>
      %eq3A_209 = arith.cmpi eq, %shift_right_logical3A_206, %broadcast_in_dim3A_208 : vector<16xi32>
      %lt3A_210 = arith.cmpi slt, %add3A_199, %broadcast_in_dim3A_35 : vector<16xi32>
      %and3A_211 = arith.andi %eq3A_209, %lt3A_210 : vector<16xi1>
      %jit3A_212 = arith.constant 1 : i32
      %jit3A_213 = arith.constant 0 : i32
      %broadcast_in_dim3A_214 = vector.broadcast %jit3A_212 : i32 to vector<16xi32>
      %broadcast_in_dim3A_215 = vector.broadcast %jit3A_213 : i32 to vector<16xi32>
      %select_n3A_216 = arith.select %and3A_211, %broadcast_in_dim3A_214, %broadcast_in_dim3A_215 : vector<16xi1>, vector<16xi32>
      %broadcast_in_dim3A_217 = arith.constant true
      %broadcast_in_dim3A_218 = vector.broadcast %broadcast_in_dim3A_217 : i1 to vector<16xi1>
      %masked_cumsum3A = tpu.scan <sum>, %select_n3A_216 masked %broadcast_in_dim3A_218 : vector<16xi32>, vector<16xi1> -> vector<16xi32>
      %broadcast_in_dim3A_219 = vector.broadcast %while3A_195 : i32 to vector<16xi32>
      %add3A_220 = arith.addi %broadcast_in_dim3A_219, %masked_cumsum3A : vector<16xi32>
      %sub3A_221 = arith.subi %add3A_220, %select_n3A_216 : vector<16xi32>
      tpu.vector_store_idx %arg8[%sub3A_221], %gather3A masked %and3A_211 : memref<16384xi32, #tpu.memory_space<vmem>>[vector<16xi32>], vector<16xi32>, vector<16xi1>
      tpu.vector_store_idx %arg9[%sub3A_221], %gather3A_200 masked %and3A_211 : memref<16384xi32, #tpu.memory_space<vmem>>[vector<16xi32>], vector<16xi32>, vector<16xi1>
      %reduce_max3A = arith.constant true
      %reduce_max3A_222 = vector.broadcast %reduce_max3A : i1 to vector<16xi1>
      %reduce_max3A_223 = arith.constant -2147483648 : i32
      %reduce_max3A_224 = vector.broadcast %reduce_max3A_223 : i32 to vector<16xi32>
      %reduce_max3A_225 = arith.xori %masked_cumsum3A, %reduce_max3A_224 : vector<16xi32>
      %reduce_max3A_226 = tpu.scan <max>, %reduce_max3A_225 masked %reduce_max3A_222 : vector<16xi32>, vector<16xi1> -> vector<16xi32>
      %reduce_max3A_227 = arith.xori %reduce_max3A_226, %reduce_max3A_224 : vector<16xi32>
      %reduce_max3A_228 = vector.extract %reduce_max3A_227[15] : i32 from vector<16xi32>
      %add3A_229 = arith.addi %while3A_195, %reduce_max3A_228 : i32
      scf.yield %add3A_229 : i32
    }
    %broadcast_in_dim3A_119 = arith.constant 4 : i32
    %broadcast_in_dim3A_120 = vector.broadcast %broadcast_in_dim3A_119 : i32 to vector<16xi32>
    %broadcast_in_dim3A_121 = vector.broadcast %while3A_118 : i32 to vector<16xi32>
    tpu.vector_store_idx %arg11[%broadcast_in_dim3A_120], %broadcast_in_dim3A_121 masked %eq3A : memref<16xi32, #tpu.memory_space<vmem>>[vector<16xi32>], vector<16xi32>, vector<16xi1>
    %broadcast_in_dim3A_122 = arith.constant 5 : i32
    %broadcast_in_dim3A_123 = vector.broadcast %broadcast_in_dim3A_122 : i32 to vector<16xi32>
    %broadcast_in_dim3A_124 = vector.broadcast %while3A_118 : i32 to vector<16xi32>
    tpu.vector_store_idx %arg10[%broadcast_in_dim3A_123], %broadcast_in_dim3A_124 masked %eq3A : memref<16xi32, #tpu.memory_space<vmem>>[vector<16xi32>], vector<16xi32>, vector<16xi1>
    %while3A_125 = arith.constant 0 : i32
    %while3A_126 = arith.subi %div3A_34, %while3A_125 : i32
    %while3A_127 = arith.addi %while3A_125, %while3A_126 : i32
    %while3A_128 = arith.constant 1 : i32
    %while3A_129 = arith.divsi %while3A_126, %while3A_128 : i32
    %while3A_130 = arith.muli %while3A_129, %while3A_128 : i32
    %while3A_131 = arith.addi %while3A_125, %while3A_130 : i32
    %while3A_132 = arith.constant 1 : i32
    %while3A_133 = scf.for %while3A_194 = %while3A_125 to %while3A_131 step %while3A_132 iter_args(%while3A_195 = %while3A_118) -> (i32)  : i32 {
      %mul3A_196 = arith.constant 16 : i32
      %mul3A_197 = arith.muli %while3A_194, %mul3A_196 : i32
      %add3A_198 = vector.broadcast %mul3A_197 : i32 to vector<16xi32>
      %add3A_199 = arith.addi %add3A_198, %iota3A : vector<16xi32>
      %gather3A = tpu.vector_load_idx %arg6[%add3A_199] : memref<16384xi32, #tpu.memory_space<vmem>>[vector<16xi32>], vector<16xi32>,
      %gather3A_200 = tpu.vector_load_idx %arg7[%add3A_199] : memref<16384xi32, #tpu.memory_space<vmem>>[vector<16xi32>], vector<16xi32>,
      %shift_right_logical3A = arith.constant 7 : i32
      %shift_right_logical3A_201 = vector.broadcast %shift_right_logical3A : i32 to vector<16xi32>
      %shift_right_logical3A_202 = arith.shrui %gather3A, %shift_right_logical3A_201 : vector<16xi32>
      %sub3A_203 = arith.subi %shift_right_logical3A_202, %broadcast_in_dim3A_10 : vector<16xi32>
      %shift_right_logical3A_204 = arith.constant 5 : i32
      %shift_right_logical3A_205 = vector.broadcast %shift_right_logical3A_204 : i32 to vector<16xi32>
      %shift_right_logical3A_206 = arith.shrui %sub3A_203, %shift_right_logical3A_205 : vector<16xi32>
      %broadcast_in_dim3A_207 = arith.constant 5 : i32
      %broadcast_in_dim3A_208 = vector.broadcast %broadcast_in_dim3A_207 : i32 to vector<16xi32>
      %eq3A_209 = arith.cmpi eq, %shift_right_logical3A_206, %broadcast_in_dim3A_208 : vector<16xi32>
      %lt3A_210 = arith.cmpi slt, %add3A_199, %broadcast_in_dim3A_35 : vector<16xi32>
      %and3A_211 = arith.andi %eq3A_209, %lt3A_210 : vector<16xi1>
      %jit3A_212 = arith.constant 1 : i32
      %jit3A_213 = arith.constant 0 : i32
      %broadcast_in_dim3A_214 = vector.broadcast %jit3A_212 : i32 to vector<16xi32>
      %broadcast_in_dim3A_215 = vector.broadcast %jit3A_213 : i32 to vector<16xi32>
      %select_n3A_216 = arith.select %and3A_211, %broadcast_in_dim3A_214, %broadcast_in_dim3A_215 : vector<16xi1>, vector<16xi32>
      %broadcast_in_dim3A_217 = arith.constant true
      %broadcast_in_dim3A_218 = vector.broadcast %broadcast_in_dim3A_217 : i1 to vector<16xi1>
      %masked_cumsum3A = tpu.scan <sum>, %select_n3A_216 masked %broadcast_in_dim3A_218 : vector<16xi32>, vector<16xi1> -> vector<16xi32>
      %broadcast_in_dim3A_219 = vector.broadcast %while3A_195 : i32 to vector<16xi32>
      %add3A_220 = arith.addi %broadcast_in_dim3A_219, %masked_cumsum3A : vector<16xi32>
      %sub3A_221 = arith.subi %add3A_220, %select_n3A_216 : vector<16xi32>
      tpu.vector_store_idx %arg8[%sub3A_221], %gather3A masked %and3A_211 : memref<16384xi32, #tpu.memory_space<vmem>>[vector<16xi32>], vector<16xi32>, vector<16xi1>
      tpu.vector_store_idx %arg9[%sub3A_221], %gather3A_200 masked %and3A_211 : memref<16384xi32, #tpu.memory_space<vmem>>[vector<16xi32>], vector<16xi32>, vector<16xi1>
      %reduce_max3A = arith.constant true
      %reduce_max3A_222 = vector.broadcast %reduce_max3A : i1 to vector<16xi1>
      %reduce_max3A_223 = arith.constant -2147483648 : i32
      %reduce_max3A_224 = vector.broadcast %reduce_max3A_223 : i32 to vector<16xi32>
      %reduce_max3A_225 = arith.xori %masked_cumsum3A, %reduce_max3A_224 : vector<16xi32>
      %reduce_max3A_226 = tpu.scan <max>, %reduce_max3A_225 masked %reduce_max3A_222 : vector<16xi32>, vector<16xi1> -> vector<16xi32>
      %reduce_max3A_227 = arith.xori %reduce_max3A_226, %reduce_max3A_224 : vector<16xi32>
      %reduce_max3A_228 = vector.extract %reduce_max3A_227[15] : i32 from vector<16xi32>
      %add3A_229 = arith.addi %while3A_195, %reduce_max3A_228 : i32
      scf.yield %add3A_229 : i32
    }
    %while3A_134 = arith.constant 1 : i32
    %while3A_135 = scf.for %while3A_194 = %while3A_131 to %while3A_127 step %while3A_134 iter_args(%while3A_195 = %while3A_133) -> (i32)  : i32 {
      %mul3A_196 = arith.constant 16 : i32
      %mul3A_197 = arith.muli %while3A_194, %mul3A_196 : i32
      %add3A_198 = vector.broadcast %mul3A_197 : i32 to vector<16xi32>
      %add3A_199 = arith.addi %add3A_198, %iota3A : vector<16xi32>
      %gather3A = tpu.vector_load_idx %arg6[%add3A_199] : memref<16384xi32, #tpu.memory_space<vmem>>[vector<16xi32>], vector<16xi32>,
      %gather3A_200 = tpu.vector_load_idx %arg7[%add3A_199] : memref<16384xi32, #tpu.memory_space<vmem>>[vector<16xi32>], vector<16xi32>,
      %shift_right_logical3A = arith.constant 7 : i32
      %shift_right_logical3A_201 = vector.broadcast %shift_right_logical3A : i32 to vector<16xi32>
      %shift_right_logical3A_202 = arith.shrui %gather3A, %shift_right_logical3A_201 : vector<16xi32>
      %sub3A_203 = arith.subi %shift_right_logical3A_202, %broadcast_in_dim3A_10 : vector<16xi32>
      %shift_right_logical3A_204 = arith.constant 5 : i32
      %shift_right_logical3A_205 = vector.broadcast %shift_right_logical3A_204 : i32 to vector<16xi32>
      %shift_right_logical3A_206 = arith.shrui %sub3A_203, %shift_right_logical3A_205 : vector<16xi32>
      %broadcast_in_dim3A_207 = arith.constant 5 : i32
      %broadcast_in_dim3A_208 = vector.broadcast %broadcast_in_dim3A_207 : i32 to vector<16xi32>
      %eq3A_209 = arith.cmpi eq, %shift_right_logical3A_206, %broadcast_in_dim3A_208 : vector<16xi32>
      %lt3A_210 = arith.cmpi slt, %add3A_199, %broadcast_in_dim3A_35 : vector<16xi32>
      %and3A_211 = arith.andi %eq3A_209, %lt3A_210 : vector<16xi1>
      %jit3A_212 = arith.constant 1 : i32
      %jit3A_213 = arith.constant 0 : i32
      %broadcast_in_dim3A_214 = vector.broadcast %jit3A_212 : i32 to vector<16xi32>
      %broadcast_in_dim3A_215 = vector.broadcast %jit3A_213 : i32 to vector<16xi32>
      %select_n3A_216 = arith.select %and3A_211, %broadcast_in_dim3A_214, %broadcast_in_dim3A_215 : vector<16xi1>, vector<16xi32>
      %broadcast_in_dim3A_217 = arith.constant true
      %broadcast_in_dim3A_218 = vector.broadcast %broadcast_in_dim3A_217 : i1 to vector<16xi1>
      %masked_cumsum3A = tpu.scan <sum>, %select_n3A_216 masked %broadcast_in_dim3A_218 : vector<16xi32>, vector<16xi1> -> vector<16xi32>
      %broadcast_in_dim3A_219 = vector.broadcast %while3A_195 : i32 to vector<16xi32>
      %add3A_220 = arith.addi %broadcast_in_dim3A_219, %masked_cumsum3A : vector<16xi32>
      %sub3A_221 = arith.subi %add3A_220, %select_n3A_216 : vector<16xi32>
      tpu.vector_store_idx %arg8[%sub3A_221], %gather3A masked %and3A_211 : memref<16384xi32, #tpu.memory_space<vmem>>[vector<16xi32>], vector<16xi32>, vector<16xi1>
      tpu.vector_store_idx %arg9[%sub3A_221], %gather3A_200 masked %and3A_211 : memref<16384xi32, #tpu.memory_space<vmem>>[vector<16xi32>], vector<16xi32>, vector<16xi1>
      %reduce_max3A = arith.constant true
      %reduce_max3A_222 = vector.broadcast %reduce_max3A : i1 to vector<16xi1>
      %reduce_max3A_223 = arith.constant -2147483648 : i32
      %reduce_max3A_224 = vector.broadcast %reduce_max3A_223 : i32 to vector<16xi32>
      %reduce_max3A_225 = arith.xori %masked_cumsum3A, %reduce_max3A_224 : vector<16xi32>
      %reduce_max3A_226 = tpu.scan <max>, %reduce_max3A_225 masked %reduce_max3A_222 : vector<16xi32>, vector<16xi1> -> vector<16xi32>
      %reduce_max3A_227 = arith.xori %reduce_max3A_226, %reduce_max3A_224 : vector<16xi32>
      %reduce_max3A_228 = vector.extract %reduce_max3A_227[15] : i32 from vector<16xi32>
      %add3A_229 = arith.addi %while3A_195, %reduce_max3A_228 : i32
      scf.yield %add3A_229 : i32
    }
    %broadcast_in_dim3A_136 = arith.constant 5 : i32
    %broadcast_in_dim3A_137 = vector.broadcast %broadcast_in_dim3A_136 : i32 to vector<16xi32>
    %broadcast_in_dim3A_138 = vector.broadcast %while3A_135 : i32 to vector<16xi32>
    tpu.vector_store_idx %arg11[%broadcast_in_dim3A_137], %broadcast_in_dim3A_138 masked %eq3A : memref<16xi32, #tpu.memory_space<vmem>>[vector<16xi32>], vector<16xi32>, vector<16xi1>
    %broadcast_in_dim3A_139 = arith.constant 6 : i32
    %broadcast_in_dim3A_140 = vector.broadcast %broadcast_in_dim3A_139 : i32 to vector<16xi32>
    %broadcast_in_dim3A_141 = vector.broadcast %while3A_135 : i32 to vector<16xi32>
    tpu.vector_store_idx %arg10[%broadcast_in_dim3A_140], %broadcast_in_dim3A_141 masked %eq3A : memref<16xi32, #tpu.memory_space<vmem>>[vector<16xi32>], vector<16xi32>, vector<16xi1>
    %while3A_142 = arith.constant 0 : i32
    %while3A_143 = arith.subi %div3A_34, %while3A_142 : i32
    %while3A_144 = arith.addi %while3A_142, %while3A_143 : i32
    %while3A_145 = arith.constant 1 : i32
    %while3A_146 = arith.divsi %while3A_143, %while3A_145 : i32
    %while3A_147 = arith.muli %while3A_146, %while3A_145 : i32
    %while3A_148 = arith.addi %while3A_142, %while3A_147 : i32
    %while3A_149 = arith.constant 1 : i32
    %while3A_150 = scf.for %while3A_194 = %while3A_142 to %while3A_148 step %while3A_149 iter_args(%while3A_195 = %while3A_135) -> (i32)  : i32 {
      %mul3A_196 = arith.constant 16 : i32
      %mul3A_197 = arith.muli %while3A_194, %mul3A_196 : i32
      %add3A_198 = vector.broadcast %mul3A_197 : i32 to vector<16xi32>
      %add3A_199 = arith.addi %add3A_198, %iota3A : vector<16xi32>
      %gather3A = tpu.vector_load_idx %arg6[%add3A_199] : memref<16384xi32, #tpu.memory_space<vmem>>[vector<16xi32>], vector<16xi32>,
      %gather3A_200 = tpu.vector_load_idx %arg7[%add3A_199] : memref<16384xi32, #tpu.memory_space<vmem>>[vector<16xi32>], vector<16xi32>,
      %shift_right_logical3A = arith.constant 7 : i32
      %shift_right_logical3A_201 = vector.broadcast %shift_right_logical3A : i32 to vector<16xi32>
      %shift_right_logical3A_202 = arith.shrui %gather3A, %shift_right_logical3A_201 : vector<16xi32>
      %sub3A_203 = arith.subi %shift_right_logical3A_202, %broadcast_in_dim3A_10 : vector<16xi32>
      %shift_right_logical3A_204 = arith.constant 5 : i32
      %shift_right_logical3A_205 = vector.broadcast %shift_right_logical3A_204 : i32 to vector<16xi32>
      %shift_right_logical3A_206 = arith.shrui %sub3A_203, %shift_right_logical3A_205 : vector<16xi32>
      %broadcast_in_dim3A_207 = arith.constant 6 : i32
      %broadcast_in_dim3A_208 = vector.broadcast %broadcast_in_dim3A_207 : i32 to vector<16xi32>
      %eq3A_209 = arith.cmpi eq, %shift_right_logical3A_206, %broadcast_in_dim3A_208 : vector<16xi32>
      %lt3A_210 = arith.cmpi slt, %add3A_199, %broadcast_in_dim3A_35 : vector<16xi32>
      %and3A_211 = arith.andi %eq3A_209, %lt3A_210 : vector<16xi1>
      %jit3A_212 = arith.constant 1 : i32
      %jit3A_213 = arith.constant 0 : i32
      %broadcast_in_dim3A_214 = vector.broadcast %jit3A_212 : i32 to vector<16xi32>
      %broadcast_in_dim3A_215 = vector.broadcast %jit3A_213 : i32 to vector<16xi32>
      %select_n3A_216 = arith.select %and3A_211, %broadcast_in_dim3A_214, %broadcast_in_dim3A_215 : vector<16xi1>, vector<16xi32>
      %broadcast_in_dim3A_217 = arith.constant true
      %broadcast_in_dim3A_218 = vector.broadcast %broadcast_in_dim3A_217 : i1 to vector<16xi1>
      %masked_cumsum3A = tpu.scan <sum>, %select_n3A_216 masked %broadcast_in_dim3A_218 : vector<16xi32>, vector<16xi1> -> vector<16xi32>
      %broadcast_in_dim3A_219 = vector.broadcast %while3A_195 : i32 to vector<16xi32>
      %add3A_220 = arith.addi %broadcast_in_dim3A_219, %masked_cumsum3A : vector<16xi32>
      %sub3A_221 = arith.subi %add3A_220, %select_n3A_216 : vector<16xi32>
      tpu.vector_store_idx %arg8[%sub3A_221], %gather3A masked %and3A_211 : memref<16384xi32, #tpu.memory_space<vmem>>[vector<16xi32>], vector<16xi32>, vector<16xi1>
      tpu.vector_store_idx %arg9[%sub3A_221], %gather3A_200 masked %and3A_211 : memref<16384xi32, #tpu.memory_space<vmem>>[vector<16xi32>], vector<16xi32>, vector<16xi1>
      %reduce_max3A = arith.constant true
      %reduce_max3A_222 = vector.broadcast %reduce_max3A : i1 to vector<16xi1>
      %reduce_max3A_223 = arith.constant -2147483648 : i32
      %reduce_max3A_224 = vector.broadcast %reduce_max3A_223 : i32 to vector<16xi32>
      %reduce_max3A_225 = arith.xori %masked_cumsum3A, %reduce_max3A_224 : vector<16xi32>
      %reduce_max3A_226 = tpu.scan <max>, %reduce_max3A_225 masked %reduce_max3A_222 : vector<16xi32>, vector<16xi1> -> vector<16xi32>
      %reduce_max3A_227 = arith.xori %reduce_max3A_226, %reduce_max3A_224 : vector<16xi32>
      %reduce_max3A_228 = vector.extract %reduce_max3A_227[15] : i32 from vector<16xi32>
      %add3A_229 = arith.addi %while3A_195, %reduce_max3A_228 : i32
      scf.yield %add3A_229 : i32
    }
    %while3A_151 = arith.constant 1 : i32
    %while3A_152 = scf.for %while3A_194 = %while3A_148 to %while3A_144 step %while3A_151 iter_args(%while3A_195 = %while3A_150) -> (i32)  : i32 {
      %mul3A_196 = arith.constant 16 : i32
      %mul3A_197 = arith.muli %while3A_194, %mul3A_196 : i32
      %add3A_198 = vector.broadcast %mul3A_197 : i32 to vector<16xi32>
      %add3A_199 = arith.addi %add3A_198, %iota3A : vector<16xi32>
      %gather3A = tpu.vector_load_idx %arg6[%add3A_199] : memref<16384xi32, #tpu.memory_space<vmem>>[vector<16xi32>], vector<16xi32>,
      %gather3A_200 = tpu.vector_load_idx %arg7[%add3A_199] : memref<16384xi32, #tpu.memory_space<vmem>>[vector<16xi32>], vector<16xi32>,
      %shift_right_logical3A = arith.constant 7 : i32
      %shift_right_logical3A_201 = vector.broadcast %shift_right_logical3A : i32 to vector<16xi32>
      %shift_right_logical3A_202 = arith.shrui %gather3A, %shift_right_logical3A_201 : vector<16xi32>
      %sub3A_203 = arith.subi %shift_right_logical3A_202, %broadcast_in_dim3A_10 : vector<16xi32>
      %shift_right_logical3A_204 = arith.constant 5 : i32
      %shift_right_logical3A_205 = vector.broadcast %shift_right_logical3A_204 : i32 to vector<16xi32>
      %shift_right_logical3A_206 = arith.shrui %sub3A_203, %shift_right_logical3A_205 : vector<16xi32>
      %broadcast_in_dim3A_207 = arith.constant 6 : i32
      %broadcast_in_dim3A_208 = vector.broadcast %broadcast_in_dim3A_207 : i32 to vector<16xi32>
      %eq3A_209 = arith.cmpi eq, %shift_right_logical3A_206, %broadcast_in_dim3A_208 : vector<16xi32>
      %lt3A_210 = arith.cmpi slt, %add3A_199, %broadcast_in_dim3A_35 : vector<16xi32>
      %and3A_211 = arith.andi %eq3A_209, %lt3A_210 : vector<16xi1>
      %jit3A_212 = arith.constant 1 : i32
      %jit3A_213 = arith.constant 0 : i32
      %broadcast_in_dim3A_214 = vector.broadcast %jit3A_212 : i32 to vector<16xi32>
      %broadcast_in_dim3A_215 = vector.broadcast %jit3A_213 : i32 to vector<16xi32>
      %select_n3A_216 = arith.select %and3A_211, %broadcast_in_dim3A_214, %broadcast_in_dim3A_215 : vector<16xi1>, vector<16xi32>
      %broadcast_in_dim3A_217 = arith.constant true
      %broadcast_in_dim3A_218 = vector.broadcast %broadcast_in_dim3A_217 : i1 to vector<16xi1>
      %masked_cumsum3A = tpu.scan <sum>, %select_n3A_216 masked %broadcast_in_dim3A_218 : vector<16xi32>, vector<16xi1> -> vector<16xi32>
      %broadcast_in_dim3A_219 = vector.broadcast %while3A_195 : i32 to vector<16xi32>
      %add3A_220 = arith.addi %broadcast_in_dim3A_219, %masked_cumsum3A : vector<16xi32>
      %sub3A_221 = arith.subi %add3A_220, %select_n3A_216 : vector<16xi32>
      tpu.vector_store_idx %arg8[%sub3A_221], %gather3A masked %and3A_211 : memref<16384xi32, #tpu.memory_space<vmem>>[vector<16xi32>], vector<16xi32>, vector<16xi1>
      tpu.vector_store_idx %arg9[%sub3A_221], %gather3A_200 masked %and3A_211 : memref<16384xi32, #tpu.memory_space<vmem>>[vector<16xi32>], vector<16xi32>, vector<16xi1>
      %reduce_max3A = arith.constant true
      %reduce_max3A_222 = vector.broadcast %reduce_max3A : i1 to vector<16xi1>
      %reduce_max3A_223 = arith.constant -2147483648 : i32
      %reduce_max3A_224 = vector.broadcast %reduce_max3A_223 : i32 to vector<16xi32>
      %reduce_max3A_225 = arith.xori %masked_cumsum3A, %reduce_max3A_224 : vector<16xi32>
      %reduce_max3A_226 = tpu.scan <max>, %reduce_max3A_225 masked %reduce_max3A_222 : vector<16xi32>, vector<16xi1> -> vector<16xi32>
      %reduce_max3A_227 = arith.xori %reduce_max3A_226, %reduce_max3A_224 : vector<16xi32>
      %reduce_max3A_228 = vector.extract %reduce_max3A_227[15] : i32 from vector<16xi32>
      %add3A_229 = arith.addi %while3A_195, %reduce_max3A_228 : i32
      scf.yield %add3A_229 : i32
    }
    %broadcast_in_dim3A_153 = arith.constant 6 : i32
    %broadcast_in_dim3A_154 = vector.broadcast %broadcast_in_dim3A_153 : i32 to vector<16xi32>
    %broadcast_in_dim3A_155 = vector.broadcast %while3A_152 : i32 to vector<16xi32>
    tpu.vector_store_idx %arg11[%broadcast_in_dim3A_154], %broadcast_in_dim3A_155 masked %eq3A : memref<16xi32, #tpu.memory_space<vmem>>[vector<16xi32>], vector<16xi32>, vector<16xi1>
    %broadcast_in_dim3A_156 = arith.constant 7 : i32
    %broadcast_in_dim3A_157 = vector.broadcast %broadcast_in_dim3A_156 : i32 to vector<16xi32>
    %broadcast_in_dim3A_158 = vector.broadcast %while3A_152 : i32 to vector<16xi32>
    tpu.vector_store_idx %arg10[%broadcast_in_dim3A_157], %broadcast_in_dim3A_158 masked %eq3A : memref<16xi32, #tpu.memory_space<vmem>>[vector<16xi32>], vector<16xi32>, vector<16xi1>
    %while3A_159 = arith.constant 0 : i32
    %while3A_160 = arith.subi %div3A_34, %while3A_159 : i32
    %while3A_161 = arith.addi %while3A_159, %while3A_160 : i32
    %while3A_162 = arith.constant 1 : i32
    %while3A_163 = arith.divsi %while3A_160, %while3A_162 : i32
    %while3A_164 = arith.muli %while3A_163, %while3A_162 : i32
    %while3A_165 = arith.addi %while3A_159, %while3A_164 : i32
    %while3A_166 = arith.constant 1 : i32
    %while3A_167 = scf.for %while3A_194 = %while3A_159 to %while3A_165 step %while3A_166 iter_args(%while3A_195 = %while3A_152) -> (i32)  : i32 {
      %mul3A_196 = arith.constant 16 : i32
      %mul3A_197 = arith.muli %while3A_194, %mul3A_196 : i32
      %add3A_198 = vector.broadcast %mul3A_197 : i32 to vector<16xi32>
      %add3A_199 = arith.addi %add3A_198, %iota3A : vector<16xi32>
      %gather3A = tpu.vector_load_idx %arg6[%add3A_199] : memref<16384xi32, #tpu.memory_space<vmem>>[vector<16xi32>], vector<16xi32>,
      %gather3A_200 = tpu.vector_load_idx %arg7[%add3A_199] : memref<16384xi32, #tpu.memory_space<vmem>>[vector<16xi32>], vector<16xi32>,
      %shift_right_logical3A = arith.constant 7 : i32
      %shift_right_logical3A_201 = vector.broadcast %shift_right_logical3A : i32 to vector<16xi32>
      %shift_right_logical3A_202 = arith.shrui %gather3A, %shift_right_logical3A_201 : vector<16xi32>
      %sub3A_203 = arith.subi %shift_right_logical3A_202, %broadcast_in_dim3A_10 : vector<16xi32>
      %shift_right_logical3A_204 = arith.constant 5 : i32
      %shift_right_logical3A_205 = vector.broadcast %shift_right_logical3A_204 : i32 to vector<16xi32>
      %shift_right_logical3A_206 = arith.shrui %sub3A_203, %shift_right_logical3A_205 : vector<16xi32>
      %broadcast_in_dim3A_207 = arith.constant 7 : i32
      %broadcast_in_dim3A_208 = vector.broadcast %broadcast_in_dim3A_207 : i32 to vector<16xi32>
      %eq3A_209 = arith.cmpi eq, %shift_right_logical3A_206, %broadcast_in_dim3A_208 : vector<16xi32>
      %lt3A_210 = arith.cmpi slt, %add3A_199, %broadcast_in_dim3A_35 : vector<16xi32>
      %and3A_211 = arith.andi %eq3A_209, %lt3A_210 : vector<16xi1>
      %jit3A_212 = arith.constant 1 : i32
      %jit3A_213 = arith.constant 0 : i32
      %broadcast_in_dim3A_214 = vector.broadcast %jit3A_212 : i32 to vector<16xi32>
      %broadcast_in_dim3A_215 = vector.broadcast %jit3A_213 : i32 to vector<16xi32>
      %select_n3A_216 = arith.select %and3A_211, %broadcast_in_dim3A_214, %broadcast_in_dim3A_215 : vector<16xi1>, vector<16xi32>
      %broadcast_in_dim3A_217 = arith.constant true
      %broadcast_in_dim3A_218 = vector.broadcast %broadcast_in_dim3A_217 : i1 to vector<16xi1>
      %masked_cumsum3A = tpu.scan <sum>, %select_n3A_216 masked %broadcast_in_dim3A_218 : vector<16xi32>, vector<16xi1> -> vector<16xi32>
      %broadcast_in_dim3A_219 = vector.broadcast %while3A_195 : i32 to vector<16xi32>
      %add3A_220 = arith.addi %broadcast_in_dim3A_219, %masked_cumsum3A : vector<16xi32>
      %sub3A_221 = arith.subi %add3A_220, %select_n3A_216 : vector<16xi32>
      tpu.vector_store_idx %arg8[%sub3A_221], %gather3A masked %and3A_211 : memref<16384xi32, #tpu.memory_space<vmem>>[vector<16xi32>], vector<16xi32>, vector<16xi1>
      tpu.vector_store_idx %arg9[%sub3A_221], %gather3A_200 masked %and3A_211 : memref<16384xi32, #tpu.memory_space<vmem>>[vector<16xi32>], vector<16xi32>, vector<16xi1>
      %reduce_max3A = arith.constant true
      %reduce_max3A_222 = vector.broadcast %reduce_max3A : i1 to vector<16xi1>
      %reduce_max3A_223 = arith.constant -2147483648 : i32
      %reduce_max3A_224 = vector.broadcast %reduce_max3A_223 : i32 to vector<16xi32>
      %reduce_max3A_225 = arith.xori %masked_cumsum3A, %reduce_max3A_224 : vector<16xi32>
      %reduce_max3A_226 = tpu.scan <max>, %reduce_max3A_225 masked %reduce_max3A_222 : vector<16xi32>, vector<16xi1> -> vector<16xi32>
      %reduce_max3A_227 = arith.xori %reduce_max3A_226, %reduce_max3A_224 : vector<16xi32>
      %reduce_max3A_228 = vector.extract %reduce_max3A_227[15] : i32 from vector<16xi32>
      %add3A_229 = arith.addi %while3A_195, %reduce_max3A_228 : i32
      scf.yield %add3A_229 : i32
    }
    %while3A_168 = arith.constant 1 : i32
    %while3A_169 = scf.for %while3A_194 = %while3A_165 to %while3A_161 step %while3A_168 iter_args(%while3A_195 = %while3A_167) -> (i32)  : i32 {
      %mul3A_196 = arith.constant 16 : i32
      %mul3A_197 = arith.muli %while3A_194, %mul3A_196 : i32
      %add3A_198 = vector.broadcast %mul3A_197 : i32 to vector<16xi32>
      %add3A_199 = arith.addi %add3A_198, %iota3A : vector<16xi32>
      %gather3A = tpu.vector_load_idx %arg6[%add3A_199] : memref<16384xi32, #tpu.memory_space<vmem>>[vector<16xi32>], vector<16xi32>,
      %gather3A_200 = tpu.vector_load_idx %arg7[%add3A_199] : memref<16384xi32, #tpu.memory_space<vmem>>[vector<16xi32>], vector<16xi32>,
      %shift_right_logical3A = arith.constant 7 : i32
      %shift_right_logical3A_201 = vector.broadcast %shift_right_logical3A : i32 to vector<16xi32>
      %shift_right_logical3A_202 = arith.shrui %gather3A, %shift_right_logical3A_201 : vector<16xi32>
      %sub3A_203 = arith.subi %shift_right_logical3A_202, %broadcast_in_dim3A_10 : vector<16xi32>
      %shift_right_logical3A_204 = arith.constant 5 : i32
      %shift_right_logical3A_205 = vector.broadcast %shift_right_logical3A_204 : i32 to vector<16xi32>
      %shift_right_logical3A_206 = arith.shrui %sub3A_203, %shift_right_logical3A_205 : vector<16xi32>
      %broadcast_in_dim3A_207 = arith.constant 7 : i32
      %broadcast_in_dim3A_208 = vector.broadcast %broadcast_in_dim3A_207 : i32 to vector<16xi32>
      %eq3A_209 = arith.cmpi eq, %shift_right_logical3A_206, %broadcast_in_dim3A_208 : vector<16xi32>
      %lt3A_210 = arith.cmpi slt, %add3A_199, %broadcast_in_dim3A_35 : vector<16xi32>
      %and3A_211 = arith.andi %eq3A_209, %lt3A_210 : vector<16xi1>
      %jit3A_212 = arith.constant 1 : i32
      %jit3A_213 = arith.constant 0 : i32
      %broadcast_in_dim3A_214 = vector.broadcast %jit3A_212 : i32 to vector<16xi32>
      %broadcast_in_dim3A_215 = vector.broadcast %jit3A_213 : i32 to vector<16xi32>
      %select_n3A_216 = arith.select %and3A_211, %broadcast_in_dim3A_214, %broadcast_in_dim3A_215 : vector<16xi1>, vector<16xi32>
      %broadcast_in_dim3A_217 = arith.constant true
      %broadcast_in_dim3A_218 = vector.broadcast %broadcast_in_dim3A_217 : i1 to vector<16xi1>
      %masked_cumsum3A = tpu.scan <sum>, %select_n3A_216 masked %broadcast_in_dim3A_218 : vector<16xi32>, vector<16xi1> -> vector<16xi32>
      %broadcast_in_dim3A_219 = vector.broadcast %while3A_195 : i32 to vector<16xi32>
      %add3A_220 = arith.addi %broadcast_in_dim3A_219, %masked_cumsum3A : vector<16xi32>
      %sub3A_221 = arith.subi %add3A_220, %select_n3A_216 : vector<16xi32>
      tpu.vector_store_idx %arg8[%sub3A_221], %gather3A masked %and3A_211 : memref<16384xi32, #tpu.memory_space<vmem>>[vector<16xi32>], vector<16xi32>, vector<16xi1>
      tpu.vector_store_idx %arg9[%sub3A_221], %gather3A_200 masked %and3A_211 : memref<16384xi32, #tpu.memory_space<vmem>>[vector<16xi32>], vector<16xi32>, vector<16xi1>
      %reduce_max3A = arith.constant true
      %reduce_max3A_222 = vector.broadcast %reduce_max3A : i1 to vector<16xi1>
      %reduce_max3A_223 = arith.constant -2147483648 : i32
      %reduce_max3A_224 = vector.broadcast %reduce_max3A_223 : i32 to vector<16xi32>
      %reduce_max3A_225 = arith.xori %masked_cumsum3A, %reduce_max3A_224 : vector<16xi32>
      %reduce_max3A_226 = tpu.scan <max>, %reduce_max3A_225 masked %reduce_max3A_222 : vector<16xi32>, vector<16xi1> -> vector<16xi32>
      %reduce_max3A_227 = arith.xori %reduce_max3A_226, %reduce_max3A_224 : vector<16xi32>
      %reduce_max3A_228 = vector.extract %reduce_max3A_227[15] : i32 from vector<16xi32>
      %add3A_229 = arith.addi %while3A_195, %reduce_max3A_228 : i32
      scf.yield %add3A_229 : i32
    }
    %broadcast_in_dim3A_170 = arith.constant 7 : i32
    %broadcast_in_dim3A_171 = vector.broadcast %broadcast_in_dim3A_170 : i32 to vector<16xi32>
    %broadcast_in_dim3A_172 = vector.broadcast %while3A_169 : i32 to vector<16xi32>
    tpu.vector_store_idx %arg11[%broadcast_in_dim3A_171], %broadcast_in_dim3A_172 masked %eq3A : memref<16xi32, #tpu.memory_space<vmem>>[vector<16xi32>], vector<16xi32>, vector<16xi1>
    %while3A_173 = arith.constant 0 : i32
    %while3A_174 = arith.constant 0 : i32
    %while3A_175 = arith.constant 0 : i32
    %while3A_176 = arith.subi %add3A_8, %while3A_173 : i32
    %while3A_177 = arith.addi %while3A_173, %while3A_176 : i32
    %while3A_178 = arith.constant 1 : i32
    %while3A_179 = arith.divsi %while3A_176, %while3A_178 : i32
    %while3A_180 = arith.muli %while3A_179, %while3A_178 : i32
    %while3A_181 = arith.addi %while3A_173, %while3A_180 : i32
    %while3A_182 = arith.constant 1 : i32
    %while3A_183:2 = scf.for %while3A_194 = %while3A_173 to %while3A_181 step %while3A_182 iter_args(%while3A_195 = %while3A_174, %while3A_196 = %while3A_175) -> (i32, i32)  : i32 {
      %rem3A_197 = arith.constant 3 : i32
      %rem3A_198 = arith.remsi %while3A_194, %rem3A_197 : i32
      %add3A_199 = arith.addi %add3A_4, %while3A_194 : i32
      %eq3A_200 = arith.constant 0 : i32
      %eq3A_201 = arith.cmpi eq, %rem3A_198, %eq3A_200 : i32
      %convert_element_type3A_202 = arith.extui %eq3A_201 : i1 to i32
      %cond3A_203 = arith.constant 0 : i32
      %cond3A_204 = arith.cmpi ne, %convert_element_type3A_202, %cond3A_203 : i32
      scf.if %cond3A_204 {
        %dma_wait3A = arith.constant 0 : i32
        %dma_wait3A_276 = arith.constant 0 : i32
        %dma_wait3A_277 = arith.constant 0 : i32
        %dma_wait3A_278 = tpu.memref_slice %arg12[%dma_wait3A, %dma_wait3A_276, %dma_wait3A_277] : memref<3x64x128xf32, #tpu.memory_space<vmem>> -> memref<1x64x128xf32, #tpu.memory_space<vmem>>
        %dma_wait3A_279 = tpu.memref_squeeze %dma_wait3A_278 : memref<1x64x128xf32, #tpu.memory_space<vmem>> -> memref<64x128xf32, #tpu.memory_space<vmem>>
        %dma_wait3A_280 = arith.constant 0 : i32
        %dma_wait3A_281 = arith.constant 0 : i32
        %dma_wait3A_282 = tpu.memref_slice %arg3[%dma_wait3A_280, %dma_wait3A_281] : memref<64x1000000xf32, #tpu.memory_space<hbm>> -> memref<64x128xf32, #tpu.memory_space<hbm>>
        %dma_wait3A_283 = arith.constant 0 : i32
        %dma_wait3A_284 = arith.constant 0 : i32
        %dma_wait3A_285 = tpu.memref_slice %arg12[%dma_wait3A, %dma_wait3A_283, %dma_wait3A_284] : memref<3x64x128xf32, #tpu.memory_space<vmem>> -> memref<1x64x128xf32, #tpu.memory_space<vmem>>
        %dma_wait3A_286 = tpu.memref_squeeze %dma_wait3A_285 : memref<1x64x128xf32, #tpu.memory_space<vmem>> -> memref<64x128xf32, #tpu.memory_space<vmem>>
        %dma_wait3A_287 = arith.constant 0 : i32
        %dma_wait3A_288 = arith.constant 0 : i32
        %dma_wait3A_289 = tpu.memref_slice %arg3[%dma_wait3A_287, %dma_wait3A_288] : memref<64x1000000xf32, #tpu.memory_space<hbm>> -> memref<64x128xf32, #tpu.memory_space<hbm>>
        tpu.wait_dma2 semaphore(%arg15 : memref<!tpu.dma_semaphore, #tpu.memory_space<semaphore_mem>>) src(%dma_wait3A_289 : memref<64x128xf32, #tpu.memory_space<hbm>>) dst(%dma_wait3A_286 : memref<64x128xf32, #tpu.memory_space<vmem>>)
      } else {
      }
      %eq3A_205 = arith.constant 1 : i32
      %eq3A_206 = arith.cmpi eq, %rem3A_198, %eq3A_205 : i32
      %convert_element_type3A_207 = arith.extui %eq3A_206 : i1 to i32
      %cond3A_208 = arith.constant 0 : i32
      %cond3A_209 = arith.cmpi ne, %convert_element_type3A_207, %cond3A_208 : i32
      scf.if %cond3A_209 {
        %dma_wait3A = arith.constant 1 : i32
        %dma_wait3A_276 = arith.constant 0 : i32
        %dma_wait3A_277 = arith.constant 0 : i32
        %dma_wait3A_278 = tpu.memref_slice %arg12[%dma_wait3A, %dma_wait3A_276, %dma_wait3A_277] : memref<3x64x128xf32, #tpu.memory_space<vmem>> -> memref<1x64x128xf32, #tpu.memory_space<vmem>>
        %dma_wait3A_279 = tpu.memref_squeeze %dma_wait3A_278 : memref<1x64x128xf32, #tpu.memory_space<vmem>> -> memref<64x128xf32, #tpu.memory_space<vmem>>
        %dma_wait3A_280 = arith.constant 0 : i32
        %dma_wait3A_281 = arith.constant 0 : i32
        %dma_wait3A_282 = tpu.memref_slice %arg3[%dma_wait3A_280, %dma_wait3A_281] : memref<64x1000000xf32, #tpu.memory_space<hbm>> -> memref<64x128xf32, #tpu.memory_space<hbm>>
        %dma_wait3A_283 = arith.constant 0 : i32
        %dma_wait3A_284 = arith.constant 0 : i32
        %dma_wait3A_285 = tpu.memref_slice %arg12[%dma_wait3A, %dma_wait3A_283, %dma_wait3A_284] : memref<3x64x128xf32, #tpu.memory_space<vmem>> -> memref<1x64x128xf32, #tpu.memory_space<vmem>>
        %dma_wait3A_286 = tpu.memref_squeeze %dma_wait3A_285 : memref<1x64x128xf32, #tpu.memory_space<vmem>> -> memref<64x128xf32, #tpu.memory_space<vmem>>
        %dma_wait3A_287 = arith.constant 0 : i32
        %dma_wait3A_288 = arith.constant 0 : i32
        %dma_wait3A_289 = tpu.memref_slice %arg3[%dma_wait3A_287, %dma_wait3A_288] : memref<64x1000000xf32, #tpu.memory_space<hbm>> -> memref<64x128xf32, #tpu.memory_space<hbm>>
        tpu.wait_dma2 semaphore(%arg16 : memref<!tpu.dma_semaphore, #tpu.memory_space<semaphore_mem>>) src(%dma_wait3A_289 : memref<64x128xf32, #tpu.memory_space<hbm>>) dst(%dma_wait3A_286 : memref<64x128xf32, #tpu.memory_space<vmem>>)
      } else {
      }
      %eq3A_210 = arith.constant 2 : i32
      %eq3A_211 = arith.cmpi eq, %rem3A_198, %eq3A_210 : i32
      %convert_element_type3A_212 = arith.extui %eq3A_211 : i1 to i32
      %cond3A_213 = arith.constant 0 : i32
      %cond3A_214 = arith.cmpi ne, %convert_element_type3A_212, %cond3A_213 : i32
      scf.if %cond3A_214 {
        %dma_wait3A = arith.constant 2 : i32
        %dma_wait3A_276 = arith.constant 0 : i32
        %dma_wait3A_277 = arith.constant 0 : i32
        %dma_wait3A_278 = tpu.memref_slice %arg12[%dma_wait3A, %dma_wait3A_276, %dma_wait3A_277] : memref<3x64x128xf32, #tpu.memory_space<vmem>> -> memref<1x64x128xf32, #tpu.memory_space<vmem>>
        %dma_wait3A_279 = tpu.memref_squeeze %dma_wait3A_278 : memref<1x64x128xf32, #tpu.memory_space<vmem>> -> memref<64x128xf32, #tpu.memory_space<vmem>>
        %dma_wait3A_280 = arith.constant 0 : i32
        %dma_wait3A_281 = arith.constant 0 : i32
        %dma_wait3A_282 = tpu.memref_slice %arg3[%dma_wait3A_280, %dma_wait3A_281] : memref<64x1000000xf32, #tpu.memory_space<hbm>> -> memref<64x128xf32, #tpu.memory_space<hbm>>
        %dma_wait3A_283 = arith.constant 0 : i32
        %dma_wait3A_284 = arith.constant 0 : i32
        %dma_wait3A_285 = tpu.memref_slice %arg12[%dma_wait3A, %dma_wait3A_283, %dma_wait3A_284] : memref<3x64x128xf32, #tpu.memory_space<vmem>> -> memref<1x64x128xf32, #tpu.memory_space<vmem>>
        %dma_wait3A_286 = tpu.memref_squeeze %dma_wait3A_285 : memref<1x64x128xf32, #tpu.memory_space<vmem>> -> memref<64x128xf32, #tpu.memory_space<vmem>>
        %dma_wait3A_287 = arith.constant 0 : i32
        %dma_wait3A_288 = arith.constant 0 : i32
        %dma_wait3A_289 = tpu.memref_slice %arg3[%dma_wait3A_287, %dma_wait3A_288] : memref<64x1000000xf32, #tpu.memory_space<hbm>> -> memref<64x128xf32, #tpu.memory_space<hbm>>
        tpu.wait_dma2 semaphore(%arg17 : memref<!tpu.dma_semaphore, #tpu.memory_space<semaphore_mem>>) src(%dma_wait3A_289 : memref<64x128xf32, #tpu.memory_space<hbm>>) dst(%dma_wait3A_286 : memref<64x128xf32, #tpu.memory_space<vmem>>)
      } else {
      }
      %mul3A_215 = arith.constant 128 : i32
      %mul3A_216 = arith.muli %add3A_199, %mul3A_215 : i32
      %broadcast_in_dim3A_217 = vector.broadcast %mul3A_216 : i32 to vector<16xi32>
      %broadcast_in_dim3A_218 = vector.broadcast %add3A_199 : i32 to vector<16xi32>
      %sub3A_219 = arith.subi %add3A_199, %add3A_4 : i32
      %shift_right_logical3A = arith.constant 5 : i32
      %shift_right_logical3A_220 = arith.shrui %sub3A_219, %shift_right_logical3A : i32
      %broadcast_in_dim3A_221 = vector.broadcast %shift_right_logical3A_220 : i32 to vector<16xi32>
      %gather3A = tpu.vector_load_idx %arg10[%broadcast_in_dim3A_221] : memref<16xi32, #tpu.memory_space<vmem>>[vector<16xi32>], vector<16xi32>,
      %reduce_max3A = arith.constant true
      %reduce_max3A_222 = vector.broadcast %reduce_max3A : i1 to vector<16xi1>
      %reduce_max3A_223 = arith.constant -2147483648 : i32
      %reduce_max3A_224 = vector.broadcast %reduce_max3A_223 : i32 to vector<16xi32>
      %reduce_max3A_225 = arith.xori %gather3A, %reduce_max3A_224 : vector<16xi32>
      %reduce_max3A_226 = tpu.scan <max>, %reduce_max3A_225 masked %reduce_max3A_222 : vector<16xi32>, vector<16xi1> -> vector<16xi32>
      %reduce_max3A_227 = arith.xori %reduce_max3A_226, %reduce_max3A_224 : vector<16xi32>
      %reduce_max3A_228 = vector.extract %reduce_max3A_227[15] : i32 from vector<16xi32>
      %broadcast_in_dim3A_229 = vector.broadcast %shift_right_logical3A_220 : i32 to vector<16xi32>
      %gather3A_230 = tpu.vector_load_idx %arg11[%broadcast_in_dim3A_229] : memref<16xi32, #tpu.memory_space<vmem>>[vector<16xi32>], vector<16xi32>,
      %reduce_max3A_231 = arith.constant true
      %reduce_max3A_232 = vector.broadcast %reduce_max3A_231 : i1 to vector<16xi1>
      %reduce_max3A_233 = arith.constant -2147483648 : i32
      %reduce_max3A_234 = vector.broadcast %reduce_max3A_233 : i32 to vector<16xi32>
      %reduce_max3A_235 = arith.xori %gather3A_230, %reduce_max3A_234 : vector<16xi32>
      %reduce_max3A_236 = tpu.scan <max>, %reduce_max3A_235 masked %reduce_max3A_232 : vector<16xi32>, vector<16xi1> -> vector<16xi32>
      %reduce_max3A_237 = arith.xori %reduce_max3A_236, %reduce_max3A_234 : vector<16xi32>
      %reduce_max3A_238 = vector.extract %reduce_max3A_237[15] : i32 from vector<16xi32>
      %broadcast_in_dim3A_239 = vector.broadcast %reduce_max3A_238 : i32 to vector<16xi32>
      %sub3A_240 = arith.subi %reduce_max3A_238, %reduce_max3A_228 : i32
      %add3A_241 = arith.constant 16 : i32
      %add3A_242 = arith.addi %sub3A_240, %add3A_241 : i32
      %sub3A_243 = arith.constant 1 : i32
      %sub3A_244 = arith.subi %add3A_242, %sub3A_243 : i32
      %div3A_245 = arith.constant 16 : i32
      %div3A_246 = arith.divsi %sub3A_244, %div3A_245 : i32
      %while3A_247 = arith.constant 0 : i32
      %while3A_248 = arith.constant 0 : i32
      %while3A_249 = arith.subi %div3A_246, %while3A_247 : i32
      %while3A_250 = arith.addi %while3A_247, %while3A_249 : i32
      %while3A_251 = arith.constant 1 : i32
      %while3A_252 = arith.divsi %while3A_249, %while3A_251 : i32
      %while3A_253 = arith.muli %while3A_252, %while3A_251 : i32
      %while3A_254 = arith.addi %while3A_247, %while3A_253 : i32
      %while3A_255 = arith.constant 1 : i32
      %while3A_256 = scf.for %while3A_276 = %while3A_247 to %while3A_254 step %while3A_255 iter_args(%while3A_277 = %while3A_248) -> (i32)  : i32 {
        %broadcast_in_dim3A_278 = vector.broadcast %reduce_max3A_228 : i32 to vector<16xi32>
        %mul3A_279 = arith.constant 16 : i32
        %mul3A_280 = arith.muli %while3A_276, %mul3A_279 : i32
        %add3A_281 = vector.broadcast %mul3A_280 : i32 to vector<16xi32>
        %add3A_282 = arith.addi %broadcast_in_dim3A_278, %add3A_281 : vector<16xi32>
        %add3A_283 = arith.addi %add3A_282, %iota3A : vector<16xi32>
        %gather3A_284 = tpu.vector_load_idx %arg8[%add3A_283] : memref<16384xi32, #tpu.memory_space<vmem>>[vector<16xi32>], vector<16xi32>,
        %gather3A_285 = tpu.vector_load_idx %arg9[%add3A_283] : memref<16384xi32, #tpu.memory_space<vmem>>[vector<16xi32>], vector<16xi32>,
        %shift_right_logical3A_286 = arith.constant 7 : i32
        %shift_right_logical3A_287 = vector.broadcast %shift_right_logical3A_286 : i32 to vector<16xi32>
        %shift_right_logical3A_288 = arith.shrui %gather3A_284, %shift_right_logical3A_287 : vector<16xi32>
        %eq3A_289 = arith.cmpi eq, %shift_right_logical3A_288, %broadcast_in_dim3A_218 : vector<16xi32>
        %lt3A_290 = arith.cmpi slt, %add3A_283, %broadcast_in_dim3A_239 : vector<16xi32>
        %and3A_291 = arith.andi %eq3A_289, %lt3A_290 : vector<16xi1>
        %jit3A_292 = arith.constant 1 : i32
        %jit3A_293 = arith.constant 0 : i32
        %broadcast_in_dim3A_294 = vector.broadcast %jit3A_292 : i32 to vector<16xi32>
        %broadcast_in_dim3A_295 = vector.broadcast %jit3A_293 : i32 to vector<16xi32>
        %select_n3A_296 = arith.select %and3A_291, %broadcast_in_dim3A_294, %broadcast_in_dim3A_295 : vector<16xi1>, vector<16xi32>
        %broadcast_in_dim3A_297 = arith.constant true
        %broadcast_in_dim3A_298 = vector.broadcast %broadcast_in_dim3A_297 : i1 to vector<16xi1>
        %masked_cumsum3A = tpu.scan <sum>, %select_n3A_296 masked %broadcast_in_dim3A_298 : vector<16xi32>, vector<16xi1> -> vector<16xi32>
        %broadcast_in_dim3A_299 = vector.broadcast %while3A_277 : i32 to vector<16xi32>
        %add3A_300 = arith.addi %broadcast_in_dim3A_299, %masked_cumsum3A : vector<16xi32>
        %sub3A_301 = arith.subi %add3A_300, %select_n3A_296 : vector<16xi32>
        %sub3A_302 = arith.subi %gather3A_284, %broadcast_in_dim3A_217 : vector<16xi32>
        tpu.vector_store_idx %arg6[%sub3A_301], %sub3A_302 masked %and3A_291 : memref<16384xi32, #tpu.memory_space<vmem>>[vector<16xi32>], vector<16xi32>, vector<16xi1>
        tpu.vector_store_idx %arg7[%sub3A_301], %gather3A_285 masked %and3A_291 : memref<16384xi32, #tpu.memory_space<vmem>>[vector<16xi32>], vector<16xi32>, vector<16xi1>
        %reduce_max3A_303 = arith.constant true
        %reduce_max3A_304 = vector.broadcast %reduce_max3A_303 : i1 to vector<16xi1>
        %reduce_max3A_305 = arith.constant -2147483648 : i32
        %reduce_max3A_306 = vector.broadcast %reduce_max3A_305 : i32 to vector<16xi32>
        %reduce_max3A_307 = arith.xori %masked_cumsum3A, %reduce_max3A_306 : vector<16xi32>
        %reduce_max3A_308 = tpu.scan <max>, %reduce_max3A_307 masked %reduce_max3A_304 : vector<16xi32>, vector<16xi1> -> vector<16xi32>
        %reduce_max3A_309 = arith.xori %reduce_max3A_308, %reduce_max3A_306 : vector<16xi32>
        %reduce_max3A_310 = vector.extract %reduce_max3A_309[15] : i32 from vector<16xi32>
        %add3A_311 = arith.addi %while3A_277, %reduce_max3A_310 : i32
        scf.yield %add3A_311 : i32
      }
      %while3A_257 = arith.constant 1 : i32
      %while3A_258 = scf.for %while3A_276 = %while3A_254 to %while3A_250 step %while3A_257 iter_args(%while3A_277 = %while3A_256) -> (i32)  : i32 {
        %broadcast_in_dim3A_278 = vector.broadcast %reduce_max3A_228 : i32 to vector<16xi32>
        %mul3A_279 = arith.constant 16 : i32
        %mul3A_280 = arith.muli %while3A_276, %mul3A_279 : i32
        %add3A_281 = vector.broadcast %mul3A_280 : i32 to vector<16xi32>
        %add3A_282 = arith.addi %broadcast_in_dim3A_278, %add3A_281 : vector<16xi32>
        %add3A_283 = arith.addi %add3A_282, %iota3A : vector<16xi32>
        %gather3A_284 = tpu.vector_load_idx %arg8[%add3A_283] : memref<16384xi32, #tpu.memory_space<vmem>>[vector<16xi32>], vector<16xi32>,
        %gather3A_285 = tpu.vector_load_idx %arg9[%add3A_283] : memref<16384xi32, #tpu.memory_space<vmem>>[vector<16xi32>], vector<16xi32>,
        %shift_right_logical3A_286 = arith.constant 7 : i32
        %shift_right_logical3A_287 = vector.broadcast %shift_right_logical3A_286 : i32 to vector<16xi32>
        %shift_right_logical3A_288 = arith.shrui %gather3A_284, %shift_right_logical3A_287 : vector<16xi32>
        %eq3A_289 = arith.cmpi eq, %shift_right_logical3A_288, %broadcast_in_dim3A_218 : vector<16xi32>
        %lt3A_290 = arith.cmpi slt, %add3A_283, %broadcast_in_dim3A_239 : vector<16xi32>
        %and3A_291 = arith.andi %eq3A_289, %lt3A_290 : vector<16xi1>
        %jit3A_292 = arith.constant 1 : i32
        %jit3A_293 = arith.constant 0 : i32
        %broadcast_in_dim3A_294 = vector.broadcast %jit3A_292 : i32 to vector<16xi32>
        %broadcast_in_dim3A_295 = vector.broadcast %jit3A_293 : i32 to vector<16xi32>
        %select_n3A_296 = arith.select %and3A_291, %broadcast_in_dim3A_294, %broadcast_in_dim3A_295 : vector<16xi1>, vector<16xi32>
        %broadcast_in_dim3A_297 = arith.constant true
        %broadcast_in_dim3A_298 = vector.broadcast %broadcast_in_dim3A_297 : i1 to vector<16xi1>
        %masked_cumsum3A = tpu.scan <sum>, %select_n3A_296 masked %broadcast_in_dim3A_298 : vector<16xi32>, vector<16xi1> -> vector<16xi32>
        %broadcast_in_dim3A_299 = vector.broadcast %while3A_277 : i32 to vector<16xi32>
        %add3A_300 = arith.addi %broadcast_in_dim3A_299, %masked_cumsum3A : vector<16xi32>
        %sub3A_301 = arith.subi %add3A_300, %select_n3A_296 : vector<16xi32>
        %sub3A_302 = arith.subi %gather3A_284, %broadcast_in_dim3A_217 : vector<16xi32>
        tpu.vector_store_idx %arg6[%sub3A_301], %sub3A_302 masked %and3A_291 : memref<16384xi32, #tpu.memory_space<vmem>>[vector<16xi32>], vector<16xi32>, vector<16xi1>
        tpu.vector_store_idx %arg7[%sub3A_301], %gather3A_285 masked %and3A_291 : memref<16384xi32, #tpu.memory_space<vmem>>[vector<16xi32>], vector<16xi32>, vector<16xi1>
        %reduce_max3A_303 = arith.constant true
        %reduce_max3A_304 = vector.broadcast %reduce_max3A_303 : i1 to vector<16xi1>
        %reduce_max3A_305 = arith.constant -2147483648 : i32
        %reduce_max3A_306 = vector.broadcast %reduce_max3A_305 : i32 to vector<16xi32>
        %reduce_max3A_307 = arith.xori %masked_cumsum3A, %reduce_max3A_306 : vector<16xi32>
        %reduce_max3A_308 = tpu.scan <max>, %reduce_max3A_307 masked %reduce_max3A_304 : vector<16xi32>, vector<16xi1> -> vector<16xi32>
        %reduce_max3A_309 = arith.xori %reduce_max3A_308, %reduce_max3A_306 : vector<16xi32>
        %reduce_max3A_310 = vector.extract %reduce_max3A_309[15] : i32 from vector<16xi32>
        %add3A_311 = arith.addi %while3A_277, %reduce_max3A_310 : i32
        scf.yield %add3A_311 : i32
      }
      %while3A_259 = arith.constant 0 : i32
      %while3A_260 = arith.subi %while3A_258, %while3A_259 : i32
      %while3A_261 = arith.addi %while3A_259, %while3A_260 : i32
      %while3A_262 = arith.constant 1 : i32
      %while3A_263 = arith.divsi %while3A_260, %while3A_262 : i32
      %while3A_264 = arith.muli %while3A_263, %while3A_262 : i32
      %while3A_265 = arith.addi %while3A_259, %while3A_264 : i32
      %while3A_266 = arith.constant 1 : i32
      %while3A_267:2 = scf.for %while3A_276 = %while3A_259 to %while3A_265 step %while3A_266 iter_args(%while3A_277 = %while3A_195, %while3A_278 = %while3A_196) -> (i32, i32)  : i32 {
        %broadcast_in_dim3A_279 = vector.broadcast %while3A_276 : i32 to vector<16xi32>
        %gather3A_280 = tpu.vector_load_idx %arg6[%broadcast_in_dim3A_279] : memref<16384xi32, #tpu.memory_space<vmem>>[vector<16xi32>], vector<16xi32>,
        %broadcast_in_dim3A_281 = vector.broadcast %while3A_276 : i32 to vector<16xi32>
        %gather3A_282 = tpu.vector_load_idx %arg7[%broadcast_in_dim3A_281] : memref<16384xi32, #tpu.memory_space<vmem>>[vector<16xi32>], vector<16xi32>,
        %rem3A_283 = arith.constant 128 : i32
        %rem3A_284 = arith.remsi %while3A_277, %rem3A_283 : i32
        %broadcast_in_dim3A_285 = vector.broadcast %rem3A_198 : i32 to vector<16xi32>
        %add3A_286 = arith.constant 0 : i32
        %add3A_287 = vector.broadcast %add3A_286 : i32 to vector<16xi32>
        %add3A_288 = arith.addi %iota3A, %add3A_287 : vector<16xi32>
        %gather3A_289 = tpu.vector_load_idx %arg12[%broadcast_in_dim3A_285, %add3A_288, %gather3A_280] : memref<3x64x128xf32, #tpu.memory_space<vmem>>[vector<16xi32>, vector<16xi32>, vector<16xi32>], vector<16xf32>,
        %broadcast_in_dim3A_290 = vector.broadcast %rem3A_284 : i32 to vector<16xi32>
        %add3A_291 = arith.constant 0 : i32
        %add3A_292 = vector.broadcast %add3A_291 : i32 to vector<16xi32>
        %add3A_293 = arith.addi %iota3A, %add3A_292 : vector<16xi32>
        tpu.vector_store_idx %arg13[%broadcast_in_dim3A_290, %add3A_293], %gather3A_289 : memref<128x128xf32, #tpu.memory_space<vmem>>[vector<16xi32>, vector<16xi32>], vector<16xf32>,
        %broadcast_in_dim3A_294 = vector.broadcast %rem3A_198 : i32 to vector<16xi32>
        %add3A_295 = arith.constant 16 : i32
        %add3A_296 = vector.broadcast %add3A_295 : i32 to vector<16xi32>
        %add3A_297 = arith.addi %iota3A, %add3A_296 : vector<16xi32>
        %gather3A_298 = tpu.vector_load_idx %arg12[%broadcast_in_dim3A_294, %add3A_297, %gather3A_280] : memref<3x64x128xf32, #tpu.memory_space<vmem>>[vector<16xi32>, vector<16xi32>, vector<16xi32>], vector<16xf32>,
        %broadcast_in_dim3A_299 = vector.broadcast %rem3A_284 : i32 to vector<16xi32>
        %add3A_300 = arith.constant 16 : i32
        %add3A_301 = vector.broadcast %add3A_300 : i32 to vector<16xi32>
        %add3A_302 = arith.addi %iota3A, %add3A_301 : vector<16xi32>
        tpu.vector_store_idx %arg13[%broadcast_in_dim3A_299, %add3A_302], %gather3A_298 : memref<128x128xf32, #tpu.memory_space<vmem>>[vector<16xi32>, vector<16xi32>], vector<16xf32>,
        %broadcast_in_dim3A_303 = vector.broadcast %rem3A_198 : i32 to vector<16xi32>
        %add3A_304 = arith.constant 32 : i32
        %add3A_305 = vector.broadcast %add3A_304 : i32 to vector<16xi32>
        %add3A_306 = arith.addi %iota3A, %add3A_305 : vector<16xi32>
        %gather3A_307 = tpu.vector_load_idx %arg12[%broadcast_in_dim3A_303, %add3A_306, %gather3A_280] : memref<3x64x128xf32, #tpu.memory_space<vmem>>[vector<16xi32>, vector<16xi32>, vector<16xi32>], vector<16xf32>,
        %broadcast_in_dim3A_308 = vector.broadcast %rem3A_284 : i32 to vector<16xi32>
        %add3A_309 = arith.constant 32 : i32
        %add3A_310 = vector.broadcast %add3A_309 : i32 to vector<16xi32>
        %add3A_311 = arith.addi %iota3A, %add3A_310 : vector<16xi32>
        tpu.vector_store_idx %arg13[%broadcast_in_dim3A_308, %add3A_311], %gather3A_307 : memref<128x128xf32, #tpu.memory_space<vmem>>[vector<16xi32>, vector<16xi32>], vector<16xf32>,
        %broadcast_in_dim3A_312 = vector.broadcast %rem3A_198 : i32 to vector<16xi32>
        %add3A_313 = arith.constant 48 : i32
        %add3A_314 = vector.broadcast %add3A_313 : i32 to vector<16xi32>
        %add3A_315 = arith.addi %iota3A, %add3A_314 : vector<16xi32>
        %gather3A_316 = tpu.vector_load_idx %arg12[%broadcast_in_dim3A_312, %add3A_315, %gather3A_280] : memref<3x64x128xf32, #tpu.memory_space<vmem>>[vector<16xi32>, vector<16xi32>, vector<16xi32>], vector<16xf32>,
        %broadcast_in_dim3A_317 = vector.broadcast %rem3A_284 : i32 to vector<16xi32>
        %add3A_318 = arith.constant 48 : i32
        %add3A_319 = vector.broadcast %add3A_318 : i32 to vector<16xi32>
        %add3A_320 = arith.addi %iota3A, %add3A_319 : vector<16xi32>
        tpu.vector_store_idx %arg13[%broadcast_in_dim3A_317, %add3A_320], %gather3A_316 : memref<128x128xf32, #tpu.memory_space<vmem>>[vector<16xi32>, vector<16xi32>], vector<16xf32>,
        %broadcast_in_dim3A_321 = arith.constant 0 : i32
        %broadcast_in_dim3A_322 = vector.broadcast %broadcast_in_dim3A_321 : i32 to vector<16xi32>
        %broadcast_in_dim3A_323 = vector.broadcast %rem3A_284 : i32 to vector<16xi32>
        tpu.vector_store_idx %arg14[%broadcast_in_dim3A_322, %broadcast_in_dim3A_323], %gather3A_282 masked %eq3A : memref<1x128xi32, #tpu.memory_space<vmem>>[vector<16xi32>, vector<16xi32>], vector<16xi32>, vector<16xi1>
        %eq3A_324 = arith.constant 127 : i32
        %eq3A_325 = arith.cmpi eq, %rem3A_284, %eq3A_324 : i32
        %convert_element_type3A_326 = arith.extui %eq3A_325 : i1 to i32
        %cond3A_327 = arith.constant 0 : i32
        %cond3A_328 = arith.cmpi ne, %convert_element_type3A_326, %cond3A_327 : i32
        scf.if %cond3A_328 {
          %dma_start3A = arith.constant 0 : i32
          %dma_start3A_339 = arith.constant 0 : i32
          %dma_start3A_340 = tpu.memref_slice %arg14[%dma_start3A, %dma_start3A_339] : memref<1x128xi32, #tpu.memory_space<vmem>> -> memref<1x128xi32, #tpu.memory_space<vmem>>
          %dma_start3A_341 = tpu.memref_squeeze %dma_start3A_340 : memref<1x128xi32, #tpu.memory_space<vmem>> -> memref<128xi32, #tpu.memory_space<vmem>>
          %dma_start3A_342 = arith.constant 0 : i32
          %dma_start3A_343 = arith.constant 0 : i32
          %dma_start3A_344 = tpu.memref_slice %arg4[%dma_start3A_342, %dma_start3A_343] : memref<16384x128xf32, #tpu.memory_space<hbm>> -> memref<16384x128xf32, #tpu.memory_space<hbm>>
          tpu.enqueue_indirect_dma source(%arg13 : memref<128x128xf32, #tpu.memory_space<vmem>>) target(%dma_start3A_344 : memref<16384x128xf32, #tpu.memory_space<hbm>>) offsets(%dma_start3A_341 : memref<128xi32, #tpu.memory_space<vmem>>) semaphore(%arg18 : memref<!tpu.dma_semaphore, #tpu.memory_space<semaphore_mem>>)
          %dma_wait3A = arith.constant 0 : i32
          %dma_wait3A_345 = arith.constant 0 : i32
          %dma_wait3A_346 = tpu.memref_slice %arg14[%dma_wait3A, %dma_wait3A_345] : memref<1x128xi32, #tpu.memory_space<vmem>> -> memref<1x128xi32, #tpu.memory_space<vmem>>
          %dma_wait3A_347 = tpu.memref_squeeze %dma_wait3A_346 : memref<1x128xi32, #tpu.memory_space<vmem>> -> memref<128xi32, #tpu.memory_space<vmem>>
          %dma_wait3A_348 = arith.constant 0 : i32
          %dma_wait3A_349 = arith.constant 0 : i32
          %dma_wait3A_350 = tpu.memref_slice %arg4[%dma_wait3A_348, %dma_wait3A_349] : memref<16384x128xf32, #tpu.memory_space<hbm>> -> memref<16384x128xf32, #tpu.memory_space<hbm>>
          tpu.wait_indirect_dma semaphore(%arg18 : memref<!tpu.dma_semaphore, #tpu.memory_space<semaphore_mem>>) src(%arg13 : memref<128x128xf32, #tpu.memory_space<vmem>>) dst(%dma_wait3A_350 : memref<16384x128xf32, #tpu.memory_space<hbm>>)
        } else {
        }
        %add3A_329 = arith.constant 1 : i32
        %add3A_330 = arith.addi %while3A_277, %add3A_329 : i32
        %reduce_max3A_331 = arith.constant true
        %reduce_max3A_332 = vector.broadcast %reduce_max3A_331 : i1 to vector<16xi1>
        %reduce_max3A_333 = arith.constant -2147483648 : i32
        %reduce_max3A_334 = vector.broadcast %reduce_max3A_333 : i32 to vector<16xi32>
        %reduce_max3A_335 = arith.xori %gather3A_282, %reduce_max3A_334 : vector<16xi32>
        %reduce_max3A_336 = tpu.scan <max>, %reduce_max3A_335 masked %reduce_max3A_332 : vector<16xi32>, vector<16xi1> -> vector<16xi32>
        %reduce_max3A_337 = arith.xori %reduce_max3A_336, %reduce_max3A_334 : vector<16xi32>
        %reduce_max3A_338 = vector.extract %reduce_max3A_337[15] : i32 from vector<16xi32>
        scf.yield %add3A_330, %reduce_max3A_338 : i32, i32
      }
      %while3A_268 = arith.constant 1 : i32
      %while3A_269:2 = scf.for %while3A_276 = %while3A_265 to %while3A_261 step %while3A_268 iter_args(%while3A_277 = %while3A_267#0, %while3A_278 = %while3A_267#1) -> (i32, i32)  : i32 {
        %broadcast_in_dim3A_279 = vector.broadcast %while3A_276 : i32 to vector<16xi32>
        %gather3A_280 = tpu.vector_load_idx %arg6[%broadcast_in_dim3A_279] : memref<16384xi32, #tpu.memory_space<vmem>>[vector<16xi32>], vector<16xi32>,
        %broadcast_in_dim3A_281 = vector.broadcast %while3A_276 : i32 to vector<16xi32>
        %gather3A_282 = tpu.vector_load_idx %arg7[%broadcast_in_dim3A_281] : memref<16384xi32, #tpu.memory_space<vmem>>[vector<16xi32>], vector<16xi32>,
        %rem3A_283 = arith.constant 128 : i32
        %rem3A_284 = arith.remsi %while3A_277, %rem3A_283 : i32
        %broadcast_in_dim3A_285 = vector.broadcast %rem3A_198 : i32 to vector<16xi32>
        %add3A_286 = arith.constant 0 : i32
        %add3A_287 = vector.broadcast %add3A_286 : i32 to vector<16xi32>
        %add3A_288 = arith.addi %iota3A, %add3A_287 : vector<16xi32>
        %gather3A_289 = tpu.vector_load_idx %arg12[%broadcast_in_dim3A_285, %add3A_288, %gather3A_280] : memref<3x64x128xf32, #tpu.memory_space<vmem>>[vector<16xi32>, vector<16xi32>, vector<16xi32>], vector<16xf32>,
        %broadcast_in_dim3A_290 = vector.broadcast %rem3A_284 : i32 to vector<16xi32>
        %add3A_291 = arith.constant 0 : i32
        %add3A_292 = vector.broadcast %add3A_291 : i32 to vector<16xi32>
        %add3A_293 = arith.addi %iota3A, %add3A_292 : vector<16xi32>
        tpu.vector_store_idx %arg13[%broadcast_in_dim3A_290, %add3A_293], %gather3A_289 : memref<128x128xf32, #tpu.memory_space<vmem>>[vector<16xi32>, vector<16xi32>], vector<16xf32>,
        %broadcast_in_dim3A_294 = vector.broadcast %rem3A_198 : i32 to vector<16xi32>
        %add3A_295 = arith.constant 16 : i32
        %add3A_296 = vector.broadcast %add3A_295 : i32 to vector<16xi32>
        %add3A_297 = arith.addi %iota3A, %add3A_296 : vector<16xi32>
        %gather3A_298 = tpu.vector_load_idx %arg12[%broadcast_in_dim3A_294, %add3A_297, %gather3A_280] : memref<3x64x128xf32, #tpu.memory_space<vmem>>[vector<16xi32>, vector<16xi32>, vector<16xi32>], vector<16xf32>,
        %broadcast_in_dim3A_299 = vector.broadcast %rem3A_284 : i32 to vector<16xi32>
        %add3A_300 = arith.constant 16 : i32
        %add3A_301 = vector.broadcast %add3A_300 : i32 to vector<16xi32>
        %add3A_302 = arith.addi %iota3A, %add3A_301 : vector<16xi32>
        tpu.vector_store_idx %arg13[%broadcast_in_dim3A_299, %add3A_302], %gather3A_298 : memref<128x128xf32, #tpu.memory_space<vmem>>[vector<16xi32>, vector<16xi32>], vector<16xf32>,
        %broadcast_in_dim3A_303 = vector.broadcast %rem3A_198 : i32 to vector<16xi32>
        %add3A_304 = arith.constant 32 : i32
        %add3A_305 = vector.broadcast %add3A_304 : i32 to vector<16xi32>
        %add3A_306 = arith.addi %iota3A, %add3A_305 : vector<16xi32>
        %gather3A_307 = tpu.vector_load_idx %arg12[%broadcast_in_dim3A_303, %add3A_306, %gather3A_280] : memref<3x64x128xf32, #tpu.memory_space<vmem>>[vector<16xi32>, vector<16xi32>, vector<16xi32>], vector<16xf32>,
        %broadcast_in_dim3A_308 = vector.broadcast %rem3A_284 : i32 to vector<16xi32>
        %add3A_309 = arith.constant 32 : i32
        %add3A_310 = vector.broadcast %add3A_309 : i32 to vector<16xi32>
        %add3A_311 = arith.addi %iota3A, %add3A_310 : vector<16xi32>
        tpu.vector_store_idx %arg13[%broadcast_in_dim3A_308, %add3A_311], %gather3A_307 : memref<128x128xf32, #tpu.memory_space<vmem>>[vector<16xi32>, vector<16xi32>], vector<16xf32>,
        %broadcast_in_dim3A_312 = vector.broadcast %rem3A_198 : i32 to vector<16xi32>
        %add3A_313 = arith.constant 48 : i32
        %add3A_314 = vector.broadcast %add3A_313 : i32 to vector<16xi32>
        %add3A_315 = arith.addi %iota3A, %add3A_314 : vector<16xi32>
        %gather3A_316 = tpu.vector_load_idx %arg12[%broadcast_in_dim3A_312, %add3A_315, %gather3A_280] : memref<3x64x128xf32, #tpu.memory_space<vmem>>[vector<16xi32>, vector<16xi32>, vector<16xi32>], vector<16xf32>,
        %broadcast_in_dim3A_317 = vector.broadcast %rem3A_284 : i32 to vector<16xi32>
        %add3A_318 = arith.constant 48 : i32
        %add3A_319 = vector.broadcast %add3A_318 : i32 to vector<16xi32>
        %add3A_320 = arith.addi %iota3A, %add3A_319 : vector<16xi32>
        tpu.vector_store_idx %arg13[%broadcast_in_dim3A_317, %add3A_320], %gather3A_316 : memref<128x128xf32, #tpu.memory_space<vmem>>[vector<16xi32>, vector<16xi32>], vector<16xf32>,
        %broadcast_in_dim3A_321 = arith.constant 0 : i32
        %broadcast_in_dim3A_322 = vector.broadcast %broadcast_in_dim3A_321 : i32 to vector<16xi32>
        %broadcast_in_dim3A_323 = vector.broadcast %rem3A_284 : i32 to vector<16xi32>
        tpu.vector_store_idx %arg14[%broadcast_in_dim3A_322, %broadcast_in_dim3A_323], %gather3A_282 masked %eq3A : memref<1x128xi32, #tpu.memory_space<vmem>>[vector<16xi32>, vector<16xi32>], vector<16xi32>, vector<16xi1>
        %eq3A_324 = arith.constant 127 : i32
        %eq3A_325 = arith.cmpi eq, %rem3A_284, %eq3A_324 : i32
        %convert_element_type3A_326 = arith.extui %eq3A_325 : i1 to i32
        %cond3A_327 = arith.constant 0 : i32
        %cond3A_328 = arith.cmpi ne, %convert_element_type3A_326, %cond3A_327 : i32
        scf.if %cond3A_328 {
          %dma_start3A = arith.constant 0 : i32
          %dma_start3A_339 = arith.constant 0 : i32
          %dma_start3A_340 = tpu.memref_slice %arg14[%dma_start3A, %dma_start3A_339] : memref<1x128xi32, #tpu.memory_space<vmem>> -> memref<1x128xi32, #tpu.memory_space<vmem>>
          %dma_start3A_341 = tpu.memref_squeeze %dma_start3A_340 : memref<1x128xi32, #tpu.memory_space<vmem>> -> memref<128xi32, #tpu.memory_space<vmem>>
          %dma_start3A_342 = arith.constant 0 : i32
          %dma_start3A_343 = arith.constant 0 : i32
          %dma_start3A_344 = tpu.memref_slice %arg4[%dma_start3A_342, %dma_start3A_343] : memref<16384x128xf32, #tpu.memory_space<hbm>> -> memref<16384x128xf32, #tpu.memory_space<hbm>>
          tpu.enqueue_indirect_dma source(%arg13 : memref<128x128xf32, #tpu.memory_space<vmem>>) target(%dma_start3A_344 : memref<16384x128xf32, #tpu.memory_space<hbm>>) offsets(%dma_start3A_341 : memref<128xi32, #tpu.memory_space<vmem>>) semaphore(%arg18 : memref<!tpu.dma_semaphore, #tpu.memory_space<semaphore_mem>>)
          %dma_wait3A = arith.constant 0 : i32
          %dma_wait3A_345 = arith.constant 0 : i32
          %dma_wait3A_346 = tpu.memref_slice %arg14[%dma_wait3A, %dma_wait3A_345] : memref<1x128xi32, #tpu.memory_space<vmem>> -> memref<1x128xi32, #tpu.memory_space<vmem>>
          %dma_wait3A_347 = tpu.memref_squeeze %dma_wait3A_346 : memref<1x128xi32, #tpu.memory_space<vmem>> -> memref<128xi32, #tpu.memory_space<vmem>>
          %dma_wait3A_348 = arith.constant 0 : i32
          %dma_wait3A_349 = arith.constant 0 : i32
          %dma_wait3A_350 = tpu.memref_slice %arg4[%dma_wait3A_348, %dma_wait3A_349] : memref<16384x128xf32, #tpu.memory_space<hbm>> -> memref<16384x128xf32, #tpu.memory_space<hbm>>
          tpu.wait_indirect_dma semaphore(%arg18 : memref<!tpu.dma_semaphore, #tpu.memory_space<semaphore_mem>>) src(%arg13 : memref<128x128xf32, #tpu.memory_space<vmem>>) dst(%dma_wait3A_350 : memref<16384x128xf32, #tpu.memory_space<hbm>>)
        } else {
        }
        %add3A_329 = arith.constant 1 : i32
        %add3A_330 = arith.addi %while3A_277, %add3A_329 : i32
        %reduce_max3A_331 = arith.constant true
        %reduce_max3A_332 = vector.broadcast %reduce_max3A_331 : i1 to vector<16xi1>
        %reduce_max3A_333 = arith.constant -2147483648 : i32
        %reduce_max3A_334 = vector.broadcast %reduce_max3A_333 : i32 to vector<16xi32>
        %reduce_max3A_335 = arith.xori %gather3A_282, %reduce_max3A_334 : vector<16xi32>
        %reduce_max3A_336 = tpu.scan <max>, %reduce_max3A_335 masked %reduce_max3A_332 : vector<16xi32>, vector<16xi1> -> vector<16xi32>
        %reduce_max3A_337 = arith.xori %reduce_max3A_336, %reduce_max3A_334 : vector<16xi32>
        %reduce_max3A_338 = vector.extract %reduce_max3A_337[15] : i32 from vector<16xi32>
        scf.yield %add3A_330, %reduce_max3A_338 : i32, i32
      }
      %add3A_270 = arith.constant 3 : i32
      %add3A_271 = arith.addi %while3A_194, %add3A_270 : i32
      %lt3A_272 = arith.cmpi slt, %add3A_271, %add3A_8 : i32
      %convert_element_type3A_273 = arith.extui %lt3A_272 : i1 to i32
      %cond3A_274 = arith.constant 0 : i32
      %cond3A_275 = arith.cmpi ne, %convert_element_type3A_273, %cond3A_274 : i32
      scf.if %cond3A_275 {
        %eq3A_276 = arith.constant 0 : i32
        %eq3A_277 = arith.cmpi eq, %rem3A_198, %eq3A_276 : i32
        %convert_element_type3A_278 = arith.extui %eq3A_277 : i1 to i32
        %cond3A_279 = arith.constant 0 : i32
        %cond3A_280 = arith.cmpi ne, %convert_element_type3A_278, %cond3A_279 : i32
        scf.if %cond3A_280 {
          %add3A_291 = arith.constant 3 : i32
          %add3A_292 = arith.addi %add3A_199, %add3A_291 : i32
          %mul3A_293 = arith.constant 128 : i32
          %mul3A_294 = arith.muli %add3A_292, %mul3A_293 : i32
          %multiple_of3A = tpu.assume_multiple %mul3A_294, 128 : i32
          %dma_start3A = arith.constant 0 : i32
          %dma_start3A_295 = arith.constant 0 : i32
          %dma_start3A_296 = arith.constant 0 : i32
          %dma_start3A_297 = tpu.memref_slice %arg12[%dma_start3A, %dma_start3A_295, %dma_start3A_296] : memref<3x64x128xf32, #tpu.memory_space<vmem>> -> memref<1x64x128xf32, #tpu.memory_space<vmem>>
          %dma_start3A_298 = tpu.memref_squeeze %dma_start3A_297 : memref<1x64x128xf32, #tpu.memory_space<vmem>> -> memref<64x128xf32, #tpu.memory_space<vmem>>
          %dma_start3A_299 = arith.constant 0 : i32
          %dma_start3A_300 = tpu.memref_slice %arg3[%dma_start3A_299, %multiple_of3A] : memref<64x1000000xf32, #tpu.memory_space<hbm>> -> memref<64x128xf32, #tpu.memory_space<hbm>>
          %dma_start3A_301 = arith.constant 0 : i32
          %dma_start3A_302 = arith.constant 0 : i32
          %dma_start3A_303 = tpu.memref_slice %arg12[%dma_start3A, %dma_start3A_301, %dma_start3A_302] : memref<3x64x128xf32, #tpu.memory_space<vmem>> -> memref<1x64x128xf32, #tpu.memory_space<vmem>>
          %dma_start3A_304 = tpu.memref_squeeze %dma_start3A_303 : memref<1x64x128xf32, #tpu.memory_space<vmem>> -> memref<64x128xf32, #tpu.memory_space<vmem>>
          %dma_start3A_305 = arith.constant 0 : i32
          %dma_start3A_306 = tpu.memref_slice %arg3[%dma_start3A_305, %multiple_of3A] : memref<64x1000000xf32, #tpu.memory_space<hbm>> -> memref<64x128xf32, #tpu.memory_space<hbm>>
          tpu.enqueue_dma source(%dma_start3A_306 : memref<64x128xf32, #tpu.memory_space<hbm>>) target(%dma_start3A_304 : memref<64x128xf32, #tpu.memory_space<vmem>>) target_semaphore(%arg15 : memref<!tpu.dma_semaphore, #tpu.memory_space<semaphore_mem>>)
        } else {
        }
        %eq3A_281 = arith.constant 1 : i32
        %eq3A_282 = arith.cmpi eq, %rem3A_198, %eq3A_281 : i32
        %convert_element_type3A_283 = arith.extui %eq3A_282 : i1 to i32
        %cond3A_284 = arith.constant 0 : i32
        %cond3A_285 = arith.cmpi ne, %convert_element_type3A_283, %cond3A_284 : i32
        scf.if %cond3A_285 {
          %add3A_291 = arith.constant 3 : i32
          %add3A_292 = arith.addi %add3A_199, %add3A_291 : i32
          %mul3A_293 = arith.constant 128 : i32
          %mul3A_294 = arith.muli %add3A_292, %mul3A_293 : i32
          %multiple_of3A = tpu.assume_multiple %mul3A_294, 128 : i32
          %dma_start3A = arith.constant 1 : i32
          %dma_start3A_295 = arith.constant 0 : i32
          %dma_start3A_296 = arith.constant 0 : i32
          %dma_start3A_297 = tpu.memref_slice %arg12[%dma_start3A, %dma_start3A_295, %dma_start3A_296] : memref<3x64x128xf32, #tpu.memory_space<vmem>> -> memref<1x64x128xf32, #tpu.memory_space<vmem>>
          %dma_start3A_298 = tpu.memref_squeeze %dma_start3A_297 : memref<1x64x128xf32, #tpu.memory_space<vmem>> -> memref<64x128xf32, #tpu.memory_space<vmem>>
          %dma_start3A_299 = arith.constant 0 : i32
          %dma_start3A_300 = tpu.memref_slice %arg3[%dma_start3A_299, %multiple_of3A] : memref<64x1000000xf32, #tpu.memory_space<hbm>> -> memref<64x128xf32, #tpu.memory_space<hbm>>
          %dma_start3A_301 = arith.constant 0 : i32
          %dma_start3A_302 = arith.constant 0 : i32
          %dma_start3A_303 = tpu.memref_slice %arg12[%dma_start3A, %dma_start3A_301, %dma_start3A_302] : memref<3x64x128xf32, #tpu.memory_space<vmem>> -> memref<1x64x128xf32, #tpu.memory_space<vmem>>
          %dma_start3A_304 = tpu.memref_squeeze %dma_start3A_303 : memref<1x64x128xf32, #tpu.memory_space<vmem>> -> memref<64x128xf32, #tpu.memory_space<vmem>>
          %dma_start3A_305 = arith.constant 0 : i32
          %dma_start3A_306 = tpu.memref_slice %arg3[%dma_start3A_305, %multiple_of3A] : memref<64x1000000xf32, #tpu.memory_space<hbm>> -> memref<64x128xf32, #tpu.memory_space<hbm>>
          tpu.enqueue_dma source(%dma_start3A_306 : memref<64x128xf32, #tpu.memory_space<hbm>>) target(%dma_start3A_304 : memref<64x128xf32, #tpu.memory_space<vmem>>) target_semaphore(%arg16 : memref<!tpu.dma_semaphore, #tpu.memory_space<semaphore_mem>>)
        } else {
        }
        %eq3A_286 = arith.constant 2 : i32
        %eq3A_287 = arith.cmpi eq, %rem3A_198, %eq3A_286 : i32
        %convert_element_type3A_288 = arith.extui %eq3A_287 : i1 to i32
        %cond3A_289 = arith.constant 0 : i32
        %cond3A_290 = arith.cmpi ne, %convert_element_type3A_288, %cond3A_289 : i32
        scf.if %cond3A_290 {
          %add3A_291 = arith.constant 3 : i32
          %add3A_292 = arith.addi %add3A_199, %add3A_291 : i32
          %mul3A_293 = arith.constant 128 : i32
          %mul3A_294 = arith.muli %add3A_292, %mul3A_293 : i32
          %multiple_of3A = tpu.assume_multiple %mul3A_294, 128 : i32
          %dma_start3A = arith.constant 2 : i32
          %dma_start3A_295 = arith.constant 0 : i32
          %dma_start3A_296 = arith.constant 0 : i32
          %dma_start3A_297 = tpu.memref_slice %arg12[%dma_start3A, %dma_start3A_295, %dma_start3A_296] : memref<3x64x128xf32, #tpu.memory_space<vmem>> -> memref<1x64x128xf32, #tpu.memory_space<vmem>>
          %dma_start3A_298 = tpu.memref_squeeze %dma_start3A_297 : memref<1x64x128xf32, #tpu.memory_space<vmem>> -> memref<64x128xf32, #tpu.memory_space<vmem>>
          %dma_start3A_299 = arith.constant 0 : i32
          %dma_start3A_300 = tpu.memref_slice %arg3[%dma_start3A_299, %multiple_of3A] : memref<64x1000000xf32, #tpu.memory_space<hbm>> -> memref<64x128xf32, #tpu.memory_space<hbm>>
          %dma_start3A_301 = arith.constant 0 : i32
          %dma_start3A_302 = arith.constant 0 : i32
          %dma_start3A_303 = tpu.memref_slice %arg12[%dma_start3A, %dma_start3A_301, %dma_start3A_302] : memref<3x64x128xf32, #tpu.memory_space<vmem>> -> memref<1x64x128xf32, #tpu.memory_space<vmem>>
          %dma_start3A_304 = tpu.memref_squeeze %dma_start3A_303 : memref<1x64x128xf32, #tpu.memory_space<vmem>> -> memref<64x128xf32, #tpu.memory_space<vmem>>
          %dma_start3A_305 = arith.constant 0 : i32
          %dma_start3A_306 = tpu.memref_slice %arg3[%dma_start3A_305, %multiple_of3A] : memref<64x1000000xf32, #tpu.memory_space<hbm>> -> memref<64x128xf32, #tpu.memory_space<hbm>>
          tpu.enqueue_dma source(%dma_start3A_306 : memref<64x128xf32, #tpu.memory_space<hbm>>) target(%dma_start3A_304 : memref<64x128xf32, #tpu.memory_space<vmem>>) target_semaphore(%arg17 : memref<!tpu.dma_semaphore, #tpu.memory_space<semaphore_mem>>)
        } else {
        }
      } else {
      }
      scf.yield %while3A_269#0, %while3A_269#1 : i32, i32
    }
    %while3A_184 = arith.constant 1 : i32
    %while3A_185:2 = scf.for %while3A_194 = %while3A_181 to %while3A_177 step %while3A_184 iter_args(%while3A_195 = %while3A_183#0, %while3A_196 = %while3A_183#1) -> (i32, i32)  : i32 {
      %rem3A_197 = arith.constant 3 : i32
      %rem3A_198 = arith.remsi %while3A_194, %rem3A_197 : i32
      %add3A_199 = arith.addi %add3A_4, %while3A_194 : i32
      %eq3A_200 = arith.constant 0 : i32
      %eq3A_201 = arith.cmpi eq, %rem3A_198, %eq3A_200 : i32
      %convert_element_type3A_202 = arith.extui %eq3A_201 : i1 to i32
      %cond3A_203 = arith.constant 0 : i32
      %cond3A_204 = arith.cmpi ne, %convert_element_type3A_202, %cond3A_203 : i32
      scf.if %cond3A_204 {
        %dma_wait3A = arith.constant 0 : i32
        %dma_wait3A_276 = arith.constant 0 : i32
        %dma_wait3A_277 = arith.constant 0 : i32
        %dma_wait3A_278 = tpu.memref_slice %arg12[%dma_wait3A, %dma_wait3A_276, %dma_wait3A_277] : memref<3x64x128xf32, #tpu.memory_space<vmem>> -> memref<1x64x128xf32, #tpu.memory_space<vmem>>
        %dma_wait3A_279 = tpu.memref_squeeze %dma_wait3A_278 : memref<1x64x128xf32, #tpu.memory_space<vmem>> -> memref<64x128xf32, #tpu.memory_space<vmem>>
        %dma_wait3A_280 = arith.constant 0 : i32
        %dma_wait3A_281 = arith.constant 0 : i32
        %dma_wait3A_282 = tpu.memref_slice %arg3[%dma_wait3A_280, %dma_wait3A_281] : memref<64x1000000xf32, #tpu.memory_space<hbm>> -> memref<64x128xf32, #tpu.memory_space<hbm>>
        %dma_wait3A_283 = arith.constant 0 : i32
        %dma_wait3A_284 = arith.constant 0 : i32
        %dma_wait3A_285 = tpu.memref_slice %arg12[%dma_wait3A, %dma_wait3A_283, %dma_wait3A_284] : memref<3x64x128xf32, #tpu.memory_space<vmem>> -> memref<1x64x128xf32, #tpu.memory_space<vmem>>
        %dma_wait3A_286 = tpu.memref_squeeze %dma_wait3A_285 : memref<1x64x128xf32, #tpu.memory_space<vmem>> -> memref<64x128xf32, #tpu.memory_space<vmem>>
        %dma_wait3A_287 = arith.constant 0 : i32
        %dma_wait3A_288 = arith.constant 0 : i32
        %dma_wait3A_289 = tpu.memref_slice %arg3[%dma_wait3A_287, %dma_wait3A_288] : memref<64x1000000xf32, #tpu.memory_space<hbm>> -> memref<64x128xf32, #tpu.memory_space<hbm>>
        tpu.wait_dma2 semaphore(%arg15 : memref<!tpu.dma_semaphore, #tpu.memory_space<semaphore_mem>>) src(%dma_wait3A_289 : memref<64x128xf32, #tpu.memory_space<hbm>>) dst(%dma_wait3A_286 : memref<64x128xf32, #tpu.memory_space<vmem>>)
      } else {
      }
      %eq3A_205 = arith.constant 1 : i32
      %eq3A_206 = arith.cmpi eq, %rem3A_198, %eq3A_205 : i32
      %convert_element_type3A_207 = arith.extui %eq3A_206 : i1 to i32
      %cond3A_208 = arith.constant 0 : i32
      %cond3A_209 = arith.cmpi ne, %convert_element_type3A_207, %cond3A_208 : i32
      scf.if %cond3A_209 {
        %dma_wait3A = arith.constant 1 : i32
        %dma_wait3A_276 = arith.constant 0 : i32
        %dma_wait3A_277 = arith.constant 0 : i32
        %dma_wait3A_278 = tpu.memref_slice %arg12[%dma_wait3A, %dma_wait3A_276, %dma_wait3A_277] : memref<3x64x128xf32, #tpu.memory_space<vmem>> -> memref<1x64x128xf32, #tpu.memory_space<vmem>>
        %dma_wait3A_279 = tpu.memref_squeeze %dma_wait3A_278 : memref<1x64x128xf32, #tpu.memory_space<vmem>> -> memref<64x128xf32, #tpu.memory_space<vmem>>
        %dma_wait3A_280 = arith.constant 0 : i32
        %dma_wait3A_281 = arith.constant 0 : i32
        %dma_wait3A_282 = tpu.memref_slice %arg3[%dma_wait3A_280, %dma_wait3A_281] : memref<64x1000000xf32, #tpu.memory_space<hbm>> -> memref<64x128xf32, #tpu.memory_space<hbm>>
        %dma_wait3A_283 = arith.constant 0 : i32
        %dma_wait3A_284 = arith.constant 0 : i32
        %dma_wait3A_285 = tpu.memref_slice %arg12[%dma_wait3A, %dma_wait3A_283, %dma_wait3A_284] : memref<3x64x128xf32, #tpu.memory_space<vmem>> -> memref<1x64x128xf32, #tpu.memory_space<vmem>>
        %dma_wait3A_286 = tpu.memref_squeeze %dma_wait3A_285 : memref<1x64x128xf32, #tpu.memory_space<vmem>> -> memref<64x128xf32, #tpu.memory_space<vmem>>
        %dma_wait3A_287 = arith.constant 0 : i32
        %dma_wait3A_288 = arith.constant 0 : i32
        %dma_wait3A_289 = tpu.memref_slice %arg3[%dma_wait3A_287, %dma_wait3A_288] : memref<64x1000000xf32, #tpu.memory_space<hbm>> -> memref<64x128xf32, #tpu.memory_space<hbm>>
        tpu.wait_dma2 semaphore(%arg16 : memref<!tpu.dma_semaphore, #tpu.memory_space<semaphore_mem>>) src(%dma_wait3A_289 : memref<64x128xf32, #tpu.memory_space<hbm>>) dst(%dma_wait3A_286 : memref<64x128xf32, #tpu.memory_space<vmem>>)
      } else {
      }
      %eq3A_210 = arith.constant 2 : i32
      %eq3A_211 = arith.cmpi eq, %rem3A_198, %eq3A_210 : i32
      %convert_element_type3A_212 = arith.extui %eq3A_211 : i1 to i32
      %cond3A_213 = arith.constant 0 : i32
      %cond3A_214 = arith.cmpi ne, %convert_element_type3A_212, %cond3A_213 : i32
      scf.if %cond3A_214 {
        %dma_wait3A = arith.constant 2 : i32
        %dma_wait3A_276 = arith.constant 0 : i32
        %dma_wait3A_277 = arith.constant 0 : i32
        %dma_wait3A_278 = tpu.memref_slice %arg12[%dma_wait3A, %dma_wait3A_276, %dma_wait3A_277] : memref<3x64x128xf32, #tpu.memory_space<vmem>> -> memref<1x64x128xf32, #tpu.memory_space<vmem>>
        %dma_wait3A_279 = tpu.memref_squeeze %dma_wait3A_278 : memref<1x64x128xf32, #tpu.memory_space<vmem>> -> memref<64x128xf32, #tpu.memory_space<vmem>>
        %dma_wait3A_280 = arith.constant 0 : i32
        %dma_wait3A_281 = arith.constant 0 : i32
        %dma_wait3A_282 = tpu.memref_slice %arg3[%dma_wait3A_280, %dma_wait3A_281] : memref<64x1000000xf32, #tpu.memory_space<hbm>> -> memref<64x128xf32, #tpu.memory_space<hbm>>
        %dma_wait3A_283 = arith.constant 0 : i32
        %dma_wait3A_284 = arith.constant 0 : i32
        %dma_wait3A_285 = tpu.memref_slice %arg12[%dma_wait3A, %dma_wait3A_283, %dma_wait3A_284] : memref<3x64x128xf32, #tpu.memory_space<vmem>> -> memref<1x64x128xf32, #tpu.memory_space<vmem>>
        %dma_wait3A_286 = tpu.memref_squeeze %dma_wait3A_285 : memref<1x64x128xf32, #tpu.memory_space<vmem>> -> memref<64x128xf32, #tpu.memory_space<vmem>>
        %dma_wait3A_287 = arith.constant 0 : i32
        %dma_wait3A_288 = arith.constant 0 : i32
        %dma_wait3A_289 = tpu.memref_slice %arg3[%dma_wait3A_287, %dma_wait3A_288] : memref<64x1000000xf32, #tpu.memory_space<hbm>> -> memref<64x128xf32, #tpu.memory_space<hbm>>
        tpu.wait_dma2 semaphore(%arg17 : memref<!tpu.dma_semaphore, #tpu.memory_space<semaphore_mem>>) src(%dma_wait3A_289 : memref<64x128xf32, #tpu.memory_space<hbm>>) dst(%dma_wait3A_286 : memref<64x128xf32, #tpu.memory_space<vmem>>)
      } else {
      }
      %mul3A_215 = arith.constant 128 : i32
      %mul3A_216 = arith.muli %add3A_199, %mul3A_215 : i32
      %broadcast_in_dim3A_217 = vector.broadcast %mul3A_216 : i32 to vector<16xi32>
      %broadcast_in_dim3A_218 = vector.broadcast %add3A_199 : i32 to vector<16xi32>
      %sub3A_219 = arith.subi %add3A_199, %add3A_4 : i32
      %shift_right_logical3A = arith.constant 5 : i32
      %shift_right_logical3A_220 = arith.shrui %sub3A_219, %shift_right_logical3A : i32
      %broadcast_in_dim3A_221 = vector.broadcast %shift_right_logical3A_220 : i32 to vector<16xi32>
      %gather3A = tpu.vector_load_idx %arg10[%broadcast_in_dim3A_221] : memref<16xi32, #tpu.memory_space<vmem>>[vector<16xi32>], vector<16xi32>,
      %reduce_max3A = arith.constant true
      %reduce_max3A_222 = vector.broadcast %reduce_max3A : i1 to vector<16xi1>
      %reduce_max3A_223 = arith.constant -2147483648 : i32
      %reduce_max3A_224 = vector.broadcast %reduce_max3A_223 : i32 to vector<16xi32>
      %reduce_max3A_225 = arith.xori %gather3A, %reduce_max3A_224 : vector<16xi32>
      %reduce_max3A_226 = tpu.scan <max>, %reduce_max3A_225 masked %reduce_max3A_222 : vector<16xi32>, vector<16xi1> -> vector<16xi32>
      %reduce_max3A_227 = arith.xori %reduce_max3A_226, %reduce_max3A_224 : vector<16xi32>
      %reduce_max3A_228 = vector.extract %reduce_max3A_227[15] : i32 from vector<16xi32>
      %broadcast_in_dim3A_229 = vector.broadcast %shift_right_logical3A_220 : i32 to vector<16xi32>
      %gather3A_230 = tpu.vector_load_idx %arg11[%broadcast_in_dim3A_229] : memref<16xi32, #tpu.memory_space<vmem>>[vector<16xi32>], vector<16xi32>,
      %reduce_max3A_231 = arith.constant true
      %reduce_max3A_232 = vector.broadcast %reduce_max3A_231 : i1 to vector<16xi1>
      %reduce_max3A_233 = arith.constant -2147483648 : i32
      %reduce_max3A_234 = vector.broadcast %reduce_max3A_233 : i32 to vector<16xi32>
      %reduce_max3A_235 = arith.xori %gather3A_230, %reduce_max3A_234 : vector<16xi32>
      %reduce_max3A_236 = tpu.scan <max>, %reduce_max3A_235 masked %reduce_max3A_232 : vector<16xi32>, vector<16xi1> -> vector<16xi32>
      %reduce_max3A_237 = arith.xori %reduce_max3A_236, %reduce_max3A_234 : vector<16xi32>
      %reduce_max3A_238 = vector.extract %reduce_max3A_237[15] : i32 from vector<16xi32>
      %broadcast_in_dim3A_239 = vector.broadcast %reduce_max3A_238 : i32 to vector<16xi32>
      %sub3A_240 = arith.subi %reduce_max3A_238, %reduce_max3A_228 : i32
      %add3A_241 = arith.constant 16 : i32
      %add3A_242 = arith.addi %sub3A_240, %add3A_241 : i32
      %sub3A_243 = arith.constant 1 : i32
      %sub3A_244 = arith.subi %add3A_242, %sub3A_243 : i32
      %div3A_245 = arith.constant 16 : i32
      %div3A_246 = arith.divsi %sub3A_244, %div3A_245 : i32
      %while3A_247 = arith.constant 0 : i32
      %while3A_248 = arith.constant 0 : i32
      %while3A_249 = arith.subi %div3A_246, %while3A_247 : i32
      %while3A_250 = arith.addi %while3A_247, %while3A_249 : i32
      %while3A_251 = arith.constant 1 : i32
      %while3A_252 = arith.divsi %while3A_249, %while3A_251 : i32
      %while3A_253 = arith.muli %while3A_252, %while3A_251 : i32
      %while3A_254 = arith.addi %while3A_247, %while3A_253 : i32
      %while3A_255 = arith.constant 1 : i32
      %while3A_256 = scf.for %while3A_276 = %while3A_247 to %while3A_254 step %while3A_255 iter_args(%while3A_277 = %while3A_248) -> (i32)  : i32 {
        %broadcast_in_dim3A_278 = vector.broadcast %reduce_max3A_228 : i32 to vector<16xi32>
        %mul3A_279 = arith.constant 16 : i32
        %mul3A_280 = arith.muli %while3A_276, %mul3A_279 : i32
        %add3A_281 = vector.broadcast %mul3A_280 : i32 to vector<16xi32>
        %add3A_282 = arith.addi %broadcast_in_dim3A_278, %add3A_281 : vector<16xi32>
        %add3A_283 = arith.addi %add3A_282, %iota3A : vector<16xi32>
        %gather3A_284 = tpu.vector_load_idx %arg8[%add3A_283] : memref<16384xi32, #tpu.memory_space<vmem>>[vector<16xi32>], vector<16xi32>,
        %gather3A_285 = tpu.vector_load_idx %arg9[%add3A_283] : memref<16384xi32, #tpu.memory_space<vmem>>[vector<16xi32>], vector<16xi32>,
        %shift_right_logical3A_286 = arith.constant 7 : i32
        %shift_right_logical3A_287 = vector.broadcast %shift_right_logical3A_286 : i32 to vector<16xi32>
        %shift_right_logical3A_288 = arith.shrui %gather3A_284, %shift_right_logical3A_287 : vector<16xi32>
        %eq3A_289 = arith.cmpi eq, %shift_right_logical3A_288, %broadcast_in_dim3A_218 : vector<16xi32>
        %lt3A_290 = arith.cmpi slt, %add3A_283, %broadcast_in_dim3A_239 : vector<16xi32>
        %and3A_291 = arith.andi %eq3A_289, %lt3A_290 : vector<16xi1>
        %jit3A_292 = arith.constant 1 : i32
        %jit3A_293 = arith.constant 0 : i32
        %broadcast_in_dim3A_294 = vector.broadcast %jit3A_292 : i32 to vector<16xi32>
        %broadcast_in_dim3A_295 = vector.broadcast %jit3A_293 : i32 to vector<16xi32>
        %select_n3A_296 = arith.select %and3A_291, %broadcast_in_dim3A_294, %broadcast_in_dim3A_295 : vector<16xi1>, vector<16xi32>
        %broadcast_in_dim3A_297 = arith.constant true
        %broadcast_in_dim3A_298 = vector.broadcast %broadcast_in_dim3A_297 : i1 to vector<16xi1>
        %masked_cumsum3A = tpu.scan <sum>, %select_n3A_296 masked %broadcast_in_dim3A_298 : vector<16xi32>, vector<16xi1> -> vector<16xi32>
        %broadcast_in_dim3A_299 = vector.broadcast %while3A_277 : i32 to vector<16xi32>
        %add3A_300 = arith.addi %broadcast_in_dim3A_299, %masked_cumsum3A : vector<16xi32>
        %sub3A_301 = arith.subi %add3A_300, %select_n3A_296 : vector<16xi32>
        %sub3A_302 = arith.subi %gather3A_284, %broadcast_in_dim3A_217 : vector<16xi32>
        tpu.vector_store_idx %arg6[%sub3A_301], %sub3A_302 masked %and3A_291 : memref<16384xi32, #tpu.memory_space<vmem>>[vector<16xi32>], vector<16xi32>, vector<16xi1>
        tpu.vector_store_idx %arg7[%sub3A_301], %gather3A_285 masked %and3A_291 : memref<16384xi32, #tpu.memory_space<vmem>>[vector<16xi32>], vector<16xi32>, vector<16xi1>
        %reduce_max3A_303 = arith.constant true
        %reduce_max3A_304 = vector.broadcast %reduce_max3A_303 : i1 to vector<16xi1>
        %reduce_max3A_305 = arith.constant -2147483648 : i32
        %reduce_max3A_306 = vector.broadcast %reduce_max3A_305 : i32 to vector<16xi32>
        %reduce_max3A_307 = arith.xori %masked_cumsum3A, %reduce_max3A_306 : vector<16xi32>
        %reduce_max3A_308 = tpu.scan <max>, %reduce_max3A_307 masked %reduce_max3A_304 : vector<16xi32>, vector<16xi1> -> vector<16xi32>
        %reduce_max3A_309 = arith.xori %reduce_max3A_308, %reduce_max3A_306 : vector<16xi32>
        %reduce_max3A_310 = vector.extract %reduce_max3A_309[15] : i32 from vector<16xi32>
        %add3A_311 = arith.addi %while3A_277, %reduce_max3A_310 : i32
        scf.yield %add3A_311 : i32
      }
      %while3A_257 = arith.constant 1 : i32
      %while3A_258 = scf.for %while3A_276 = %while3A_254 to %while3A_250 step %while3A_257 iter_args(%while3A_277 = %while3A_256) -> (i32)  : i32 {
        %broadcast_in_dim3A_278 = vector.broadcast %reduce_max3A_228 : i32 to vector<16xi32>
        %mul3A_279 = arith.constant 16 : i32
        %mul3A_280 = arith.muli %while3A_276, %mul3A_279 : i32
        %add3A_281 = vector.broadcast %mul3A_280 : i32 to vector<16xi32>
        %add3A_282 = arith.addi %broadcast_in_dim3A_278, %add3A_281 : vector<16xi32>
        %add3A_283 = arith.addi %add3A_282, %iota3A : vector<16xi32>
        %gather3A_284 = tpu.vector_load_idx %arg8[%add3A_283] : memref<16384xi32, #tpu.memory_space<vmem>>[vector<16xi32>], vector<16xi32>,
        %gather3A_285 = tpu.vector_load_idx %arg9[%add3A_283] : memref<16384xi32, #tpu.memory_space<vmem>>[vector<16xi32>], vector<16xi32>,
        %shift_right_logical3A_286 = arith.constant 7 : i32
        %shift_right_logical3A_287 = vector.broadcast %shift_right_logical3A_286 : i32 to vector<16xi32>
        %shift_right_logical3A_288 = arith.shrui %gather3A_284, %shift_right_logical3A_287 : vector<16xi32>
        %eq3A_289 = arith.cmpi eq, %shift_right_logical3A_288, %broadcast_in_dim3A_218 : vector<16xi32>
        %lt3A_290 = arith.cmpi slt, %add3A_283, %broadcast_in_dim3A_239 : vector<16xi32>
        %and3A_291 = arith.andi %eq3A_289, %lt3A_290 : vector<16xi1>
        %jit3A_292 = arith.constant 1 : i32
        %jit3A_293 = arith.constant 0 : i32
        %broadcast_in_dim3A_294 = vector.broadcast %jit3A_292 : i32 to vector<16xi32>
        %broadcast_in_dim3A_295 = vector.broadcast %jit3A_293 : i32 to vector<16xi32>
        %select_n3A_296 = arith.select %and3A_291, %broadcast_in_dim3A_294, %broadcast_in_dim3A_295 : vector<16xi1>, vector<16xi32>
        %broadcast_in_dim3A_297 = arith.constant true
        %broadcast_in_dim3A_298 = vector.broadcast %broadcast_in_dim3A_297 : i1 to vector<16xi1>
        %masked_cumsum3A = tpu.scan <sum>, %select_n3A_296 masked %broadcast_in_dim3A_298 : vector<16xi32>, vector<16xi1> -> vector<16xi32>
        %broadcast_in_dim3A_299 = vector.broadcast %while3A_277 : i32 to vector<16xi32>
        %add3A_300 = arith.addi %broadcast_in_dim3A_299, %masked_cumsum3A : vector<16xi32>
        %sub3A_301 = arith.subi %add3A_300, %select_n3A_296 : vector<16xi32>
        %sub3A_302 = arith.subi %gather3A_284, %broadcast_in_dim3A_217 : vector<16xi32>
        tpu.vector_store_idx %arg6[%sub3A_301], %sub3A_302 masked %and3A_291 : memref<16384xi32, #tpu.memory_space<vmem>>[vector<16xi32>], vector<16xi32>, vector<16xi1>
        tpu.vector_store_idx %arg7[%sub3A_301], %gather3A_285 masked %and3A_291 : memref<16384xi32, #tpu.memory_space<vmem>>[vector<16xi32>], vector<16xi32>, vector<16xi1>
        %reduce_max3A_303 = arith.constant true
        %reduce_max3A_304 = vector.broadcast %reduce_max3A_303 : i1 to vector<16xi1>
        %reduce_max3A_305 = arith.constant -2147483648 : i32
        %reduce_max3A_306 = vector.broadcast %reduce_max3A_305 : i32 to vector<16xi32>
        %reduce_max3A_307 = arith.xori %masked_cumsum3A, %reduce_max3A_306 : vector<16xi32>
        %reduce_max3A_308 = tpu.scan <max>, %reduce_max3A_307 masked %reduce_max3A_304 : vector<16xi32>, vector<16xi1> -> vector<16xi32>
        %reduce_max3A_309 = arith.xori %reduce_max3A_308, %reduce_max3A_306 : vector<16xi32>
        %reduce_max3A_310 = vector.extract %reduce_max3A_309[15] : i32 from vector<16xi32>
        %add3A_311 = arith.addi %while3A_277, %reduce_max3A_310 : i32
        scf.yield %add3A_311 : i32
      }
      %while3A_259 = arith.constant 0 : i32
      %while3A_260 = arith.subi %while3A_258, %while3A_259 : i32
      %while3A_261 = arith.addi %while3A_259, %while3A_260 : i32
      %while3A_262 = arith.constant 1 : i32
      %while3A_263 = arith.divsi %while3A_260, %while3A_262 : i32
      %while3A_264 = arith.muli %while3A_263, %while3A_262 : i32
      %while3A_265 = arith.addi %while3A_259, %while3A_264 : i32
      %while3A_266 = arith.constant 1 : i32
      %while3A_267:2 = scf.for %while3A_276 = %while3A_259 to %while3A_265 step %while3A_266 iter_args(%while3A_277 = %while3A_195, %while3A_278 = %while3A_196) -> (i32, i32)  : i32 {
        %broadcast_in_dim3A_279 = vector.broadcast %while3A_276 : i32 to vector<16xi32>
        %gather3A_280 = tpu.vector_load_idx %arg6[%broadcast_in_dim3A_279] : memref<16384xi32, #tpu.memory_space<vmem>>[vector<16xi32>], vector<16xi32>,
        %broadcast_in_dim3A_281 = vector.broadcast %while3A_276 : i32 to vector<16xi32>
        %gather3A_282 = tpu.vector_load_idx %arg7[%broadcast_in_dim3A_281] : memref<16384xi32, #tpu.memory_space<vmem>>[vector<16xi32>], vector<16xi32>,
        %rem3A_283 = arith.constant 128 : i32
        %rem3A_284 = arith.remsi %while3A_277, %rem3A_283 : i32
        %broadcast_in_dim3A_285 = vector.broadcast %rem3A_198 : i32 to vector<16xi32>
        %add3A_286 = arith.constant 0 : i32
        %add3A_287 = vector.broadcast %add3A_286 : i32 to vector<16xi32>
        %add3A_288 = arith.addi %iota3A, %add3A_287 : vector<16xi32>
        %gather3A_289 = tpu.vector_load_idx %arg12[%broadcast_in_dim3A_285, %add3A_288, %gather3A_280] : memref<3x64x128xf32, #tpu.memory_space<vmem>>[vector<16xi32>, vector<16xi32>, vector<16xi32>], vector<16xf32>,
        %broadcast_in_dim3A_290 = vector.broadcast %rem3A_284 : i32 to vector<16xi32>
        %add3A_291 = arith.constant 0 : i32
        %add3A_292 = vector.broadcast %add3A_291 : i32 to vector<16xi32>
        %add3A_293 = arith.addi %iota3A, %add3A_292 : vector<16xi32>
        tpu.vector_store_idx %arg13[%broadcast_in_dim3A_290, %add3A_293], %gather3A_289 : memref<128x128xf32, #tpu.memory_space<vmem>>[vector<16xi32>, vector<16xi32>], vector<16xf32>,
        %broadcast_in_dim3A_294 = vector.broadcast %rem3A_198 : i32 to vector<16xi32>
        %add3A_295 = arith.constant 16 : i32
        %add3A_296 = vector.broadcast %add3A_295 : i32 to vector<16xi32>
        %add3A_297 = arith.addi %iota3A, %add3A_296 : vector<16xi32>
        %gather3A_298 = tpu.vector_load_idx %arg12[%broadcast_in_dim3A_294, %add3A_297, %gather3A_280] : memref<3x64x128xf32, #tpu.memory_space<vmem>>[vector<16xi32>, vector<16xi32>, vector<16xi32>], vector<16xf32>,
        %broadcast_in_dim3A_299 = vector.broadcast %rem3A_284 : i32 to vector<16xi32>
        %add3A_300 = arith.constant 16 : i32
        %add3A_301 = vector.broadcast %add3A_300 : i32 to vector<16xi32>
        %add3A_302 = arith.addi %iota3A, %add3A_301 : vector<16xi32>
        tpu.vector_store_idx %arg13[%broadcast_in_dim3A_299, %add3A_302], %gather3A_298 : memref<128x128xf32, #tpu.memory_space<vmem>>[vector<16xi32>, vector<16xi32>], vector<16xf32>,
        %broadcast_in_dim3A_303 = vector.broadcast %rem3A_198 : i32 to vector<16xi32>
        %add3A_304 = arith.constant 32 : i32
        %add3A_305 = vector.broadcast %add3A_304 : i32 to vector<16xi32>
        %add3A_306 = arith.addi %iota3A, %add3A_305 : vector<16xi32>
        %gather3A_307 = tpu.vector_load_idx %arg12[%broadcast_in_dim3A_303, %add3A_306, %gather3A_280] : memref<3x64x128xf32, #tpu.memory_space<vmem>>[vector<16xi32>, vector<16xi32>, vector<16xi32>], vector<16xf32>,
        %broadcast_in_dim3A_308 = vector.broadcast %rem3A_284 : i32 to vector<16xi32>
        %add3A_309 = arith.constant 32 : i32
        %add3A_310 = vector.broadcast %add3A_309 : i32 to vector<16xi32>
        %add3A_311 = arith.addi %iota3A, %add3A_310 : vector<16xi32>
        tpu.vector_store_idx %arg13[%broadcast_in_dim3A_308, %add3A_311], %gather3A_307 : memref<128x128xf32, #tpu.memory_space<vmem>>[vector<16xi32>, vector<16xi32>], vector<16xf32>,
        %broadcast_in_dim3A_312 = vector.broadcast %rem3A_198 : i32 to vector<16xi32>
        %add3A_313 = arith.constant 48 : i32
        %add3A_314 = vector.broadcast %add3A_313 : i32 to vector<16xi32>
        %add3A_315 = arith.addi %iota3A, %add3A_314 : vector<16xi32>
        %gather3A_316 = tpu.vector_load_idx %arg12[%broadcast_in_dim3A_312, %add3A_315, %gather3A_280] : memref<3x64x128xf32, #tpu.memory_space<vmem>>[vector<16xi32>, vector<16xi32>, vector<16xi32>], vector<16xf32>,
        %broadcast_in_dim3A_317 = vector.broadcast %rem3A_284 : i32 to vector<16xi32>
        %add3A_318 = arith.constant 48 : i32
        %add3A_319 = vector.broadcast %add3A_318 : i32 to vector<16xi32>
        %add3A_320 = arith.addi %iota3A, %add3A_319 : vector<16xi32>
        tpu.vector_store_idx %arg13[%broadcast_in_dim3A_317, %add3A_320], %gather3A_316 : memref<128x128xf32, #tpu.memory_space<vmem>>[vector<16xi32>, vector<16xi32>], vector<16xf32>,
        %broadcast_in_dim3A_321 = arith.constant 0 : i32
        %broadcast_in_dim3A_322 = vector.broadcast %broadcast_in_dim3A_321 : i32 to vector<16xi32>
        %broadcast_in_dim3A_323 = vector.broadcast %rem3A_284 : i32 to vector<16xi32>
        tpu.vector_store_idx %arg14[%broadcast_in_dim3A_322, %broadcast_in_dim3A_323], %gather3A_282 masked %eq3A : memref<1x128xi32, #tpu.memory_space<vmem>>[vector<16xi32>, vector<16xi32>], vector<16xi32>, vector<16xi1>
        %eq3A_324 = arith.constant 127 : i32
        %eq3A_325 = arith.cmpi eq, %rem3A_284, %eq3A_324 : i32
        %convert_element_type3A_326 = arith.extui %eq3A_325 : i1 to i32
        %cond3A_327 = arith.constant 0 : i32
        %cond3A_328 = arith.cmpi ne, %convert_element_type3A_326, %cond3A_327 : i32
        scf.if %cond3A_328 {
          %dma_start3A = arith.constant 0 : i32
          %dma_start3A_339 = arith.constant 0 : i32
          %dma_start3A_340 = tpu.memref_slice %arg14[%dma_start3A, %dma_start3A_339] : memref<1x128xi32, #tpu.memory_space<vmem>> -> memref<1x128xi32, #tpu.memory_space<vmem>>
          %dma_start3A_341 = tpu.memref_squeeze %dma_start3A_340 : memref<1x128xi32, #tpu.memory_space<vmem>> -> memref<128xi32, #tpu.memory_space<vmem>>
          %dma_start3A_342 = arith.constant 0 : i32
          %dma_start3A_343 = arith.constant 0 : i32
          %dma_start3A_344 = tpu.memref_slice %arg4[%dma_start3A_342, %dma_start3A_343] : memref<16384x128xf32, #tpu.memory_space<hbm>> -> memref<16384x128xf32, #tpu.memory_space<hbm>>
          tpu.enqueue_indirect_dma source(%arg13 : memref<128x128xf32, #tpu.memory_space<vmem>>) target(%dma_start3A_344 : memref<16384x128xf32, #tpu.memory_space<hbm>>) offsets(%dma_start3A_341 : memref<128xi32, #tpu.memory_space<vmem>>) semaphore(%arg18 : memref<!tpu.dma_semaphore, #tpu.memory_space<semaphore_mem>>)
          %dma_wait3A = arith.constant 0 : i32
          %dma_wait3A_345 = arith.constant 0 : i32
          %dma_wait3A_346 = tpu.memref_slice %arg14[%dma_wait3A, %dma_wait3A_345] : memref<1x128xi32, #tpu.memory_space<vmem>> -> memref<1x128xi32, #tpu.memory_space<vmem>>
          %dma_wait3A_347 = tpu.memref_squeeze %dma_wait3A_346 : memref<1x128xi32, #tpu.memory_space<vmem>> -> memref<128xi32, #tpu.memory_space<vmem>>
          %dma_wait3A_348 = arith.constant 0 : i32
          %dma_wait3A_349 = arith.constant 0 : i32
          %dma_wait3A_350 = tpu.memref_slice %arg4[%dma_wait3A_348, %dma_wait3A_349] : memref<16384x128xf32, #tpu.memory_space<hbm>> -> memref<16384x128xf32, #tpu.memory_space<hbm>>
          tpu.wait_indirect_dma semaphore(%arg18 : memref<!tpu.dma_semaphore, #tpu.memory_space<semaphore_mem>>) src(%arg13 : memref<128x128xf32, #tpu.memory_space<vmem>>) dst(%dma_wait3A_350 : memref<16384x128xf32, #tpu.memory_space<hbm>>)
        } else {
        }
        %add3A_329 = arith.constant 1 : i32
        %add3A_330 = arith.addi %while3A_277, %add3A_329 : i32
        %reduce_max3A_331 = arith.constant true
        %reduce_max3A_332 = vector.broadcast %reduce_max3A_331 : i1 to vector<16xi1>
        %reduce_max3A_333 = arith.constant -2147483648 : i32
        %reduce_max3A_334 = vector.broadcast %reduce_max3A_333 : i32 to vector<16xi32>
        %reduce_max3A_335 = arith.xori %gather3A_282, %reduce_max3A_334 : vector<16xi32>
        %reduce_max3A_336 = tpu.scan <max>, %reduce_max3A_335 masked %reduce_max3A_332 : vector<16xi32>, vector<16xi1> -> vector<16xi32>
        %reduce_max3A_337 = arith.xori %reduce_max3A_336, %reduce_max3A_334 : vector<16xi32>
        %reduce_max3A_338 = vector.extract %reduce_max3A_337[15] : i32 from vector<16xi32>
        scf.yield %add3A_330, %reduce_max3A_338 : i32, i32
      }
      %while3A_268 = arith.constant 1 : i32
      %while3A_269:2 = scf.for %while3A_276 = %while3A_265 to %while3A_261 step %while3A_268 iter_args(%while3A_277 = %while3A_267#0, %while3A_278 = %while3A_267#1) -> (i32, i32)  : i32 {
        %broadcast_in_dim3A_279 = vector.broadcast %while3A_276 : i32 to vector<16xi32>
        %gather3A_280 = tpu.vector_load_idx %arg6[%broadcast_in_dim3A_279] : memref<16384xi32, #tpu.memory_space<vmem>>[vector<16xi32>], vector<16xi32>,
        %broadcast_in_dim3A_281 = vector.broadcast %while3A_276 : i32 to vector<16xi32>
        %gather3A_282 = tpu.vector_load_idx %arg7[%broadcast_in_dim3A_281] : memref<16384xi32, #tpu.memory_space<vmem>>[vector<16xi32>], vector<16xi32>,
        %rem3A_283 = arith.constant 128 : i32
        %rem3A_284 = arith.remsi %while3A_277, %rem3A_283 : i32
        %broadcast_in_dim3A_285 = vector.broadcast %rem3A_198 : i32 to vector<16xi32>
        %add3A_286 = arith.constant 0 : i32
        %add3A_287 = vector.broadcast %add3A_286 : i32 to vector<16xi32>
        %add3A_288 = arith.addi %iota3A, %add3A_287 : vector<16xi32>
        %gather3A_289 = tpu.vector_load_idx %arg12[%broadcast_in_dim3A_285, %add3A_288, %gather3A_280] : memref<3x64x128xf32, #tpu.memory_space<vmem>>[vector<16xi32>, vector<16xi32>, vector<16xi32>], vector<16xf32>,
        %broadcast_in_dim3A_290 = vector.broadcast %rem3A_284 : i32 to vector<16xi32>
        %add3A_291 = arith.constant 0 : i32
        %add3A_292 = vector.broadcast %add3A_291 : i32 to vector<16xi32>
        %add3A_293 = arith.addi %iota3A, %add3A_292 : vector<16xi32>
        tpu.vector_store_idx %arg13[%broadcast_in_dim3A_290, %add3A_293], %gather3A_289 : memref<128x128xf32, #tpu.memory_space<vmem>>[vector<16xi32>, vector<16xi32>], vector<16xf32>,
        %broadcast_in_dim3A_294 = vector.broadcast %rem3A_198 : i32 to vector<16xi32>
        %add3A_295 = arith.constant 16 : i32
        %add3A_296 = vector.broadcast %add3A_295 : i32 to vector<16xi32>
        %add3A_297 = arith.addi %iota3A, %add3A_296 : vector<16xi32>
        %gather3A_298 = tpu.vector_load_idx %arg12[%broadcast_in_dim3A_294, %add3A_297, %gather3A_280] : memref<3x64x128xf32, #tpu.memory_space<vmem>>[vector<16xi32>, vector<16xi32>, vector<16xi32>], vector<16xf32>,
        %broadcast_in_dim3A_299 = vector.broadcast %rem3A_284 : i32 to vector<16xi32>
        %add3A_300 = arith.constant 16 : i32
        %add3A_301 = vector.broadcast %add3A_300 : i32 to vector<16xi32>
        %add3A_302 = arith.addi %iota3A, %add3A_301 : vector<16xi32>
        tpu.vector_store_idx %arg13[%broadcast_in_dim3A_299, %add3A_302], %gather3A_298 : memref<128x128xf32, #tpu.memory_space<vmem>>[vector<16xi32>, vector<16xi32>], vector<16xf32>,
        %broadcast_in_dim3A_303 = vector.broadcast %rem3A_198 : i32 to vector<16xi32>
        %add3A_304 = arith.constant 32 : i32
        %add3A_305 = vector.broadcast %add3A_304 : i32 to vector<16xi32>
        %add3A_306 = arith.addi %iota3A, %add3A_305 : vector<16xi32>
        %gather3A_307 = tpu.vector_load_idx %arg12[%broadcast_in_dim3A_303, %add3A_306, %gather3A_280] : memref<3x64x128xf32, #tpu.memory_space<vmem>>[vector<16xi32>, vector<16xi32>, vector<16xi32>], vector<16xf32>,
        %broadcast_in_dim3A_308 = vector.broadcast %rem3A_284 : i32 to vector<16xi32>
        %add3A_309 = arith.constant 32 : i32
        %add3A_310 = vector.broadcast %add3A_309 : i32 to vector<16xi32>
        %add3A_311 = arith.addi %iota3A, %add3A_310 : vector<16xi32>
        tpu.vector_store_idx %arg13[%broadcast_in_dim3A_308, %add3A_311], %gather3A_307 : memref<128x128xf32, #tpu.memory_space<vmem>>[vector<16xi32>, vector<16xi32>], vector<16xf32>,
        %broadcast_in_dim3A_312 = vector.broadcast %rem3A_198 : i32 to vector<16xi32>
        %add3A_313 = arith.constant 48 : i32
        %add3A_314 = vector.broadcast %add3A_313 : i32 to vector<16xi32>
        %add3A_315 = arith.addi %iota3A, %add3A_314 : vector<16xi32>
        %gather3A_316 = tpu.vector_load_idx %arg12[%broadcast_in_dim3A_312, %add3A_315, %gather3A_280] : memref<3x64x128xf32, #tpu.memory_space<vmem>>[vector<16xi32>, vector<16xi32>, vector<16xi32>], vector<16xf32>,
        %broadcast_in_dim3A_317 = vector.broadcast %rem3A_284 : i32 to vector<16xi32>
        %add3A_318 = arith.constant 48 : i32
        %add3A_319 = vector.broadcast %add3A_318 : i32 to vector<16xi32>
        %add3A_320 = arith.addi %iota3A, %add3A_319 : vector<16xi32>
        tpu.vector_store_idx %arg13[%broadcast_in_dim3A_317, %add3A_320], %gather3A_316 : memref<128x128xf32, #tpu.memory_space<vmem>>[vector<16xi32>, vector<16xi32>], vector<16xf32>,
        %broadcast_in_dim3A_321 = arith.constant 0 : i32
        %broadcast_in_dim3A_322 = vector.broadcast %broadcast_in_dim3A_321 : i32 to vector<16xi32>
        %broadcast_in_dim3A_323 = vector.broadcast %rem3A_284 : i32 to vector<16xi32>
        tpu.vector_store_idx %arg14[%broadcast_in_dim3A_322, %broadcast_in_dim3A_323], %gather3A_282 masked %eq3A : memref<1x128xi32, #tpu.memory_space<vmem>>[vector<16xi32>, vector<16xi32>], vector<16xi32>, vector<16xi1>
        %eq3A_324 = arith.constant 127 : i32
        %eq3A_325 = arith.cmpi eq, %rem3A_284, %eq3A_324 : i32
        %convert_element_type3A_326 = arith.extui %eq3A_325 : i1 to i32
        %cond3A_327 = arith.constant 0 : i32
        %cond3A_328 = arith.cmpi ne, %convert_element_type3A_326, %cond3A_327 : i32
        scf.if %cond3A_328 {
          %dma_start3A = arith.constant 0 : i32
          %dma_start3A_339 = arith.constant 0 : i32
          %dma_start3A_340 = tpu.memref_slice %arg14[%dma_start3A, %dma_start3A_339] : memref<1x128xi32, #tpu.memory_space<vmem>> -> memref<1x128xi32, #tpu.memory_space<vmem>>
          %dma_start3A_341 = tpu.memref_squeeze %dma_start3A_340 : memref<1x128xi32, #tpu.memory_space<vmem>> -> memref<128xi32, #tpu.memory_space<vmem>>
          %dma_start3A_342 = arith.constant 0 : i32
          %dma_start3A_343 = arith.constant 0 : i32
          %dma_start3A_344 = tpu.memref_slice %arg4[%dma_start3A_342, %dma_start3A_343] : memref<16384x128xf32, #tpu.memory_space<hbm>> -> memref<16384x128xf32, #tpu.memory_space<hbm>>
          tpu.enqueue_indirect_dma source(%arg13 : memref<128x128xf32, #tpu.memory_space<vmem>>) target(%dma_start3A_344 : memref<16384x128xf32, #tpu.memory_space<hbm>>) offsets(%dma_start3A_341 : memref<128xi32, #tpu.memory_space<vmem>>) semaphore(%arg18 : memref<!tpu.dma_semaphore, #tpu.memory_space<semaphore_mem>>)
          %dma_wait3A = arith.constant 0 : i32
          %dma_wait3A_345 = arith.constant 0 : i32
          %dma_wait3A_346 = tpu.memref_slice %arg14[%dma_wait3A, %dma_wait3A_345] : memref<1x128xi32, #tpu.memory_space<vmem>> -> memref<1x128xi32, #tpu.memory_space<vmem>>
          %dma_wait3A_347 = tpu.memref_squeeze %dma_wait3A_346 : memref<1x128xi32, #tpu.memory_space<vmem>> -> memref<128xi32, #tpu.memory_space<vmem>>
          %dma_wait3A_348 = arith.constant 0 : i32
          %dma_wait3A_349 = arith.constant 0 : i32
          %dma_wait3A_350 = tpu.memref_slice %arg4[%dma_wait3A_348, %dma_wait3A_349] : memref<16384x128xf32, #tpu.memory_space<hbm>> -> memref<16384x128xf32, #tpu.memory_space<hbm>>
          tpu.wait_indirect_dma semaphore(%arg18 : memref<!tpu.dma_semaphore, #tpu.memory_space<semaphore_mem>>) src(%arg13 : memref<128x128xf32, #tpu.memory_space<vmem>>) dst(%dma_wait3A_350 : memref<16384x128xf32, #tpu.memory_space<hbm>>)
        } else {
        }
        %add3A_329 = arith.constant 1 : i32
        %add3A_330 = arith.addi %while3A_277, %add3A_329 : i32
        %reduce_max3A_331 = arith.constant true
        %reduce_max3A_332 = vector.broadcast %reduce_max3A_331 : i1 to vector<16xi1>
        %reduce_max3A_333 = arith.constant -2147483648 : i32
        %reduce_max3A_334 = vector.broadcast %reduce_max3A_333 : i32 to vector<16xi32>
        %reduce_max3A_335 = arith.xori %gather3A_282, %reduce_max3A_334 : vector<16xi32>
        %reduce_max3A_336 = tpu.scan <max>, %reduce_max3A_335 masked %reduce_max3A_332 : vector<16xi32>, vector<16xi1> -> vector<16xi32>
        %reduce_max3A_337 = arith.xori %reduce_max3A_336, %reduce_max3A_334 : vector<16xi32>
        %reduce_max3A_338 = vector.extract %reduce_max3A_337[15] : i32 from vector<16xi32>
        scf.yield %add3A_330, %reduce_max3A_338 : i32, i32
      }
      %add3A_270 = arith.constant 3 : i32
      %add3A_271 = arith.addi %while3A_194, %add3A_270 : i32
      %lt3A_272 = arith.cmpi slt, %add3A_271, %add3A_8 : i32
      %convert_element_type3A_273 = arith.extui %lt3A_272 : i1 to i32
      %cond3A_274 = arith.constant 0 : i32
      %cond3A_275 = arith.cmpi ne, %convert_element_type3A_273, %cond3A_274 : i32
      scf.if %cond3A_275 {
        %eq3A_276 = arith.constant 0 : i32
        %eq3A_277 = arith.cmpi eq, %rem3A_198, %eq3A_276 : i32
        %convert_element_type3A_278 = arith.extui %eq3A_277 : i1 to i32
        %cond3A_279 = arith.constant 0 : i32
        %cond3A_280 = arith.cmpi ne, %convert_element_type3A_278, %cond3A_279 : i32
        scf.if %cond3A_280 {
          %add3A_291 = arith.constant 3 : i32
          %add3A_292 = arith.addi %add3A_199, %add3A_291 : i32
          %mul3A_293 = arith.constant 128 : i32
          %mul3A_294 = arith.muli %add3A_292, %mul3A_293 : i32
          %multiple_of3A = tpu.assume_multiple %mul3A_294, 128 : i32
          %dma_start3A = arith.constant 0 : i32
          %dma_start3A_295 = arith.constant 0 : i32
          %dma_start3A_296 = arith.constant 0 : i32
          %dma_start3A_297 = tpu.memref_slice %arg12[%dma_start3A, %dma_start3A_295, %dma_start3A_296] : memref<3x64x128xf32, #tpu.memory_space<vmem>> -> memref<1x64x128xf32, #tpu.memory_space<vmem>>
          %dma_start3A_298 = tpu.memref_squeeze %dma_start3A_297 : memref<1x64x128xf32, #tpu.memory_space<vmem>> -> memref<64x128xf32, #tpu.memory_space<vmem>>
          %dma_start3A_299 = arith.constant 0 : i32
          %dma_start3A_300 = tpu.memref_slice %arg3[%dma_start3A_299, %multiple_of3A] : memref<64x1000000xf32, #tpu.memory_space<hbm>> -> memref<64x128xf32, #tpu.memory_space<hbm>>
          %dma_start3A_301 = arith.constant 0 : i32
          %dma_start3A_302 = arith.constant 0 : i32
          %dma_start3A_303 = tpu.memref_slice %arg12[%dma_start3A, %dma_start3A_301, %dma_start3A_302] : memref<3x64x128xf32, #tpu.memory_space<vmem>> -> memref<1x64x128xf32, #tpu.memory_space<vmem>>
          %dma_start3A_304 = tpu.memref_squeeze %dma_start3A_303 : memref<1x64x128xf32, #tpu.memory_space<vmem>> -> memref<64x128xf32, #tpu.memory_space<vmem>>
          %dma_start3A_305 = arith.constant 0 : i32
          %dma_start3A_306 = tpu.memref_slice %arg3[%dma_start3A_305, %multiple_of3A] : memref<64x1000000xf32, #tpu.memory_space<hbm>> -> memref<64x128xf32, #tpu.memory_space<hbm>>
          tpu.enqueue_dma source(%dma_start3A_306 : memref<64x128xf32, #tpu.memory_space<hbm>>) target(%dma_start3A_304 : memref<64x128xf32, #tpu.memory_space<vmem>>) target_semaphore(%arg15 : memref<!tpu.dma_semaphore, #tpu.memory_space<semaphore_mem>>)
        } else {
        }
        %eq3A_281 = arith.constant 1 : i32
        %eq3A_282 = arith.cmpi eq, %rem3A_198, %eq3A_281 : i32
        %convert_element_type3A_283 = arith.extui %eq3A_282 : i1 to i32
        %cond3A_284 = arith.constant 0 : i32
        %cond3A_285 = arith.cmpi ne, %convert_element_type3A_283, %cond3A_284 : i32
        scf.if %cond3A_285 {
          %add3A_291 = arith.constant 3 : i32
          %add3A_292 = arith.addi %add3A_199, %add3A_291 : i32
          %mul3A_293 = arith.constant 128 : i32
          %mul3A_294 = arith.muli %add3A_292, %mul3A_293 : i32
          %multiple_of3A = tpu.assume_multiple %mul3A_294, 128 : i32
          %dma_start3A = arith.constant 1 : i32
          %dma_start3A_295 = arith.constant 0 : i32
          %dma_start3A_296 = arith.constant 0 : i32
          %dma_start3A_297 = tpu.memref_slice %arg12[%dma_start3A, %dma_start3A_295, %dma_start3A_296] : memref<3x64x128xf32, #tpu.memory_space<vmem>> -> memref<1x64x128xf32, #tpu.memory_space<vmem>>
          %dma_start3A_298 = tpu.memref_squeeze %dma_start3A_297 : memref<1x64x128xf32, #tpu.memory_space<vmem>> -> memref<64x128xf32, #tpu.memory_space<vmem>>
          %dma_start3A_299 = arith.constant 0 : i32
          %dma_start3A_300 = tpu.memref_slice %arg3[%dma_start3A_299, %multiple_of3A] : memref<64x1000000xf32, #tpu.memory_space<hbm>> -> memref<64x128xf32, #tpu.memory_space<hbm>>
          %dma_start3A_301 = arith.constant 0 : i32
          %dma_start3A_302 = arith.constant 0 : i32
          %dma_start3A_303 = tpu.memref_slice %arg12[%dma_start3A, %dma_start3A_301, %dma_start3A_302] : memref<3x64x128xf32, #tpu.memory_space<vmem>> -> memref<1x64x128xf32, #tpu.memory_space<vmem>>
          %dma_start3A_304 = tpu.memref_squeeze %dma_start3A_303 : memref<1x64x128xf32, #tpu.memory_space<vmem>> -> memref<64x128xf32, #tpu.memory_space<vmem>>
          %dma_start3A_305 = arith.constant 0 : i32
          %dma_start3A_306 = tpu.memref_slice %arg3[%dma_start3A_305, %multiple_of3A] : memref<64x1000000xf32, #tpu.memory_space<hbm>> -> memref<64x128xf32, #tpu.memory_space<hbm>>
          tpu.enqueue_dma source(%dma_start3A_306 : memref<64x128xf32, #tpu.memory_space<hbm>>) target(%dma_start3A_304 : memref<64x128xf32, #tpu.memory_space<vmem>>) target_semaphore(%arg16 : memref<!tpu.dma_semaphore, #tpu.memory_space<semaphore_mem>>)
        } else {
        }
        %eq3A_286 = arith.constant 2 : i32
        %eq3A_287 = arith.cmpi eq, %rem3A_198, %eq3A_286 : i32
        %convert_element_type3A_288 = arith.extui %eq3A_287 : i1 to i32
        %cond3A_289 = arith.constant 0 : i32
        %cond3A_290 = arith.cmpi ne, %convert_element_type3A_288, %cond3A_289 : i32
        scf.if %cond3A_290 {
          %add3A_291 = arith.constant 3 : i32
          %add3A_292 = arith.addi %add3A_199, %add3A_291 : i32
          %mul3A_293 = arith.constant 128 : i32
          %mul3A_294 = arith.muli %add3A_292, %mul3A_293 : i32
          %multiple_of3A = tpu.assume_multiple %mul3A_294, 128 : i32
          %dma_start3A = arith.constant 2 : i32
          %dma_start3A_295 = arith.constant 0 : i32
          %dma_start3A_296 = arith.constant 0 : i32
          %dma_start3A_297 = tpu.memref_slice %arg12[%dma_start3A, %dma_start3A_295, %dma_start3A_296] : memref<3x64x128xf32, #tpu.memory_space<vmem>> -> memref<1x64x128xf32, #tpu.memory_space<vmem>>
          %dma_start3A_298 = tpu.memref_squeeze %dma_start3A_297 : memref<1x64x128xf32, #tpu.memory_space<vmem>> -> memref<64x128xf32, #tpu.memory_space<vmem>>
          %dma_start3A_299 = arith.constant 0 : i32
          %dma_start3A_300 = tpu.memref_slice %arg3[%dma_start3A_299, %multiple_of3A] : memref<64x1000000xf32, #tpu.memory_space<hbm>> -> memref<64x128xf32, #tpu.memory_space<hbm>>
          %dma_start3A_301 = arith.constant 0 : i32
          %dma_start3A_302 = arith.constant 0 : i32
          %dma_start3A_303 = tpu.memref_slice %arg12[%dma_start3A, %dma_start3A_301, %dma_start3A_302] : memref<3x64x128xf32, #tpu.memory_space<vmem>> -> memref<1x64x128xf32, #tpu.memory_space<vmem>>
          %dma_start3A_304 = tpu.memref_squeeze %dma_start3A_303 : memref<1x64x128xf32, #tpu.memory_space<vmem>> -> memref<64x128xf32, #tpu.memory_space<vmem>>
          %dma_start3A_305 = arith.constant 0 : i32
          %dma_start3A_306 = tpu.memref_slice %arg3[%dma_start3A_305, %multiple_of3A] : memref<64x1000000xf32, #tpu.memory_space<hbm>> -> memref<64x128xf32, #tpu.memory_space<hbm>>
          tpu.enqueue_dma source(%dma_start3A_306 : memref<64x128xf32, #tpu.memory_space<hbm>>) target(%dma_start3A_304 : memref<64x128xf32, #tpu.memory_space<vmem>>) target_semaphore(%arg17 : memref<!tpu.dma_semaphore, #tpu.memory_space<semaphore_mem>>)
        } else {
        }
      } else {
      }
      scf.yield %while3A_269#0, %while3A_269#1 : i32, i32
    }
    %rem3A = arith.constant 128 : i32
    %rem3A_186 = arith.remsi %while3A_185#0, %rem3A : i32
    %gt3A_187 = arith.constant 0 : i32
    %gt3A_188 = arith.cmpi sgt, %rem3A_186, %gt3A_187 : i32
    %gt3A_189 = arith.constant 0 : i32
    %gt3A_190 = arith.cmpi sgt, %while3A_185#0, %gt3A_189 : i32
    %and3A = arith.andi %gt3A_188, %gt3A_190 : i1
    %convert_element_type3A_191 = arith.extui %and3A : i1 to i32
    %cond3A_192 = arith.constant 0 : i32
    %cond3A_193 = arith.cmpi ne, %convert_element_type3A_191, %cond3A_192 : i32
    scf.if %cond3A_193 {
      %sub3A_194 = arith.constant 1 : i32
      %sub3A_195 = arith.subi %rem3A_186, %sub3A_194 : i32
      %while3A_196 = arith.constant 0 : i32
      %while3A_197 = arith.constant 128 : i32
      %while3A_198 = arith.subi %while3A_197, %rem3A_186 : i32
      %while3A_199 = arith.addi %rem3A_186, %while3A_198 : i32
      %while3A_200 = arith.constant 1 : i32
      %while3A_201 = arith.divsi %while3A_198, %while3A_200 : i32
      %while3A_202 = arith.muli %while3A_201, %while3A_200 : i32
      %while3A_203 = arith.addi %rem3A_186, %while3A_202 : i32
      %while3A_204 = arith.constant 1 : i32
      scf.for %while3A_218 = %rem3A_186 to %while3A_203 step %while3A_204  : i32 {
        %broadcast_in_dim3A_219 = vector.broadcast %sub3A_195 : i32 to vector<16xi32>
        %add3A_220 = arith.constant 0 : i32
        %add3A_221 = vector.broadcast %add3A_220 : i32 to vector<16xi32>
        %add3A_222 = arith.addi %iota3A, %add3A_221 : vector<16xi32>
        %gather3A = tpu.vector_load_idx %arg13[%broadcast_in_dim3A_219, %add3A_222] : memref<128x128xf32, #tpu.memory_space<vmem>>[vector<16xi32>, vector<16xi32>], vector<16xf32>,
        %broadcast_in_dim3A_223 = vector.broadcast %while3A_218 : i32 to vector<16xi32>
        %add3A_224 = arith.constant 0 : i32
        %add3A_225 = vector.broadcast %add3A_224 : i32 to vector<16xi32>
        %add3A_226 = arith.addi %iota3A, %add3A_225 : vector<16xi32>
        tpu.vector_store_idx %arg13[%broadcast_in_dim3A_223, %add3A_226], %gather3A : memref<128x128xf32, #tpu.memory_space<vmem>>[vector<16xi32>, vector<16xi32>], vector<16xf32>,
        %broadcast_in_dim3A_227 = vector.broadcast %sub3A_195 : i32 to vector<16xi32>
        %add3A_228 = arith.constant 16 : i32
        %add3A_229 = vector.broadcast %add3A_228 : i32 to vector<16xi32>
        %add3A_230 = arith.addi %iota3A, %add3A_229 : vector<16xi32>
        %gather3A_231 = tpu.vector_load_idx %arg13[%broadcast_in_dim3A_227, %add3A_230] : memref<128x128xf32, #tpu.memory_space<vmem>>[vector<16xi32>, vector<16xi32>], vector<16xf32>,
        %broadcast_in_dim3A_232 = vector.broadcast %while3A_218 : i32 to vector<16xi32>
        %add3A_233 = arith.constant 16 : i32
        %add3A_234 = vector.broadcast %add3A_233 : i32 to vector<16xi32>
        %add3A_235 = arith.addi %iota3A, %add3A_234 : vector<16xi32>
        tpu.vector_store_idx %arg13[%broadcast_in_dim3A_232, %add3A_235], %gather3A_231 : memref<128x128xf32, #tpu.memory_space<vmem>>[vector<16xi32>, vector<16xi32>], vector<16xf32>,
        %broadcast_in_dim3A_236 = vector.broadcast %sub3A_195 : i32 to vector<16xi32>
        %add3A_237 = arith.constant 32 : i32
        %add3A_238 = vector.broadcast %add3A_237 : i32 to vector<16xi32>
        %add3A_239 = arith.addi %iota3A, %add3A_238 : vector<16xi32>
        %gather3A_240 = tpu.vector_load_idx %arg13[%broadcast_in_dim3A_236, %add3A_239] : memref<128x128xf32, #tpu.memory_space<vmem>>[vector<16xi32>, vector<16xi32>], vector<16xf32>,
        %broadcast_in_dim3A_241 = vector.broadcast %while3A_218 : i32 to vector<16xi32>
        %add3A_242 = arith.constant 32 : i32
        %add3A_243 = vector.broadcast %add3A_242 : i32 to vector<16xi32>
        %add3A_244 = arith.addi %iota3A, %add3A_243 : vector<16xi32>
        tpu.vector_store_idx %arg13[%broadcast_in_dim3A_241, %add3A_244], %gather3A_240 : memref<128x128xf32, #tpu.memory_space<vmem>>[vector<16xi32>, vector<16xi32>], vector<16xf32>,
        %broadcast_in_dim3A_245 = vector.broadcast %sub3A_195 : i32 to vector<16xi32>
        %add3A_246 = arith.constant 48 : i32
        %add3A_247 = vector.broadcast %add3A_246 : i32 to vector<16xi32>
        %add3A_248 = arith.addi %iota3A, %add3A_247 : vector<16xi32>
        %gather3A_249 = tpu.vector_load_idx %arg13[%broadcast_in_dim3A_245, %add3A_248] : memref<128x128xf32, #tpu.memory_space<vmem>>[vector<16xi32>, vector<16xi32>], vector<16xf32>,
        %broadcast_in_dim3A_250 = vector.broadcast %while3A_218 : i32 to vector<16xi32>
        %add3A_251 = arith.constant 48 : i32
        %add3A_252 = vector.broadcast %add3A_251 : i32 to vector<16xi32>
        %add3A_253 = arith.addi %iota3A, %add3A_252 : vector<16xi32>
        tpu.vector_store_idx %arg13[%broadcast_in_dim3A_250, %add3A_253], %gather3A_249 : memref<128x128xf32, #tpu.memory_space<vmem>>[vector<16xi32>, vector<16xi32>], vector<16xf32>,
        %broadcast_in_dim3A_254 = arith.constant 0 : i32
        %broadcast_in_dim3A_255 = vector.broadcast %broadcast_in_dim3A_254 : i32 to vector<16xi32>
        %broadcast_in_dim3A_256 = vector.broadcast %while3A_218 : i32 to vector<16xi32>
        %broadcast_in_dim3A_257 = vector.broadcast %while3A_185#1 : i32 to vector<16xi32>
        tpu.vector_store_idx %arg14[%broadcast_in_dim3A_255, %broadcast_in_dim3A_256], %broadcast_in_dim3A_257 masked %eq3A : memref<1x128xi32, #tpu.memory_space<vmem>>[vector<16xi32>, vector<16xi32>], vector<16xi32>, vector<16xi1>
      }
      %while3A_205 = arith.constant 1 : i32
      scf.for %while3A_218 = %while3A_203 to %while3A_199 step %while3A_205  : i32 {
        %broadcast_in_dim3A_219 = vector.broadcast %sub3A_195 : i32 to vector<16xi32>
        %add3A_220 = arith.constant 0 : i32
        %add3A_221 = vector.broadcast %add3A_220 : i32 to vector<16xi32>
        %add3A_222 = arith.addi %iota3A, %add3A_221 : vector<16xi32>
        %gather3A = tpu.vector_load_idx %arg13[%broadcast_in_dim3A_219, %add3A_222] : memref<128x128xf32, #tpu.memory_space<vmem>>[vector<16xi32>, vector<16xi32>], vector<16xf32>,
        %broadcast_in_dim3A_223 = vector.broadcast %while3A_218 : i32 to vector<16xi32>
        %add3A_224 = arith.constant 0 : i32
        %add3A_225 = vector.broadcast %add3A_224 : i32 to vector<16xi32>
        %add3A_226 = arith.addi %iota3A, %add3A_225 : vector<16xi32>
        tpu.vector_store_idx %arg13[%broadcast_in_dim3A_223, %add3A_226], %gather3A : memref<128x128xf32, #tpu.memory_space<vmem>>[vector<16xi32>, vector<16xi32>], vector<16xf32>,
        %broadcast_in_dim3A_227 = vector.broadcast %sub3A_195 : i32 to vector<16xi32>
        %add3A_228 = arith.constant 16 : i32
        %add3A_229 = vector.broadcast %add3A_228 : i32 to vector<16xi32>
        %add3A_230 = arith.addi %iota3A, %add3A_229 : vector<16xi32>
        %gather3A_231 = tpu.vector_load_idx %arg13[%broadcast_in_dim3A_227, %add3A_230] : memref<128x128xf32, #tpu.memory_space<vmem>>[vector<16xi32>, vector<16xi32>], vector<16xf32>,
        %broadcast_in_dim3A_232 = vector.broadcast %while3A_218 : i32 to vector<16xi32>
        %add3A_233 = arith.constant 16 : i32
        %add3A_234 = vector.broadcast %add3A_233 : i32 to vector<16xi32>
        %add3A_235 = arith.addi %iota3A, %add3A_234 : vector<16xi32>
        tpu.vector_store_idx %arg13[%broadcast_in_dim3A_232, %add3A_235], %gather3A_231 : memref<128x128xf32, #tpu.memory_space<vmem>>[vector<16xi32>, vector<16xi32>], vector<16xf32>,
        %broadcast_in_dim3A_236 = vector.broadcast %sub3A_195 : i32 to vector<16xi32>
        %add3A_237 = arith.constant 32 : i32
        %add3A_238 = vector.broadcast %add3A_237 : i32 to vector<16xi32>
        %add3A_239 = arith.addi %iota3A, %add3A_238 : vector<16xi32>
        %gather3A_240 = tpu.vector_load_idx %arg13[%broadcast_in_dim3A_236, %add3A_239] : memref<128x128xf32, #tpu.memory_space<vmem>>[vector<16xi32>, vector<16xi32>], vector<16xf32>,
        %broadcast_in_dim3A_241 = vector.broadcast %while3A_218 : i32 to vector<16xi32>
        %add3A_242 = arith.constant 32 : i32
        %add3A_243 = vector.broadcast %add3A_242 : i32 to vector<16xi32>
        %add3A_244 = arith.addi %iota3A, %add3A_243 : vector<16xi32>
        tpu.vector_store_idx %arg13[%broadcast_in_dim3A_241, %add3A_244], %gather3A_240 : memref<128x128xf32, #tpu.memory_space<vmem>>[vector<16xi32>, vector<16xi32>], vector<16xf32>,
        %broadcast_in_dim3A_245 = vector.broadcast %sub3A_195 : i32 to vector<16xi32>
        %add3A_246 = arith.constant 48 : i32
        %add3A_247 = vector.broadcast %add3A_246 : i32 to vector<16xi32>
        %add3A_248 = arith.addi %iota3A, %add3A_247 : vector<16xi32>
        %gather3A_249 = tpu.vector_load_idx %arg13[%broadcast_in_dim3A_245, %add3A_248] : memref<128x128xf32, #tpu.memory_space<vmem>>[vector<16xi32>, vector<16xi32>], vector<16xf32>,
        %broadcast_in_dim3A_250 = vector.broadcast %while3A_218 : i32 to vector<16xi32>
        %add3A_251 = arith.constant 48 : i32
        %add3A_252 = vector.broadcast %add3A_251 : i32 to vector<16xi32>
        %add3A_253 = arith.addi %iota3A, %add3A_252 : vector<16xi32>
        tpu.vector_store_idx %arg13[%broadcast_in_dim3A_250, %add3A_253], %gather3A_249 : memref<128x128xf32, #tpu.memory_space<vmem>>[vector<16xi32>, vector<16xi32>], vector<16xf32>,
        %broadcast_in_dim3A_254 = arith.constant 0 : i32
        %broadcast_in_dim3A_255 = vector.broadcast %broadcast_in_dim3A_254 : i32 to vector<16xi32>
        %broadcast_in_dim3A_256 = vector.broadcast %while3A_218 : i32 to vector<16xi32>
        %broadcast_in_dim3A_257 = vector.broadcast %while3A_185#1 : i32 to vector<16xi32>
        tpu.vector_store_idx %arg14[%broadcast_in_dim3A_255, %broadcast_in_dim3A_256], %broadcast_in_dim3A_257 masked %eq3A : memref<1x128xi32, #tpu.memory_space<vmem>>[vector<16xi32>, vector<16xi32>], vector<16xi32>, vector<16xi1>
      }
      %dma_start3A = arith.constant 0 : i32
      %dma_start3A_206 = arith.constant 0 : i32
      %dma_start3A_207 = tpu.memref_slice %arg14[%dma_start3A, %dma_start3A_206] : memref<1x128xi32, #tpu.memory_space<vmem>> -> memref<1x128xi32, #tpu.memory_space<vmem>>
      %dma_start3A_208 = tpu.memref_squeeze %dma_start3A_207 : memref<1x128xi32, #tpu.memory_space<vmem>> -> memref<128xi32, #tpu.memory_space<vmem>>
      %dma_start3A_209 = arith.constant 0 : i32
      %dma_start3A_210 = arith.constant 0 : i32
      %dma_start3A_211 = tpu.memref_slice %arg4[%dma_start3A_209, %dma_start3A_210] : memref<16384x128xf32, #tpu.memory_space<hbm>> -> memref<16384x128xf32, #tpu.memory_space<hbm>>
      tpu.enqueue_indirect_dma source(%arg13 : memref<128x128xf32, #tpu.memory_space<vmem>>) target(%dma_start3A_211 : memref<16384x128xf32, #tpu.memory_space<hbm>>) offsets(%dma_start3A_208 : memref<128xi32, #tpu.memory_space<vmem>>) semaphore(%arg18 : memref<!tpu.dma_semaphore, #tpu.memory_space<semaphore_mem>>)
      %dma_wait3A = arith.constant 0 : i32
      %dma_wait3A_212 = arith.constant 0 : i32
      %dma_wait3A_213 = tpu.memref_slice %arg14[%dma_wait3A, %dma_wait3A_212] : memref<1x128xi32, #tpu.memory_space<vmem>> -> memref<1x128xi32, #tpu.memory_space<vmem>>
      %dma_wait3A_214 = tpu.memref_squeeze %dma_wait3A_213 : memref<1x128xi32, #tpu.memory_space<vmem>> -> memref<128xi32, #tpu.memory_space<vmem>>
      %dma_wait3A_215 = arith.constant 0 : i32
      %dma_wait3A_216 = arith.constant 0 : i32
      %dma_wait3A_217 = tpu.memref_slice %arg4[%dma_wait3A_215, %dma_wait3A_216] : memref<16384x128xf32, #tpu.memory_space<hbm>> -> memref<16384x128xf32, #tpu.memory_space<hbm>>
      tpu.wait_indirect_dma semaphore(%arg18 : memref<!tpu.dma_semaphore, #tpu.memory_space<semaphore_mem>>) src(%arg13 : memref<128x128xf32, #tpu.memory_space<vmem>>) dst(%dma_wait3A_217 : memref<16384x128xf32, #tpu.memory_space<hbm>>)
    } else {
    }
    return
  }
}

</mosaic_0001>

<sc_bundles>
// kernel: kernel.3.cloned.1.call-start
scs
__scs_entry_jumppad:
0x0: {  	(pc) =	sbr.rel $0x88, $3  }
0x1: {  	(tag) =	ssettag $0x0;
	lr =	simm.s32 $0x1  }
0x2: {  	[smem:$0x3F9F] =	sst lr;
	_ =	strace $0xD0000000  }
0x3: {  	_ = 	snop  }
0x4: {  	_ = 	snop  }
0x5: {  	_ = 	snop  }
0x6: {  	_ = 	snop  }
0x7: {  	_ = 	snop  }
__scs_overlays_trampoline_lowered:
0x8: {  	[smem:$0x3FAE] =	sst s0  }
0x9: {  	[smem:$0x3FAF] =	sst s1  }
0xa: {  	[smem:$0x3FB0] =	sst s2  }
0xb: {  	[smem:$0x3FB1] =	sst s3  }
0xc: {  	[smem:$0x3FB2] =	sst s4  }
0xd: {  	[smem:$0x3FB3] =	sst s5  }
0xe: {  	[smem:$0x3FB4] =	sst s6  }
0xf: {  	[smem:$0x3FB5] =	sst s7  }
0x10: {  	[smem:$0x3FB6] =	sst s8  }
0x11: {  	[smem:$0x3FB7] =	sst s9;
	s0 =	simm.s32 @!p0 $0x0  }
0x12: {  	s1 =	sld [smem:$0x3F9D];
	s0 =	simm.s32 @p0 $0x1  }
0x13: {  	[smem:$0x3FB8] =	sst s0;
	s0 =	simm.s32 @!p1 $0x0  }
0x14: {  	s2 =	sld [smem:$0x3F9C];
	s0 =	simm.s32 @p1 $0x1  }
0x15: {  	[smem:$0x3FB9] =	sst s0;
	s0 =	simm.s32 @!p2 $0x0  }
0x16: {  	s3 =	sld [smem:$0x3FDB];
	s0 =	simm.s32 @p2 $0x1  }
0x17: {  	s4 =	simm.s32 $0x1BF5;
	[smem:$0x3FBB] =	sst s0  }
0x18: {  	s0 =	sld [smem:$0x3F9E];
	_ =	swait.ge [sflag:s4], $0x0  }
0x19: {  	s7 =	sld [smem:$0x3F9F]  }
0x1a: {  	s8 =	sadd.s32 $0xFFFFE003, lr  }
0x1b: {  	s9 =	sadd.s32 $0xFFFFFEF7, lr;
	s5 =	simm.s32 $0xFFFFFFFF;
	p2 =	slt.u32 s8, $0xFFFFF086  }
0x1c: {  	p1 =	slt.u32 s9, $0xF7A;
	s5 =	simm.s32 @!p2 $0x0  }
0x1d: {  	s5 =	simm.s32 @p1 $0x1;
	p0 =	seq.s32 s7, s2  }
0x1e: {  	s7 =	smul.u32 @!p0 $0xF7A, s2;
	p2 =	seq.s32 @!p0 s5, $0x0  }
0x1f: {  	s9 =	smul.u32 $0xF7A, s1;
	s8 =	simm.s32 @!p0 $0x1BF5;
	p2 =	por !p2, p0  }
0x20: {  	[sflag:s8] =	ssyncset.s32 @!p0 $0xFFFFF086;
	s6 =	sadd.s32 @!p0 s3, s7;
	s7 =	simm.s32 @!p0 $0x108  }
0x21: {  	s3 =	sadd.s32 s3, s9;
	s6 =	sadd.s32 @!p0 $0x88, s6;
	s7 =	simm.s32 @p2 $0x1082  }
0x22: {  	[simem:s7], [sflag:s8] =	dma.local @!p0 [hbm:s6], $0xF7A  }
0x23: {  	s9 =	sor.u32 $0xD0000000, s2;
	s6 =	simm.s32 $0x108;
	_ =	swait.ge @!p0 [sflag:s8], $0x0  }
0x24: {  	s3 =	sadd.s32 $0x88, s3;
	s6 =	simm.s32 @!p1 $0x1082;
	[sflag:s4] =	ssyncset.s32 $0xFFFFF086  }
0x25: {  	[simem:s6], [sflag:s4] =	dma.local [hbm:s3], $0xF7A  }
0x26: {  	[smem:$0x3F9F] =	sst s1;
	(tag) =	ssettag s2;
	_ =	strace s9  }
0x27: {  	s1 =	sld [smem:$0x3FAF]  }
0x28: {  	s2 =	sld [smem:$0x3FB0]  }
0x29: {  	s4 =	sld [smem:$0x3FB2]  }
0x2a: {  	p0 =	seq.s32 s5, $0x0;
	s5 =	sld [smem:$0x3FB3]  }
0x2b: {  	s6 =	sld [smem:$0x3FB4]  }
0x2c: {  	s7 =	sld [smem:$0x3FB5]  }
0x2d: {  	s3 =	simm.s32 $0x108;
	s8 =	sld [smem:$0x3FB6]  }
0x2e: {  	s3 =	simm.s32 @!p0 $0x1082;
	s9 =	sld [smem:$0x3FB7]  }
0x2f: {  	lr =	sadd.s32 s0, s3;
	s0 =	sld [smem:$0x3FAE]  }
0x30: {  	s3 =	sld [smem:$0x3FB1]  }
0x31: {  	[smem:$0x3FBA] =	sst s10  }
0x32: {  	s10 =	sld [smem:$0x3FB8];
	_ =	sdelay $0x3  }
0x33: {  	p0 =	seq.s32 s10, $0x1;
	s10 =	sld [smem:$0x3FBA];
	_ =	sdelay $0x3  }
0x34: {  	[smem:$0x3FBA] =	sst s10  }
0x35: {  	s10 =	sld [smem:$0x3FB9];
	_ =	sdelay $0x3  }
0x36: {  	p1 =	seq.s32 s10, $0x1;
	s10 =	sld [smem:$0x3FBA];
	_ =	sdelay $0x3  }
0x37: {  	[smem:$0x3FBA] =	sst s10  }
0x38: {  	s10 =	sld [smem:$0x3FBB]  }
0x39: {  	_ = 	snop;
	(pc) =	sbr.ind lr, $3  }
0x3a: {  	_ = 	snop  }
0x3b: {  	_ = 	snop  }
0x3c: {  	p2 =	seq.s32 s10, $0x1;
	s10 =	sld [smem:$0x3FBA]  }
0x3d: {  	_ =	shalt  }
0x3e: {  	_ =	shalt  }
0x3f: {  	_ =	shalt  }
0x40: {  	_ =	shalt  }
0x41: {  	_ =	shalt  }
0x42: {  	_ =	shalt  }
0x43: {  	_ =	shalt  }
0x44: {  	_ =	shalt  }
0x45: {  	_ =	shalt  }
0x46: {  	_ =	shalt  }
0x47: {  	_ =	shalt  }
0x48: {  	_ =	shalt  }
0x49: {  	_ =	shalt  }
0x4a: {  	_ =	shalt  }
0x4b: {  	_ =	shalt  }
0x4c: {  	_ =	shalt  }
0x4d: {  	_ =	shalt  }
0x4e: {  	_ =	shalt  }
0x4f: {  	_ =	shalt  }
0x50: {  	_ =	shalt  }
0x51: {  	_ =	shalt  }
0x52: {  	_ =	shalt  }
0x53: {  	_ =	shalt  }
0x54: {  	_ =	shalt  }
0x55: {  	_ =	shalt  }
0x56: {  	_ =	shalt  }
0x57: {  	_ =	shalt  }
0x58: {  	_ =	shalt  }
0x59: {  	_ =	shalt  }
0x5a: {  	_ =	shalt  }
0x5b: {  	_ =	shalt  }
0x5c: {  	_ =	shalt  }
0x5d: {  	_ =	shalt  }
0x5e: {  	_ =	shalt  }
0x5f: {  	_ =	shalt  }
0x60: {  	_ =	shalt  }
0x61: {  	_ =	shalt  }
0x62: {  	_ =	shalt  }
0x63: {  	_ =	shalt  }
0x64: {  	_ =	shalt  }
0x65: {  	_ =	shalt  }
0x66: {  	_ =	shalt  }
0x67: {  	_ =	shalt  }
0x68: {  	_ =	shalt  }
0x69: {  	_ =	shalt  }
0x6a: {  	_ =	shalt  }
0x6b: {  	_ =	shalt  }
0x6c: {  	_ =	shalt  }
0x6d: {  	_ =	shalt  }
0x6e: {  	_ =	shalt  }
0x6f: {  	_ =	shalt  }
0x70: {  	_ =	shalt  }
0x71: {  	_ =	shalt  }
0x72: {  	_ =	shalt  }
0x73: {  	_ =	shalt  }
0x74: {  	_ =	shalt  }
0x75: {  	_ =	shalt  }
0x76: {  	_ =	shalt  }
0x77: {  	_ =	shalt  }
0x78: {  	_ =	shalt  }
0x79: {  	_ =	shalt  }
0x7a: {  	_ =	shalt  }
0x7b: {  	_ =	shalt  }
0x7c: {  	_ =	shalt  }
0x7d: {  	_ =	shalt  }
0x7e: {  	_ =	shalt  }
0x7f: {  	_ =	shalt  }
0x80: {  	_ =	shalt  }
0x81: {  	_ =	shalt  }
0x82: {  	_ =	shalt  }
0x83: {  	_ =	shalt  }
0x84: {  	_ =	shalt  }
0x85: {  	_ =	shalt  }
0x86: {  	_ =	shalt  }
0x87: {  	_ =	shalt  }
.Lfunc_end0:
.L_simem_size_0:
called_computation_lowered:
.L_overlay_start_0:
0x88: {  	s2 =	sld [smem:$0x3FD9]  }
0x89: {  	s3 =	sld [smem:$0x3FFE];
	_ =	sdelay $0x1  }
0x8a: {  	s1 =	srdreg.scid  }
0x8b: {  	s0 =	sand.u32 $0x1, s1  }
0x8c: {  	s17 =	sshll.u32 s0, $0xA;
	s2 =	sadd.s32 s3, s2  }
0x8d: {  	s2 =	sadd.s32 s2, s17  }
0x8e: {  	[smem:$0x3FC6] =	sst s2  }
0x8f: {  	_ = 	snop  }
0x90: {  	s2 =	sld [smem:$0x3FC9]  }
0x91: {  	s18 =	sld [smem:$0x3FC8];
	(tm) =	ssettm $0x1  }
0x92: {  	s4 =	sld [smem:$0x3FFB];
	_ =	sdelay $0x3  }
0x93: {  	_ =	strace s4  }
0x94: {  	s4 =	sld [smem:$0x3FFC];
	_ =	sdelay $0x3  }
0x95: {  	_ =	strace s4  }
0x96: {  	s4 =	sld [smem:$0x3FFD];
	_ =	sdelay $0x3  }
0x97: {  	_ =	strace s4  }
0x98: {  	_ =	strace $0x8FFFFFFF  }
0x99: {  	s19 =	sld [smem:$0x3FDB];
	_ =	sdelay $0x1  }
0x9a: {  	s5 =	simm.s32 $_scs_section_size  }
0x9b: {  	s6 =	simm.s32 $_size__tile_overlayer_lowered;
	s7 =	simm.s32 $_tile_overlayer_lowered  }
0x9c: {  	s22 =	simm.s32 $0x1BFF;
	s21 =	sshll.u32 s7, $0x1;
	s4 =	sadd.s32 s5, s19  }
0x9d: {  	s8 =	simm.s32 $0x0;
	s20 =	sshll.u32 s6, $0x1;
	s6 =	sadd.s32 s21, s4  }
0x9e: {  	[timem:s8], [sflag:s22] =	dma.local [hbm:s6], s20  }
0x9f: {  	_ =	swait.ge [sflag:s22], s20  }
0xa0: {  	s5 =	ssub.s32 $0x0, s20;
	[sflag:s22] =	ssyncset.done $0x0  }
0xa1: {  	[sflag:s22] =	ssyncadd.s32 s5;
	_ =	sdelay $0x1  }
0xa2: {  	s23 =	simm.s32 $0x1B8B  }
0xa3: {  	_ =	swait.ge [sflag:s23], $0x1  }
0xa4: {  	[sflag:s23] =	ssyncset.done $0x0  }
0xa5: {  	s25 =	simm.s32 $0x1B8E;
	s24 =	sld [smem:$0x3FFE];
	[sflag:s23] =	ssyncadd.s32 $0xFFFFFFFF  }
0xa6: {  	s26 =	simm.s32 $execute0_lowered;
	[smem:$0x3FD2] =	sst s25  }
0xa7: {  	s6 =	sshll.u32 s26, $0x1;
	_ =	strace $0x80000046;
	[dreg:$0x1] =	wrdreg $0xFFFFFFFF  }
0xa8: {  	s28 =	simm.s32 $_size_execute0_lowered;
	s4 =	sadd.s32 s4, s6;
	[dreg:$0x0] =	wrdreg $0x0  }
0xa9: {  	s6 =	sshll.u32 s28, $0x1;
	[dreg:$0x2] =	wrdreg s4  }
0xaa: {  	[dreg:$0x3] =	wrdreg s6  }
0xab: {  	[dreg:$0x4] =	wrdreg $0xC0  }
0xac: {  	_ =	task [dreg:s8], $0x5FFFF  }
0xad: {  	[dreg:$0x1] =	wrdreg $0xFFFFFFFF  }
0xae: {  	[dreg:$0x0] =	wrdreg $0x60  }
0xaf: {  	[dreg:$0x2] =	wrdreg s2  }
0xb0: {  	[dreg:$0x3] =	wrdreg s18  }
0xb1: {  	[dreg:$0x4] =	wrdreg s24  }
0xb2: {  	[dreg:$0x5] =	wrdreg $0x9  }
0xb3: {  	_ =	task.clear_ibuf [dreg:s8], $0x6FFFF;
	_ =	strace $0x90000046  }
0xb4: {  	s29 =	simm.s32 $0x9;
	_ =	strace $0x80000048  }
0xb5: {  	_ =	swait.ge [sflag:s29], $0x1  }
0xb6: {  	[sflag:s29] =	ssyncadd.s32 $0xFFFFFFFF  }
0xb7: {  	_ =	strace $0x90000048  }
0xb8: {  	_ =	sfence  }
0xb9: {  	s30 =	sld [smem:$0x0];
	_ =	sdelay $0x2  }
0xba: {  	s31 =	sshll.u32 s1, $0xD;
	s1 =	sshrl.u32 s1, $0x2  }
0xbb: {  	s3 =	sand.u32 $0x4000, s31;
	s1 =	sadd.s32 s1, s30  }
0xbc: {  	s0 =	sor.u32 s3, s0;
	s1 =	sshll.u32 s1, $0x11  }
0xbd: {  	s0 =	sor.u32 s1, s0  }
0xbe: {  	s0 =	sadd.s32 $0x8F2B, s0  }
0xbf: {  	[sflag:s0] =	ssyncadd.remote.s32 $0x1  }
0xc0: {  	_ =	sfence.sel $0xFFFF  }
0xc1: {  	[dreg:$0x0] =	wrdreg $0xFFFFFFFF;
	(pc) =	sbr.abs _section_cstart, $3  }
0xc2: {  	[dreg:$0x1] =	wrdreg $0xFFFFFFFF  }
0xc3: {  	_ =	task.clear_ibuf [dreg:s8], $0x2FFFF;
	_ =	strace $0x9FFFFFFF  }
0xc4: {  	(tm) =	ssettm $0x7FFFFFFF  }
0xc5: {  	_ =	shalt  }
tec
execute0_lowered:
.L_overlay_start_1:
0x0: {  	(tag) =	ssettag $0x1  }
0x1: {  	s3 =	rddreg [dreg:$0x1]  }
0x2: {  	s0 =	rddreg [dreg:$0x2]  }
0x3: {  	s1 =	srdreg.scid;
	s2 =	stileid.u32;
	s4 =	simm.s32 $0x0  }
0x4: {  	s7 =	simm.s32 $0xF5;
	s13 =	simm.s32 $0x5;
	s14 =	simm.s32 $0x400  }
0x5: {  	s15 =	simm.s32 $0x7A1400;
	s16 =	simm.s32 $0x14100;
	s19 =	simm.s32 $0x4000  }
0x6: {  	s20 =	simm.s32 $0x8000;
	s21 =	simm.s32 $0x14000;
	s22 =	simm.s32 $0xC000  }
0x7: {  	s23 =	simm.s32 $0x10000;
	s1 =	sand.u32 $0x1, s1;
	s2 =	sshll.u32 s2, $0x1  }
0x8: {  	s30 =	simm.s32 $0x0;
	[smem:$0x7FF] =	sst s4;
	s2 =	sor.u32 s1, s2  }
0x9: {  	s5 =	sadd.s32 $0x400, s0;
	_ =	strace $0x80000047;
	s6 =	smul.u32 $0xF4, s2  }
0xa: {  	s24 =	ssub.s32 $0x2, s1;
	s25 =	smin.u32 s2, $0x5;
	p0 =	slt.u32 s2, $0x5  }
0xb: {  	s26 =	sshrl.u32 s24, $0x1;
	s7 =	simm.s32 @!p0 $0xF4;
	s6 =	sadd.s32 s25, s6  }
.Ltmp0:
0xc: {  	s0 =	ssub.s32 s24, s26;
	s28 =	sshll.u32 s6, $0x7;
	(pc) =	sbr.rel .LBB2_1-.Ltmp0, $4  }
0xd: {  	v2 =	vlaneseq.u32;
	v3 =	vimm.s32 $0x0;
	s24 =	simm.s32 $0x14080;
	s0 =	smax.u32 s0, $0x1;
	s8 =	sadd.s32 s3, s28  }
0xe: {  	v4 =	vimm.s32 $0x1;
	v5 =	vimm.s32 $0x2;
	v6 =	vimm.s32 $0x3;
	s26 =	simm.s32 $0x1E100;
	[dreg:$0x6] =	wrdreg s0;
	s2 =	sadd.s32 $0x80, s8  }
0xf: {  	v7 =	vimm.s32 $0x4;
	v8 =	vimm.s32 $0x5;
	v9 =	vimm.s32 $0x6;
	s29 =	sadd.s32 s7, s6;
	s31 =	sadd.s32 $0x100, s8;
	[dreg:$0x4] =	wrdreg s2  }
0x10: {  	v10 =	vimm.s32 $0x7;
	s11 =	sadd.s32 $0xFFFFFFFD, s7;
	s25 =	simm.s32 $0x1A100;
	v0 =	vmov s6;
	v1 =	vmov s29;
	[dreg:$0x5] =	wrdreg s31  }
.LBB2_62:
0x11: {  	v19 =	vor.u32 v2, v20;
	_ =	sdelay $0x4  }
0x12: {  	[tilespmem:v19+s25+$0x0] =	vst.idx.msk $0xffff, v21  }
0x13: {  	v15 =	vor.u32 v15, v20;
	v17 =	vld.idx.msk [tilespmem:v17+s25+$0x0], $0xffff;
	_ =	sdelay $0x4  }
0x14: {  	[tilespmem:v15+s25+$0x0] =	vst.idx.msk $0xffff, v17  }
0x15: {  	v12 =	vor.u32 v12, v20;
	v15 =	vld.idx.msk [tilespmem:v16+s25+$0x0], $0xffff;
	_ =	sdelay $0x4  }
0x16: {  	[tilespmem:v12+s25+$0x0] =	vst.idx.msk $0xffff, v15  }
0x17: {  	v11 =	vor.u32 v11, v20;
	v12 =	vld.idx.msk [tilespmem:v18+s25+$0x0], $0xffff;
	_ =	sdelay $0x4  }
0x18: {  	[tilespmem:v11+s25+$0x0] =	vst.idx.msk $0xffff, v12  }
0x19: {  	s0 =	simm.s32 $0x80;
	s31 =	simm.s32 $0x4;
	[tilespmem:v13+s26+$0x0] =	vst.idx.msk $0x1, v14  }
0x1a: {  	[hbm4b:s5+s0] =	stream.indirect.scatter [tilespmem:s25], [sflag:$0x4], $0x80, s26, s0, $0xb8;
	[tilespmem:$0x1E180] =	vst v63  }
0x1b: {  	_ =	swait.ge [sflag:s31], $0x4000  }
0x1c: {  	[sflag:s31] =	ssyncset.done $0x0  }
0x1d: {  	[sflag:s31] =	ssyncadd.s32 $0xFFFFC000  }
.LBB2_63:
0x1e: {  	s30 =	sadd.s32 $0x1, s30;
	s0 =	rddreg [dreg:$0x6]  }
0x1f: {  	p0 =	sne.s32 s30, s0  }
.Ltmp1:
0x20: {  	_ = 	snop;
	(pc) =	sbr.rel @!p0 .LBB2_64-.Ltmp1, $1  }
0x21: {  	_ =	sdelay $0x3  }
.LBB2_1:
0x22: {  	s0 =	rddreg [dreg:$0x0]  }
0x23: {  	[tilespmem:s4], [sflag:$0x5] =	stream.linear.gather [hbm4b:s0+s4], $0x4000, $0x38;
	[tilespmem:$0x1E180] =	vst v63  }
0x24: {  	_ =	swait.ge [sflag:s13], $0x4000  }
0x25: {  	[sflag:s13] =	ssyncset.done $0x0  }
0x26: {  	[sflag:s13] =	ssyncadd.s32 $0xFFFFC000  }
0x27: {  	v11 =	vor.u32 s4, v2;
	[tilespmem:s16], [sflag:$0x1] =	stream.strided.gather [hbm4b:s8+s14], $0x2000, s15, s14, $0x38;
	[tilespmem:$0x1E180] =	vst v63  }
0x28: {  	s1 =	simm.s32 $0x16100;
	s18 =	rddreg [dreg:$0x4]  }
0x29: {  	[tilespmem:s1], [sflag:$0x2] =	stream.strided.gather [hbm4b:s18+s14], $0x2000, s15, s14, $0x38;
	[tilespmem:$0x1E180] =	vst v63  }
0x2a: {  	s29 =	simm.s32 $0x18100;
	s28 =	rddreg [dreg:$0x5]  }
0x2b: {  	[tilespmem:s29], [sflag:$0x3] =	stream.strided.gather [hbm4b:s28+s14], $0x2000, s15, s14, $0x38;
	[tilespmem:$0x1E180] =	vst v63  }
0x2c: {  	v12 =	vld.idx.msk [tilespmem:v11+s4+$0x0], $0xffff;
	_ =	sdelay $0x4  }
0x2d: {  	v13 =	vshrl.u32 v12, $0x7  }
0x2e: {  	vm0 =	vge.u32 v13, v0;
	vm1 =	vlt.u32 v13, v1  }
0x2f: {  	vm0 =	vmand vm0, vm1  }
0x30: {  	v13 =	vsel vm0, $0x1, v3  }
0x31: {  	(xrf0) =	vadd.scan.msk.s32 $0xffff, v13;
	_ =	sdelay $0x5  }
0x32: {  	v13 =	vsel vm0, $0xFFFFFFFF, v3;
	v14, _, _ =	vpop (xrf0)  }
0x33: {  	v13 =	vadd.s32 s4, v13;
	v15 =	vxor.u32 $0x80000000, v14  }
0x34: {  	v14 =	vadd.s32 v14, v13;
	(xrf0) =	vmax.scan.msk.u32 $0xffff, v15;
	_ =	sdelay $0x1  }
0x35: {  	s31 =	simm.s32 $0x10  }
0x36: {  	s0 =	simm.s32 $0x0;
	s1 =	simm.s32 $0x20;
	v13 =	vor.u32 s31, v2  }
.LBB2_2:
0x37: {  	p0 =	sne.s32 s1, $0x3FF0  }
0x38: {  	[tilespmem:v14+s19+$0x0] =	vst.idx.msk vm0, v12  }
0x39: {  	[tilespmem:v14+s20+$0x0] =	vst.idx.msk vm0, v11;
	v12, _, _ =	vpop (xrf0);
	v11 =	vmov v13  }
0x3a: {  	(v2sf) =	vpush v12, $0xF  }
0x3b: {  	v12 =	vld.idx.msk [tilespmem:v13+s4+$0x0], $0xffff;
	_ =	sdelay $0x5  }
0x3c: {  	v13 =	vshrl.u32 v12, $0x7  }
0x3d: {  	vm0 =	vge.u32 v13, v0;
	vm1 =	vlt.u32 v13, v1  }
0x3e: {  	vm0 =	vmand vm0, vm1  }
0x3f: {  	v13 =	vsel vm0, $0xFFFFFFFF, v3;
	v14 =	vsel vm0, $0x1, v3  }
0x40: {  	(xrf0) =	vadd.scan.msk.s32 $0xffff, v14;
	_ =	sdelay $0x3  }
0x41: {  	s2 =	spop (v2sf)  }
0x42: {  	s0 =	sadd.s32 s2, s0  }
0x43: {  	v14, _, _ =	vpop (xrf0);
	s0 =	sadd.s32 $0x80000000, s0  }
.Ltmp2:
0x44: {  	v13 =	vadd.s32 s0, v13;
	v15 =	vxor.u32 $0x80000000, v14;
	(pc) =	sbr.rel @p0 .LBB2_2-.Ltmp2, $2  }
0x45: {  	v14 =	vadd.s32 v14, v13;
	(xrf0) =	vmax.scan.msk.u32 $0xffff, v15;
	_ =	sdelay $0x2  }
0x46: {  	v13 =	vor.u32 s1, v2;
	s1 =	sadd.s32 $0x10, s1  }
0x47: {  	_ =	sdelay $0x4  }
0x48: {  	[tilespmem:v14+s19+$0x0] =	vst.idx.msk vm0, v12  }
0x49: {  	[tilespmem:v14+s20+$0x0] =	vst.idx.msk vm0, v11  }
0x4a: {  	v11 =	vld.idx.msk [tilespmem:v13+s4+$0x0], $0xffff;
	_ =	sdelay $0x4  }
0x4b: {  	v58 =	vshrl.u32 v11, $0x7  }
0x4c: {  	vm15 =	vge.u32 v58, v0;
	vm1 =	vlt.u32 v58, v1  }
0x4d: {  	vm0 =	vmand vm15, vm1  }
0x4e: {  	v59 =	vsel vm0, $0x1, v3  }
0x4f: {  	(xrf0) =	vadd.scan.msk.s32 $0xffff, v59;
	_ =	sdelay $0x4  }
0x50: {  	v60, _, _ =	vpop (xrf0)  }
0x51: {  	v61, _, _ =	vpop (xrf0)  }
0x52: {  	v15 =	vxor.u32 $0x80000000, v61  }
0x53: {  	(xrf0) =	vmax.scan.msk.u32 $0xffff, v15;
	_ =	sdelay $0x4  }
0x54: {  	(v2sf) =	vpush v60, $0xF  }
0x55: {  	v62, _, _ =	vpop (xrf0)  }
0x56: {  	(v2sf) =	vpush v62, $0xF;
	_ =	sdelay $0xc  }
0x57: {  	s1 =	spop (v2sf)  }
0x58: {  	s0 =	sadd.s32 s1, s0  }
0x59: {  	v63 =	vsel vm0, $0xFFFFFFFF, v3;
	s0 =	sadd.s32 $0x80000000, s0;
	s31 =	spop (v2sf)  }
0x5a: {  	v12 =	vadd.s32 s0, v63;
	s0 =	sadd.s32 s31, s0  }
0x5b: {  	v12 =	vadd.s32 v61, v12;
	s2 =	sadd.s32 $0x80000000, s0  }
0x5c: {  	s0 =	sadd.s32 $0xF, s2  }
0x5d: {  	p0 =	slt.s32 s0, $0x10  }
.Ltmp3:
0x5e: {  	_ = 	snop;
	(pc) =	sbr.rel @p0 .LBB2_65-.Ltmp3, $4  }
0x5f: {  	_ = 	snop  }
0x60: {  	[tilespmem:v12+s19+$0x0] =	vst.idx.msk vm0, v11  }
0x61: {  	[tilespmem:v12+s20+$0x0] =	vst.idx.msk vm0, v13  }
0x62: {  	[tilespmem:v3+s21+$0x0] =	vst.idx.msk $0x1, v3  }
0x63: {  	s1 =	sshra.s32 s0, $0x1F  }
0x64: {  	s1 =	sshrl.u32 s1, $0x1C  }
0x65: {  	s29 =	sadd.s32 s1, s0  }
0x66: {  	s0 =	sshra.s32 s29, $0x4  }
0x67: {  	p0 =	sne.s32 s0, $0x1  }
.Ltmp4:
0x68: {  	_ = 	snop;
	(pc) =	sbr.rel @!p0 .LBB2_8-.Ltmp4, $4  }
0x69: {  	_ = 	snop  }
0x6a: {  	s1 =	simm.s32 $0x0  }
0x6b: {  	p1 =	por $0x0, $0x0;
	v12 =	vor.u32 s1, v2  }
0x6c: {  	v11 =	vmov s2;
	s2 =	simm.s32 $0x0;
	p2 =	por $0x0, $0x0;
	s31 =	sadd.s32 $0xFFFFFFFF, s0;
	v13 =	vmov v12  }
0x6d: {  	_ =	sdelay $0x3  }
0x6e: {  	v14 =	vld.idx.msk [tilespmem:v12+s19+$0x0], $0xffff;
	_ =	sdelay $0x4  }
0x6f: {  	v13 =	vshrl.u32 v14, $0x7  }
0x70: {  	v13 =	vsub.s32 v13, v0  }
0x71: {  	vm1 =	vlt.s32 v12, v11;
	vm0 =	vlt.u32 v13, $0x20  }
0x72: {  	vm0 =	vmand vm1, vm0  }
0x73: {  	v13 =	vsel vm0, $0x1, v3  }
0x74: {  	(xrf0) =	vadd.scan.msk.s32 $0xffff, v13;
	_ =	sdelay $0x4  }
0x75: {  	p3 =	sne.s32 s31, $0x1  }
.Ltmp5:
0x76: {  	v13 =	vsel vm0, $0xFFFFFFFF, v3;
	v16, _, _ =	vpop (xrf0);
	(pc) =	sbr.rel @!p3 .LBB2_6-.Ltmp5, $4  }
0x77: {  	v13 =	vadd.s32 s1, v13;
	v17 =	vxor.u32 $0x80000000, v16  }
0x78: {  	v16 =	vadd.s32 v16, v13;
	(xrf0) =	vmax.scan.msk.u32 $0xffff, v17  }
0x79: {  	s9 =	simm.s32 $0x10;
	v15 =	vld.idx.msk [tilespmem:v12+s20+$0x0], $0xffff  }
0x7a: {  	s10 =	sadd.s32 $0xFFFFFFFF, s31;
	p2 =	por $0x1, $0x1;
	s2 =	simm.s32 $0x0;
	v13 =	vor.u32 s9, v2  }
.LBB2_7:
0x7b: {  	p3 =	sne.s32 s10, $0x1;
	_ =	sdelay $0x1  }
0x7c: {  	[tilespmem:v16+s22+$0x0] =	vst.idx.msk vm0, v14  }
0x7d: {  	[tilespmem:v16+s23+$0x0] =	vst.idx.msk vm0, v15;
	v15, _, _ =	vpop (xrf0)  }
0x7e: {  	v14 =	vld.idx.msk [tilespmem:v13+s19+$0x0], $0xffff;
	(v2sf) =	vpush v15, $0xF;
	_ =	sdelay $0x5  }
0x7f: {  	v15 =	vshrl.u32 v14, $0x7  }
0x80: {  	v15 =	vsub.s32 v15, v0  }
0x81: {  	vm1 =	vlt.s32 v13, v11;
	vm0 =	vlt.u32 v15, $0x20  }
0x82: {  	vm0 =	vmand vm1, vm0  }
0x83: {  	v15 =	vsel vm0, $0xFFFFFFFF, v3;
	v16 =	vsel vm0, $0x1, v3  }
0x84: {  	(xrf0) =	vadd.scan.msk.s32 $0xffff, v16;
	_ =	sdelay $0x3  }
0x85: {  	s12 =	spop (v2sf)  }
0x86: {  	s2 =	sadd.s32 s12, s2  }
.Ltmp6:
0x87: {  	v16, _, _ =	vpop (xrf0);
	s2 =	sadd.s32 $0x80000000, s2;
	(pc) =	sbr.rel @p3 .LBB2_7-.Ltmp6, $4  }
0x88: {  	v17 =	vadd.s32 s2, v15;
	v18 =	vxor.u32 $0x80000000, v16  }
0x89: {  	v15 =	vld.idx.msk [tilespmem:v13+s20+$0x0], $0xffff;
	v16 =	vadd.s32 v16, v17;
	(xrf0) =	vmax.scan.msk.u32 $0xffff, v18  }
0x8a: {  	s9 =	sadd.s32 $0x10, s9  }
0x8b: {  	s10 =	sadd.s32 $0xFFFFFFFF, s10;
	v13 =	vor.u32 s9, v2  }
.LBB2_8:
0x8c: {  	_ =	sdelay $0x4  }
0x8d: {  	[tilespmem:v16+s22+$0x0] =	vst.idx.msk @p2 vm0, v14  }
0x8e: {  	[tilespmem:v16+s23+$0x0] =	vst.idx.msk @p2 vm0, v15  }
0x8f: {  	v14 =	vld.idx.msk [tilespmem:v13+s19+$0x0], $0xffff;
	_ =	sdelay $0x4  }
0x90: {  	v15 =	vshrl.u32 v14, $0x7  }
0x91: {  	v15 =	vsub.s32 v15, v0  }
0x92: {  	vm1 =	vlt.s32 v13, v11;
	vm15 =	vlt.u32 v15, $0x20  }
0x93: {  	vm0 =	vmand vm1, vm15  }
0x94: {  	v15 =	vsel vm0, $0x1, v3  }
0x95: {  	(xrf0) =	vadd.scan.msk.s32 $0xffff, v15;
	_ =	sdelay $0x4  }
0x96: {  	v15, _, _ =	vpop @p2 (xrf0)  }
0x97: {  	v63, _, _ =	vpop (xrf0)  }
0x98: {  	(v2sf) =	vpush @p2 v15, $0xF;
	v15 =	vxor.u32 $0x80000000, v63  }
0x99: {  	(xrf0) =	vmax.scan.msk.u32 $0xffff, v15;
	_ =	sdelay $0x5  }
0x9a: {  	v15, _, _ =	vpop (xrf0)  }
0x9b: {  	(v2sf) =	vpush v15, $0xF;
	_ =	sdelay $0x6  }
0x9c: {  	s9 =	spop @p2 (v2sf)  }
0x9d: {  	s2 =	sadd.s32 @p2 s9, s2  }
0x9e: {  	s2 =	sadd.s32 @p2 $0x80000000, s2  }
0x9f: {  	v15 =	vsel vm0, $0xFFFFFFFF, v3;
	s1 =	smov.u32 @p2 s2  }
0xa0: {  	v15 =	vadd.s32 s1, v15  }
0xa1: {  	v15 =	vadd.s32 v63, v15  }
0xa2: {  	v13 =	vld.idx.msk [tilespmem:v13+s20+$0x0], $0xffff;
	_ =	sdelay $0x1  }
0xa3: {  	s29 =	spop (v2sf)  }
.Ltmp7:
0xa4: {  	s1 =	sadd.s32 s29, s1;
	(pc) =	sbr.rel @!p0 .LBB2_9-.Ltmp7, $4  }
0xa5: {  	[tilespmem:v15+s22+$0x0] =	vst.idx.msk vm0, v14;
	s1 =	sadd.s32 $0x80000000, s1  }
0xa6: {  	[tilespmem:v15+s23+$0x0] =	vst.idx.msk vm0, v13;
	v13 =	vmov s1  }
0xa7: {  	[tilespmem:v3+s24+$0x0] =	vst.idx.msk $0x1, v13  }
0xa8: {  	[tilespmem:v4+s21+$0x0] =	vst.idx.msk $0x1, v13  }
0xa9: {  	_ =	sdelay $0x3  }
0xaa: {  	v13 =	vld.idx.msk [tilespmem:v12+s19+$0x0], $0xffff;
	_ =	sdelay $0x4  }
0xab: {  	v14 =	vshrl.u32 v13, $0x7  }
0xac: {  	v14 =	vsub.s32 v14, v0  }
0xad: {  	v14 =	vand.u32 $0xFFFFFFE0, v14  }
0xae: {  	vm1 =	vlt.s32 v12, v11;
	vm0 =	veq.s32 v14, $0x20  }
0xaf: {  	vm0 =	vmand vm1, vm0  }
0xb0: {  	v14 =	vsel vm0, $0x1, v3  }
0xb1: {  	(xrf0) =	vadd.scan.msk.s32 $0xffff, v14;
	_ =	sdelay $0x4  }
0xb2: {  	p2 =	sne.s32 s31, $0x1;
	v14 =	vsel vm0, $0xFFFFFFFF, v3  }
.Ltmp8:
0xb3: {  	v16 =	vadd.s32 s1, v14;
	v15, _, _ =	vpop (xrf0);
	(pc) =	sbr.rel @!p2 .LBB2_11-.Ltmp8, $4  }
0xb4: {  	v14 =	vld.idx.msk [tilespmem:v12+s20+$0x0], $0xffff;
	v12 =	vxor.u32 $0x80000000, v15;
	v15 =	vadd.s32 v15, v16  }
0xb5: {  	(xrf0) =	vmax.scan.msk.u32 $0xffff, v12  }
0xb6: {  	s9 =	simm.s32 $0x10  }
0xb7: {  	s10 =	sadd.s32 $0xFFFFFFFF, s31;
	p1 =	por $0x1, $0x1;
	s2 =	smov.u32 s1;
	v12 =	vor.u32 s9, v2  }
.LBB2_12:
0xb8: {  	p2 =	sne.s32 s10, $0x1  }
0xb9: {  	[tilespmem:v15+s22+$0x0] =	vst.idx.msk vm0, v13  }
0xba: {  	[tilespmem:v15+s23+$0x0] =	vst.idx.msk vm0, v14  }
0xbb: {  	v14, _, _ =	vpop (xrf0)  }
0xbc: {  	v13 =	vld.idx.msk [tilespmem:v12+s19+$0x0], $0xffff;
	(v2sf) =	vpush v14, $0xF;
	_ =	sdelay $0x5  }
0xbd: {  	v14 =	vshrl.u32 v13, $0x7  }
0xbe: {  	v14 =	vsub.s32 v14, v0  }
0xbf: {  	v14 =	vand.u32 $0xFFFFFFE0, v14  }
0xc0: {  	vm1 =	vlt.s32 v12, v11;
	vm0 =	veq.s32 v14, $0x20  }
0xc1: {  	vm0 =	vmand vm1, vm0  }
0xc2: {  	v14 =	vsel vm0, $0xFFFFFFFF, v3;
	v15 =	vsel vm0, $0x1, v3  }
0xc3: {  	(xrf0) =	vadd.scan.msk.s32 $0xffff, v15;
	_ =	sdelay $0x2  }
0xc4: {  	s12 =	spop (v2sf)  }
0xc5: {  	s2 =	sadd.s32 s12, s2  }
0xc6: {  	s2 =	sadd.s32 $0x80000000, s2  }
.Ltmp9:
0xc7: {  	v15 =	vadd.s32 s2, v14;
	v16, _, _ =	vpop (xrf0);
	(pc) =	sbr.rel @p2 .LBB2_12-.Ltmp9, $4  }
0xc8: {  	v14 =	vld.idx.msk [tilespmem:v12+s20+$0x0], $0xffff;
	v15 =	vadd.s32 v16, v15;
	v12 =	vxor.u32 $0x80000000, v16  }
0xc9: {  	(xrf0) =	vmax.scan.msk.u32 $0xffff, v12  }
0xca: {  	s9 =	sadd.s32 $0x10, s9  }
0xcb: {  	s10 =	sadd.s32 $0xFFFFFFFF, s10;
	v12 =	vor.u32 s9, v2  }
.LBB2_13:
0xcc: {  	_ =	sdelay $0x4  }
0xcd: {  	[tilespmem:v15+s22+$0x0] =	vst.idx.msk @p1 vm0, v13  }
0xce: {  	[tilespmem:v15+s23+$0x0] =	vst.idx.msk @p1 vm0, v14  }
0xcf: {  	v13 =	vld.idx.msk [tilespmem:v12+s19+$0x0], $0xffff;
	_ =	sdelay $0x4  }
0xd0: {  	v14 =	vshrl.u32 v13, $0x7  }
0xd1: {  	v14 =	vsub.s32 v14, v0  }
0xd2: {  	v14 =	vand.u32 $0xFFFFFFE0, v14  }
0xd3: {  	vm1 =	vlt.s32 v12, v11;
	vm0 =	veq.s32 v14, $0x20  }
0xd4: {  	vm0 =	vmand vm1, vm0  }
0xd5: {  	v14 =	vsel vm0, $0x1, v3  }
0xd6: {  	(xrf0) =	vadd.scan.msk.s32 $0xffff, v14;
	_ =	sdelay $0x4  }
0xd7: {  	v14, _, _ =	vpop @p1 (xrf0)  }
0xd8: {  	v15, _, _ =	vpop (xrf0)  }
0xd9: {  	(v2sf) =	vpush @p1 v14, $0xF;
	v14 =	vxor.u32 $0x80000000, v15  }
0xda: {  	(xrf0) =	vmax.scan.msk.u32 $0xffff, v14;
	_ =	sdelay $0x5  }
0xdb: {  	v14, _, _ =	vpop (xrf0)  }
0xdc: {  	(v2sf) =	vpush v14, $0xF;
	_ =	sdelay $0x6  }
0xdd: {  	s9 =	spop @p1 (v2sf)  }
0xde: {  	s2 =	sadd.s32 @p1 s9, s2  }
0xdf: {  	s2 =	sadd.s32 @p1 $0x80000000, s2  }
0xe0: {  	v14 =	vsel vm0, $0xFFFFFFFF, v3;
	s1 =	smov.u32 @p1 s2  }
0xe1: {  	v14 =	vadd.s32 s1, v14  }
0xe2: {  	v14 =	vadd.s32 v15, v14  }
0xe3: {  	v12 =	vld.idx.msk [tilespmem:v12+s20+$0x0], $0xffff;
	_ =	sdelay $0x1  }
0xe4: {  	s28 =	spop (v2sf)  }
.Ltmp10:
0xe5: {  	s1 =	sadd.s32 s28, s1;
	(pc) =	sbr.rel @!p0 .LBB2_17-.Ltmp10, $4  }
0xe6: {  	[tilespmem:v14+s22+$0x0] =	vst.idx.msk vm0, v13;
	s1 =	sadd.s32 $0x80000000, s1  }
0xe7: {  	s29 =	simm.s32 $0x0;
	[tilespmem:v14+s23+$0x0] =	vst.idx.msk vm0, v12;
	v13 =	vmov s1  }
0xe8: {  	v12 =	vor.u32 s29, v2;
	[tilespmem:v4+s24+$0x0] =	vst.idx.msk $0x1, v13  }
0xe9: {  	p2 =	por $0x0, $0x0;
	p1 =	por $0x0, $0x0;
	v14 =	vmov v12;
	s2 =	smov.u32 s1;
	[tilespmem:v5+s21+$0x0] =	vst.idx.msk $0x1, v13  }
0xea: {  	_ =	sdelay $0x3  }
0xeb: {  	v13 =	vld.idx.msk [tilespmem:v12+s19+$0x0], $0xffff;
	_ =	sdelay $0x4  }
0xec: {  	v14 =	vshrl.u32 v13, $0x7  }
0xed: {  	v14 =	vsub.s32 v14, v0  }
0xee: {  	v14 =	vand.u32 $0xFFFFFFE0, v14  }
0xef: {  	vm1 =	vlt.s32 v12, v11;
	vm0 =	veq.s32 v14, $0x40  }
0xf0: {  	vm0 =	vmand vm1, vm0  }
0xf1: {  	v14 =	vsel vm0, $0x1, v3  }
0xf2: {  	(xrf0) =	vadd.scan.msk.s32 $0xffff, v14;
	_ =	sdelay $0x4  }
0xf3: {  	p3 =	sne.s32 s31, $0x1;
	v14 =	vsel vm0, $0xFFFFFFFF, v3  }
.Ltmp11:
0xf4: {  	v14 =	vadd.s32 s1, v14;
	v15, _, _ =	vpop (xrf0);
	(pc) =	sbr.rel @!p3 .LBB2_15-.Ltmp11, $4  }
0xf5: {  	v17 =	vxor.u32 $0x80000000, v15;
	v15 =	vadd.s32 v15, v14  }
0xf6: {  	v16 =	vld.idx.msk [tilespmem:v12+s20+$0x0], $0xffff;
	(xrf0) =	vmax.scan.msk.u32 $0xffff, v17  }
0xf7: {  	s9 =	simm.s32 $0x10  }
0xf8: {  	s10 =	sadd.s32 $0xFFFFFFFF, s31;
	p2 =	por $0x1, $0x1;
	s2 =	smov.u32 s1;
	v14 =	vor.u32 s9, v2  }
.LBB2_16:
0xf9: {  	p3 =	sne.s32 s10, $0x1  }
0xfa: {  	[tilespmem:v15+s22+$0x0] =	vst.idx.msk vm0, v13  }
0xfb: {  	[tilespmem:v15+s23+$0x0] =	vst.idx.msk vm0, v16  }
0xfc: {  	v15, _, _ =	vpop (xrf0)  }
0xfd: {  	v13 =	vld.idx.msk [tilespmem:v14+s19+$0x0], $0xffff;
	(v2sf) =	vpush v15, $0xF;
	_ =	sdelay $0x5  }
0xfe: {  	v15 =	vshrl.u32 v13, $0x7  }
0xff: {  	v15 =	vsub.s32 v15, v0  }
0x100: {  	v15 =	vand.u32 $0xFFFFFFE0, v15  }
0x101: {  	vm1 =	vlt.s32 v14, v11;
	vm0 =	veq.s32 v15, $0x40  }
0x102: {  	vm0 =	vmand vm1, vm0  }
0x103: {  	v15 =	vsel vm0, $0xFFFFFFFF, v3;
	v16 =	vsel vm0, $0x1, v3  }
0x104: {  	(xrf0) =	vadd.scan.msk.s32 $0xffff, v16;
	_ =	sdelay $0x2  }
0x105: {  	s12 =	spop (v2sf)  }
0x106: {  	s2 =	sadd.s32 s12, s2  }
0x107: {  	s2 =	sadd.s32 $0x80000000, s2  }
.Ltmp12:
0x108: {  	v15 =	vadd.s32 s2, v15;
	v17, _, _ =	vpop (xrf0);
	(pc) =	sbr.rel @p3 .LBB2_16-.Ltmp12, $4  }
0x109: {  	v16 =	vld.idx.msk [tilespmem:v14+s20+$0x0], $0xffff;
	v15 =	vadd.s32 v17, v15;
	v14 =	vxor.u32 $0x80000000, v17  }
0x10a: {  	(xrf0) =	vmax.scan.msk.u32 $0xffff, v14  }
0x10b: {  	s9 =	sadd.s32 $0x10, s9  }
0x10c: {  	s10 =	sadd.s32 $0xFFFFFFFF, s10;
	v14 =	vor.u32 s9, v2  }
.LBB2_17:
0x10d: {  	_ =	sdelay $0x4  }
0x10e: {  	[tilespmem:v15+s22+$0x0] =	vst.idx.msk @p2 vm0, v13  }
0x10f: {  	[tilespmem:v15+s23+$0x0] =	vst.idx.msk @p2 vm0, v16  }
0x110: {  	v13 =	vld.idx.msk [tilespmem:v14+s19+$0x0], $0xffff;
	_ =	sdelay $0x4  }
0x111: {  	v15 =	vshrl.u32 v13, $0x7  }
0x112: {  	v15 =	vsub.s32 v15, v0  }
0x113: {  	v15 =	vand.u32 $0xFFFFFFE0, v15  }
0x114: {  	vm1 =	vlt.s32 v14, v11;
	vm15 =	veq.s32 v15, $0x40  }
0x115: {  	vm0 =	vmand vm1, vm15  }
0x116: {  	v15 =	vsel vm0, $0x1, v3  }
0x117: {  	(xrf0) =	vadd.scan.msk.s32 $0xffff, v15;
	_ =	sdelay $0x4  }
0x118: {  	v15, _, _ =	vpop @p2 (xrf0)  }
0x119: {  	v63, _, _ =	vpop (xrf0)  }
0x11a: {  	(v2sf) =	vpush @p2 v15, $0xF;
	v15 =	vxor.u32 $0x80000000, v63  }
0x11b: {  	(xrf0) =	vmax.scan.msk.u32 $0xffff, v15;
	_ =	sdelay $0x5  }
0x11c: {  	v15, _, _ =	vpop (xrf0)  }
0x11d: {  	(v2sf) =	vpush v15, $0xF;
	_ =	sdelay $0x6  }
0x11e: {  	s9 =	spop @p2 (v2sf)  }
0x11f: {  	s2 =	sadd.s32 @p2 s9, s2  }
0x120: {  	s2 =	sadd.s32 @p2 $0x80000000, s2  }
0x121: {  	v15 =	vsel vm0, $0xFFFFFFFF, v3;
	s1 =	smov.u32 @p2 s2  }
0x122: {  	v15 =	vadd.s32 s1, v15  }
0x123: {  	v15 =	vadd.s32 v63, v15  }
0x124: {  	v14 =	vld.idx.msk [tilespmem:v14+s20+$0x0], $0xffff;
	_ =	sdelay $0x1  }
0x125: {  	s29 =	spop (v2sf)  }
.Ltmp13:
0x126: {  	s1 =	sadd.s32 s29, s1;
	(pc) =	sbr.rel @!p0 .LBB2_18-.Ltmp13, $4  }
0x127: {  	[tilespmem:v15+s22+$0x0] =	vst.idx.msk vm0, v13;
	s1 =	sadd.s32 $0x80000000, s1  }
0x128: {  	[tilespmem:v15+s23+$0x0] =	vst.idx.msk vm0, v14;
	v13 =	vmov s1  }
0x129: {  	[tilespmem:v5+s24+$0x0] =	vst.idx.msk $0x1, v13  }
0x12a: {  	[tilespmem:v6+s21+$0x0] =	vst.idx.msk $0x1, v13  }
0x12b: {  	_ =	sdelay $0x3  }
0x12c: {  	v13 =	vld.idx.msk [tilespmem:v12+s19+$0x0], $0xffff;
	_ =	sdelay $0x4  }
0x12d: {  	v14 =	vshrl.u32 v13, $0x7  }
0x12e: {  	v14 =	vsub.s32 v14, v0  }
0x12f: {  	v14 =	vand.u32 $0xFFFFFFE0, v14  }
0x130: {  	vm1 =	vlt.s32 v12, v11;
	vm0 =	veq.s32 v14, $0x60  }
0x131: {  	vm0 =	vmand vm1, vm0  }
0x132: {  	v14 =	vsel vm0, $0x1, v3  }
0x133: {  	(xrf0) =	vadd.scan.msk.s32 $0xffff, v14;
	_ =	sdelay $0x4  }
0x134: {  	p2 =	sne.s32 s31, $0x1;
	v14 =	vsel vm0, $0xFFFFFFFF, v3  }
.Ltmp14:
0x135: {  	v16 =	vadd.s32 s1, v14;
	v15, _, _ =	vpop (xrf0);
	(pc) =	sbr.rel @!p2 .LBB2_20-.Ltmp14, $4  }
0x136: {  	v14 =	vld.idx.msk [tilespmem:v12+s20+$0x0], $0xffff;
	v12 =	vxor.u32 $0x80000000, v15;
	v15 =	vadd.s32 v15, v16  }
0x137: {  	(xrf0) =	vmax.scan.msk.u32 $0xffff, v12  }
0x138: {  	s9 =	simm.s32 $0x10  }
0x139: {  	s10 =	sadd.s32 $0xFFFFFFFF, s31;
	p1 =	por $0x1, $0x1;
	s2 =	smov.u32 s1;
	v12 =	vor.u32 s9, v2  }
.LBB2_21:
0x13a: {  	p2 =	sne.s32 s10, $0x1  }
0x13b: {  	[tilespmem:v15+s22+$0x0] =	vst.idx.msk vm0, v13  }
0x13c: {  	[tilespmem:v15+s23+$0x0] =	vst.idx.msk vm0, v14  }
0x13d: {  	v14, _, _ =	vpop (xrf0)  }
0x13e: {  	v13 =	vld.idx.msk [tilespmem:v12+s19+$0x0], $0xffff;
	(v2sf) =	vpush v14, $0xF;
	_ =	sdelay $0x5  }
0x13f: {  	v14 =	vshrl.u32 v13, $0x7  }
0x140: {  	v14 =	vsub.s32 v14, v0  }
0x141: {  	v14 =	vand.u32 $0xFFFFFFE0, v14  }
0x142: {  	vm1 =	vlt.s32 v12, v11;
	vm0 =	veq.s32 v14, $0x60  }
0x143: {  	vm0 =	vmand vm1, vm0  }
0x144: {  	v14 =	vsel vm0, $0xFFFFFFFF, v3;
	v15 =	vsel vm0, $0x1, v3  }
0x145: {  	(xrf0) =	vadd.scan.msk.s32 $0xffff, v15;
	_ =	sdelay $0x2  }
0x146: {  	s12 =	spop (v2sf)  }
0x147: {  	s2 =	sadd.s32 s12, s2  }
0x148: {  	s2 =	sadd.s32 $0x80000000, s2  }
.Ltmp15:
0x149: {  	v15 =	vadd.s32 s2, v14;
	v16, _, _ =	vpop (xrf0);
	(pc) =	sbr.rel @p2 .LBB2_21-.Ltmp15, $4  }
0x14a: {  	v14 =	vld.idx.msk [tilespmem:v12+s20+$0x0], $0xffff;
	v15 =	vadd.s32 v16, v15;
	v12 =	vxor.u32 $0x80000000, v16  }
0x14b: {  	(xrf0) =	vmax.scan.msk.u32 $0xffff, v12  }
0x14c: {  	s9 =	sadd.s32 $0x10, s9  }
0x14d: {  	s10 =	sadd.s32 $0xFFFFFFFF, s10;
	v12 =	vor.u32 s9, v2  }
.LBB2_22:
0x14e: {  	_ =	sdelay $0x4  }
0x14f: {  	[tilespmem:v15+s22+$0x0] =	vst.idx.msk @p1 vm0, v13  }
0x150: {  	[tilespmem:v15+s23+$0x0] =	vst.idx.msk @p1 vm0, v14  }
0x151: {  	v13 =	vld.idx.msk [tilespmem:v12+s19+$0x0], $0xffff;
	_ =	sdelay $0x4  }
0x152: {  	v14 =	vshrl.u32 v13, $0x7  }
0x153: {  	v14 =	vsub.s32 v14, v0  }
0x154: {  	v14 =	vand.u32 $0xFFFFFFE0, v14  }
0x155: {  	vm1 =	vlt.s32 v12, v11;
	vm0 =	veq.s32 v14, $0x60  }
0x156: {  	vm0 =	vmand vm1, vm0  }
0x157: {  	v14 =	vsel vm0, $0x1, v3  }
0x158: {  	(xrf0) =	vadd.scan.msk.s32 $0xffff, v14;
	_ =	sdelay $0x4  }
0x159: {  	v14, _, _ =	vpop @p1 (xrf0)  }
0x15a: {  	v15, _, _ =	vpop (xrf0)  }
0x15b: {  	(v2sf) =	vpush @p1 v14, $0xF;
	v14 =	vxor.u32 $0x80000000, v15  }
0x15c: {  	(xrf0) =	vmax.scan.msk.u32 $0xffff, v14;
	_ =	sdelay $0x5  }
0x15d: {  	v14, _, _ =	vpop (xrf0)  }
0x15e: {  	(v2sf) =	vpush v14, $0xF;
	_ =	sdelay $0x6  }
0x15f: {  	s9 =	spop @p1 (v2sf)  }
0x160: {  	s2 =	sadd.s32 @p1 s9, s2  }
0x161: {  	s2 =	sadd.s32 @p1 $0x80000000, s2  }
0x162: {  	v14 =	vsel vm0, $0xFFFFFFFF, v3;
	s1 =	smov.u32 @p1 s2  }
0x163: {  	v14 =	vadd.s32 s1, v14  }
0x164: {  	v14 =	vadd.s32 v15, v14  }
0x165: {  	v12 =	vld.idx.msk [tilespmem:v12+s20+$0x0], $0xffff;
	_ =	sdelay $0x1  }
0x166: {  	s28 =	spop (v2sf)  }
.Ltmp16:
0x167: {  	s1 =	sadd.s32 s28, s1;
	(pc) =	sbr.rel @!p0 .LBB2_26-.Ltmp16, $4  }
0x168: {  	[tilespmem:v14+s22+$0x0] =	vst.idx.msk vm0, v13;
	s1 =	sadd.s32 $0x80000000, s1  }
0x169: {  	s29 =	simm.s32 $0x0;
	[tilespmem:v14+s23+$0x0] =	vst.idx.msk vm0, v12;
	v13 =	vmov s1  }
0x16a: {  	v12 =	vor.u32 s29, v2;
	[tilespmem:v6+s24+$0x0] =	vst.idx.msk $0x1, v13  }
0x16b: {  	p2 =	por $0x0, $0x0;
	p1 =	por $0x0, $0x0;
	v14 =	vmov v12;
	s2 =	smov.u32 s1;
	[tilespmem:v7+s21+$0x0] =	vst.idx.msk $0x1, v13  }
0x16c: {  	_ =	sdelay $0x3  }
0x16d: {  	v13 =	vld.idx.msk [tilespmem:v12+s19+$0x0], $0xffff;
	_ =	sdelay $0x4  }
0x16e: {  	v14 =	vshrl.u32 v13, $0x7  }
0x16f: {  	v14 =	vsub.s32 v14, v0  }
0x170: {  	v14 =	vand.u32 $0xFFFFFFE0, v14  }
0x171: {  	vm1 =	vlt.s32 v12, v11;
	vm0 =	veq.s32 v14, $0x80  }
0x172: {  	vm0 =	vmand vm1, vm0  }
0x173: {  	v14 =	vsel vm0, $0x1, v3  }
0x174: {  	(xrf0) =	vadd.scan.msk.s32 $0xffff, v14;
	_ =	sdelay $0x4  }
0x175: {  	p3 =	sne.s32 s31, $0x1;
	v14 =	vsel vm0, $0xFFFFFFFF, v3  }
.Ltmp17:
0x176: {  	v14 =	vadd.s32 s1, v14;
	v15, _, _ =	vpop (xrf0);
	(pc) =	sbr.rel @!p3 .LBB2_24-.Ltmp17, $4  }
0x177: {  	v17 =	vxor.u32 $0x80000000, v15;
	v15 =	vadd.s32 v15, v14  }
0x178: {  	v16 =	vld.idx.msk [tilespmem:v12+s20+$0x0], $0xffff;
	(xrf0) =	vmax.scan.msk.u32 $0xffff, v17  }
0x179: {  	s9 =	simm.s32 $0x10  }
0x17a: {  	s10 =	sadd.s32 $0xFFFFFFFF, s31;
	p2 =	por $0x1, $0x1;
	s2 =	smov.u32 s1;
	v14 =	vor.u32 s9, v2  }
.LBB2_25:
0x17b: {  	p3 =	sne.s32 s10, $0x1  }
0x17c: {  	[tilespmem:v15+s22+$0x0] =	vst.idx.msk vm0, v13  }
0x17d: {  	[tilespmem:v15+s23+$0x0] =	vst.idx.msk vm0, v16  }
0x17e: {  	v15, _, _ =	vpop (xrf0)  }
0x17f: {  	v13 =	vld.idx.msk [tilespmem:v14+s19+$0x0], $0xffff;
	(v2sf) =	vpush v15, $0xF;
	_ =	sdelay $0x5  }
0x180: {  	v15 =	vshrl.u32 v13, $0x7  }
0x181: {  	v15 =	vsub.s32 v15, v0  }
0x182: {  	v15 =	vand.u32 $0xFFFFFFE0, v15  }
0x183: {  	vm1 =	vlt.s32 v14, v11;
	vm0 =	veq.s32 v15, $0x80  }
0x184: {  	vm0 =	vmand vm1, vm0  }
0x185: {  	v15 =	vsel vm0, $0xFFFFFFFF, v3;
	v16 =	vsel vm0, $0x1, v3  }
0x186: {  	(xrf0) =	vadd.scan.msk.s32 $0xffff, v16;
	_ =	sdelay $0x2  }
0x187: {  	s12 =	spop (v2sf)  }
0x188: {  	s2 =	sadd.s32 s12, s2  }
0x189: {  	s2 =	sadd.s32 $0x80000000, s2  }
.Ltmp18:
0x18a: {  	v15 =	vadd.s32 s2, v15;
	v17, _, _ =	vpop (xrf0);
	(pc) =	sbr.rel @p3 .LBB2_25-.Ltmp18, $4  }
0x18b: {  	v16 =	vld.idx.msk [tilespmem:v14+s20+$0x0], $0xffff;
	v15 =	vadd.s32 v17, v15;
	v14 =	vxor.u32 $0x80000000, v17  }
0x18c: {  	(xrf0) =	vmax.scan.msk.u32 $0xffff, v14  }
0x18d: {  	s9 =	sadd.s32 $0x10, s9  }
0x18e: {  	s10 =	sadd.s32 $0xFFFFFFFF, s10;
	v14 =	vor.u32 s9, v2  }
.LBB2_26:
0x18f: {  	_ =	sdelay $0x4  }
0x190: {  	[tilespmem:v15+s22+$0x0] =	vst.idx.msk @p2 vm0, v13  }
0x191: {  	[tilespmem:v15+s23+$0x0] =	vst.idx.msk @p2 vm0, v16  }
0x192: {  	v13 =	vld.idx.msk [tilespmem:v14+s19+$0x0], $0xffff;
	_ =	sdelay $0x4  }
0x193: {  	v15 =	vshrl.u32 v13, $0x7  }
0x194: {  	v15 =	vsub.s32 v15, v0  }
0x195: {  	v15 =	vand.u32 $0xFFFFFFE0, v15  }
0x196: {  	vm1 =	vlt.s32 v14, v11;
	vm15 =	veq.s32 v15, $0x80  }
0x197: {  	vm0 =	vmand vm1, vm15  }
0x198: {  	v15 =	vsel vm0, $0x1, v3  }
0x199: {  	(xrf0) =	vadd.scan.msk.s32 $0xffff, v15;
	_ =	sdelay $0x4  }
0x19a: {  	v15, _, _ =	vpop @p2 (xrf0)  }
0x19b: {  	v63, _, _ =	vpop (xrf0)  }
0x19c: {  	(v2sf) =	vpush @p2 v15, $0xF;
	v15 =	vxor.u32 $0x80000000, v63  }
0x19d: {  	(xrf0) =	vmax.scan.msk.u32 $0xffff, v15;
	_ =	sdelay $0x5  }
0x19e: {  	v15, _, _ =	vpop (xrf0)  }
0x19f: {  	(v2sf) =	vpush v15, $0xF;
	_ =	sdelay $0x6  }
0x1a0: {  	s9 =	spop @p2 (v2sf)  }
0x1a1: {  	s2 =	sadd.s32 @p2 s9, s2  }
0x1a2: {  	s2 =	sadd.s32 @p2 $0x80000000, s2  }
0x1a3: {  	v15 =	vsel vm0, $0xFFFFFFFF, v3;
	s1 =	smov.u32 @p2 s2  }
0x1a4: {  	v15 =	vadd.s32 s1, v15  }
0x1a5: {  	v15 =	vadd.s32 v63, v15  }
0x1a6: {  	v14 =	vld.idx.msk [tilespmem:v14+s20+$0x0], $0xffff;
	_ =	sdelay $0x1  }
0x1a7: {  	s29 =	spop (v2sf)  }
.Ltmp19:
0x1a8: {  	s1 =	sadd.s32 s29, s1;
	(pc) =	sbr.rel @!p0 .LBB2_27-.Ltmp19, $4  }
0x1a9: {  	[tilespmem:v15+s22+$0x0] =	vst.idx.msk vm0, v13;
	s1 =	sadd.s32 $0x80000000, s1  }
0x1aa: {  	[tilespmem:v15+s23+$0x0] =	vst.idx.msk vm0, v14;
	v13 =	vmov s1  }
0x1ab: {  	[tilespmem:v7+s24+$0x0] =	vst.idx.msk $0x1, v13  }
0x1ac: {  	[tilespmem:v8+s21+$0x0] =	vst.idx.msk $0x1, v13  }
0x1ad: {  	_ =	sdelay $0x3  }
0x1ae: {  	v13 =	vld.idx.msk [tilespmem:v12+s19+$0x0], $0xffff;
	_ =	sdelay $0x4  }
0x1af: {  	v14 =	vshrl.u32 v13, $0x7  }
0x1b0: {  	v14 =	vsub.s32 v14, v0  }
0x1b1: {  	v14 =	vand.u32 $0xFFFFFFE0, v14  }
0x1b2: {  	vm1 =	vlt.s32 v12, v11;
	vm0 =	veq.s32 v14, $0xA0  }
0x1b3: {  	vm0 =	vmand vm1, vm0  }
0x1b4: {  	v14 =	vsel vm0, $0x1, v3  }
0x1b5: {  	(xrf0) =	vadd.scan.msk.s32 $0xffff, v14;
	_ =	sdelay $0x4  }
0x1b6: {  	p2 =	sne.s32 s31, $0x1;
	v14 =	vsel vm0, $0xFFFFFFFF, v3  }
.Ltmp20:
0x1b7: {  	v16 =	vadd.s32 s1, v14;
	v15, _, _ =	vpop (xrf0);
	(pc) =	sbr.rel @!p2 .LBB2_29-.Ltmp20, $4  }
0x1b8: {  	v14 =	vld.idx.msk [tilespmem:v12+s20+$0x0], $0xffff;
	v12 =	vxor.u32 $0x80000000, v15;
	v15 =	vadd.s32 v15, v16  }
0x1b9: {  	(xrf0) =	vmax.scan.msk.u32 $0xffff, v12  }
0x1ba: {  	s9 =	simm.s32 $0x10  }
0x1bb: {  	s10 =	sadd.s32 $0xFFFFFFFF, s31;
	p1 =	por $0x1, $0x1;
	s2 =	smov.u32 s1;
	v12 =	vor.u32 s9, v2  }
.LBB2_30:
0x1bc: {  	p2 =	sne.s32 s10, $0x1  }
0x1bd: {  	[tilespmem:v15+s22+$0x0] =	vst.idx.msk vm0, v13  }
0x1be: {  	[tilespmem:v15+s23+$0x0] =	vst.idx.msk vm0, v14  }
0x1bf: {  	v14, _, _ =	vpop (xrf0)  }
0x1c0: {  	v13 =	vld.idx.msk [tilespmem:v12+s19+$0x0], $0xffff;
	(v2sf) =	vpush v14, $0xF;
	_ =	sdelay $0x5  }
0x1c1: {  	v14 =	vshrl.u32 v13, $0x7  }
0x1c2: {  	v14 =	vsub.s32 v14, v0  }
0x1c3: {  	v14 =	vand.u32 $0xFFFFFFE0, v14  }
0x1c4: {  	vm1 =	vlt.s32 v12, v11;
	vm0 =	veq.s32 v14, $0xA0  }
0x1c5: {  	vm0 =	vmand vm1, vm0  }
0x1c6: {  	v14 =	vsel vm0, $0xFFFFFFFF, v3;
	v15 =	vsel vm0, $0x1, v3  }
0x1c7: {  	(xrf0) =	vadd.scan.msk.s32 $0xffff, v15;
	_ =	sdelay $0x2  }
0x1c8: {  	s12 =	spop (v2sf)  }
0x1c9: {  	s2 =	sadd.s32 s12, s2  }
0x1ca: {  	s2 =	sadd.s32 $0x80000000, s2  }
.Ltmp21:
0x1cb: {  	v15 =	vadd.s32 s2, v14;
	v16, _, _ =	vpop (xrf0);
	(pc) =	sbr.rel @p2 .LBB2_30-.Ltmp21, $4  }
0x1cc: {  	v14 =	vld.idx.msk [tilespmem:v12+s20+$0x0], $0xffff;
	v15 =	vadd.s32 v16, v15;
	v12 =	vxor.u32 $0x80000000, v16  }
0x1cd: {  	(xrf0) =	vmax.scan.msk.u32 $0xffff, v12  }
0x1ce: {  	s9 =	sadd.s32 $0x10, s9  }
0x1cf: {  	s10 =	sadd.s32 $0xFFFFFFFF, s10;
	v12 =	vor.u32 s9, v2  }
.LBB2_31:
0x1d0: {  	_ =	sdelay $0x4  }
0x1d1: {  	[tilespmem:v15+s22+$0x0] =	vst.idx.msk @p1 vm0, v13  }
0x1d2: {  	[tilespmem:v15+s23+$0x0] =	vst.idx.msk @p1 vm0, v14  }
0x1d3: {  	v13 =	vld.idx.msk [tilespmem:v12+s19+$0x0], $0xffff;
	_ =	sdelay $0x4  }
0x1d4: {  	v14 =	vshrl.u32 v13, $0x7  }
0x1d5: {  	v14 =	vsub.s32 v14, v0  }
0x1d6: {  	v14 =	vand.u32 $0xFFFFFFE0, v14  }
0x1d7: {  	vm1 =	vlt.s32 v12, v11;
	vm15 =	veq.s32 v14, $0xA0  }
0x1d8: {  	vm0 =	vmand vm1, vm15  }
0x1d9: {  	v14 =	vsel vm0, $0x1, v3  }
0x1da: {  	(xrf0) =	vadd.scan.msk.s32 $0xffff, v14;
	_ =	sdelay $0x4  }
0x1db: {  	v14, _, _ =	vpop @p1 (xrf0)  }
0x1dc: {  	v15, _, _ =	vpop (xrf0)  }
0x1dd: {  	(v2sf) =	vpush @p1 v14, $0xF;
	v14 =	vxor.u32 $0x80000000, v15  }
0x1de: {  	(xrf0) =	vmax.scan.msk.u32 $0xffff, v14;
	_ =	sdelay $0x5  }
0x1df: {  	v14, _, _ =	vpop (xrf0)  }
0x1e0: {  	(v2sf) =	vpush v14, $0xF;
	_ =	sdelay $0x6  }
0x1e1: {  	s9 =	spop @p1 (v2sf)  }
0x1e2: {  	s2 =	sadd.s32 @p1 s9, s2  }
0x1e3: {  	s2 =	sadd.s32 @p1 $0x80000000, s2  }
0x1e4: {  	v14 =	vsel vm0, $0xFFFFFFFF, v3;
	s1 =	smov.u32 @p1 s2  }
0x1e5: {  	v14 =	vadd.s32 s1, v14  }
0x1e6: {  	v14 =	vadd.s32 v15, v14  }
0x1e7: {  	v12 =	vld.idx.msk [tilespmem:v12+s20+$0x0], $0xffff;
	_ =	sdelay $0x1  }
0x1e8: {  	p2 =	seq.s32 s0, $0x1;
	s28 =	spop (v2sf)  }
.Ltmp22:
0x1e9: {  	s1 =	sadd.s32 s28, s1;
	(pc) =	sbr.rel @p2 .LBB2_32-.Ltmp22, $4  }
0x1ea: {  	[tilespmem:v14+s22+$0x0] =	vst.idx.msk vm0, v13;
	s1 =	sadd.s32 $0x80000000, s1  }
0x1eb: {  	[tilespmem:v14+s23+$0x0] =	vst.idx.msk vm0, v12;
	v12 =	vmov s1  }
0x1ec: {  	s29 =	simm.s32 $0x0;
	[tilespmem:v8+s24+$0x0] =	vst.idx.msk $0x1, v12  }
0x1ed: {  	p1 =	por $0x0, $0x0;
	[tilespmem:v9+s21+$0x0] =	vst.idx.msk $0x1, v12;
	v12 =	vor.u32 s29, v2  }
0x1ee: {  	_ =	sdelay $0x3  }
0x1ef: {  	v13 =	vld.idx.msk [tilespmem:v12+s19+$0x0], $0xffff;
	_ =	sdelay $0x4  }
0x1f0: {  	v14 =	vshrl.u32 v13, $0x7  }
0x1f1: {  	v14 =	vsub.s32 v14, v0  }
0x1f2: {  	v14 =	vand.u32 $0xFFFFFFE0, v14  }
0x1f3: {  	vm1 =	vlt.s32 v12, v11;
	vm0 =	veq.s32 v14, $0xC0  }
0x1f4: {  	vm0 =	vmand vm1, vm0  }
0x1f5: {  	v14 =	vsel vm0, $0x1, v3  }
0x1f6: {  	(xrf0) =	vadd.scan.msk.s32 $0xffff, v14;
	_ =	sdelay $0x4  }
0x1f7: {  	p2 =	seq.s32 s31, $0x1;
	v14 =	vsel vm0, $0xFFFFFFFF, v3  }
.Ltmp23:
0x1f8: {  	v16 =	vadd.s32 s1, v14;
	v15, _, _ =	vpop (xrf0);
	(pc) =	sbr.rel @p2 .LBB2_34-.Ltmp23, $4  }
0x1f9: {  	v14 =	vld.idx.msk [tilespmem:v12+s20+$0x0], $0xffff;
	v12 =	vxor.u32 $0x80000000, v15;
	v15 =	vadd.s32 v15, v16  }
0x1fa: {  	(xrf0) =	vmax.scan.msk.u32 $0xffff, v12  }
0x1fb: {  	s2 =	simm.s32 $0x10  }
0x1fc: {  	s9 =	sadd.s32 $0xFFFFFFFF, s31;
	p1 =	por $0x1, $0x1;
	s0 =	smov.u32 s1;
	v12 =	vor.u32 s2, v2  }
.LBB2_35:
0x1fd: {  	p2 =	seq.s32 s9, $0x1  }
0x1fe: {  	[tilespmem:v15+s22+$0x0] =	vst.idx.msk vm0, v13  }
0x1ff: {  	[tilespmem:v15+s23+$0x0] =	vst.idx.msk vm0, v14  }
0x200: {  	v14, _, _ =	vpop (xrf0)  }
0x201: {  	v13 =	vld.idx.msk [tilespmem:v12+s19+$0x0], $0xffff;
	(v2sf) =	vpush v14, $0xF;
	_ =	sdelay $0x5  }
0x202: {  	v14 =	vshrl.u32 v13, $0x7  }
0x203: {  	v14 =	vsub.s32 v14, v0  }
0x204: {  	v14 =	vand.u32 $0xFFFFFFE0, v14  }
0x205: {  	vm1 =	vlt.s32 v12, v11;
	vm0 =	veq.s32 v14, $0xC0  }
0x206: {  	vm0 =	vmand vm1, vm0  }
0x207: {  	v14 =	vsel vm0, $0xFFFFFFFF, v3;
	v15 =	vsel vm0, $0x1, v3  }
0x208: {  	(xrf0) =	vadd.scan.msk.s32 $0xffff, v15;
	_ =	sdelay $0x2  }
0x209: {  	s10 =	spop (v2sf)  }
0x20a: {  	s0 =	sadd.s32 s10, s0  }
0x20b: {  	s0 =	sadd.s32 $0x80000000, s0  }
.Ltmp24:
0x20c: {  	v15 =	vadd.s32 s0, v14;
	v16, _, _ =	vpop (xrf0);
	(pc) =	sbr.rel @!p2 .LBB2_35-.Ltmp24, $4  }
0x20d: {  	v14 =	vld.idx.msk [tilespmem:v12+s20+$0x0], $0xffff;
	v15 =	vadd.s32 v16, v15;
	v12 =	vxor.u32 $0x80000000, v16  }
0x20e: {  	(xrf0) =	vmax.scan.msk.u32 $0xffff, v12  }
0x20f: {  	s2 =	sadd.s32 $0x10, s2  }
0x210: {  	s9 =	sadd.s32 $0xFFFFFFFF, s9;
	v12 =	vor.u32 s2, v2  }
.LBB2_36:
0x211: {  	_ =	sdelay $0x4  }
0x212: {  	[tilespmem:v15+s22+$0x0] =	vst.idx.msk @p1 vm0, v13  }
0x213: {  	[tilespmem:v15+s23+$0x0] =	vst.idx.msk @p1 vm0, v14  }
0x214: {  	v13 =	vld.idx.msk [tilespmem:v12+s19+$0x0], $0xffff;
	_ =	sdelay $0x4  }
0x215: {  	v14 =	vshrl.u32 v13, $0x7  }
0x216: {  	v14 =	vsub.s32 v14, v0  }
0x217: {  	v14 =	vand.u32 $0xFFFFFFE0, v14  }
0x218: {  	vm1 =	vlt.s32 v12, v11;
	vm15 =	veq.s32 v14, $0xC0  }
0x219: {  	vm0 =	vmand vm1, vm15  }
0x21a: {  	v14 =	vsel vm0, $0x1, v3  }
0x21b: {  	(xrf0) =	vadd.scan.msk.s32 $0xffff, v14;
	_ =	sdelay $0x4  }
0x21c: {  	v14, _, _ =	vpop @p1 (xrf0)  }
0x21d: {  	(v2sf) =	vpush @p1 v14, $0xF;
	v14, _, _ =	vpop (xrf0)  }
0x21e: {  	v15 =	vxor.u32 $0x80000000, v14  }
0x21f: {  	(xrf0) =	vmax.scan.msk.u32 $0xffff, v15;
	_ =	sdelay $0x5  }
0x220: {  	v15, _, _ =	vpop (xrf0)  }
0x221: {  	(v2sf) =	vpush v15, $0xF;
	_ =	sdelay $0x6  }
0x222: {  	s2 =	spop @p1 (v2sf)  }
0x223: {  	s0 =	sadd.s32 @p1 s2, s0  }
0x224: {  	s0 =	sadd.s32 @p1 $0x80000000, s0  }
0x225: {  	v15 =	vsel vm0, $0xFFFFFFFF, v3;
	s1 =	smov.u32 @p1 s0  }
0x226: {  	v15 =	vadd.s32 s1, v15  }
0x227: {  	v14 =	vadd.s32 v14, v15  }
0x228: {  	v12 =	vld.idx.msk [tilespmem:v12+s20+$0x0], $0xffff;
	_ =	sdelay $0x1  }
0x229: {  	s28 =	spop (v2sf)  }
.Ltmp25:
0x22a: {  	s0 =	sadd.s32 s28, s1;
	(pc) =	sbr.rel @!p0 .LBB2_37-.Ltmp25, $4  }
0x22b: {  	[tilespmem:v14+s22+$0x0] =	vst.idx.msk vm0, v13;
	s0 =	sadd.s32 $0x80000000, s0  }
0x22c: {  	[tilespmem:v14+s23+$0x0] =	vst.idx.msk vm0, v12;
	v12 =	vmov s0  }
0x22d: {  	s29 =	simm.s32 $0x0;
	[tilespmem:v9+s24+$0x0] =	vst.idx.msk $0x1, v12  }
0x22e: {  	p1 =	por $0x0, $0x0;
	[tilespmem:v10+s21+$0x0] =	vst.idx.msk $0x1, v12;
	v12 =	vor.u32 s29, v2  }
0x22f: {  	_ =	sdelay $0x3  }
0x230: {  	v13 =	vld.idx.msk [tilespmem:v12+s19+$0x0], $0xffff;
	_ =	sdelay $0x4  }
0x231: {  	v14 =	vshrl.u32 v13, $0x7  }
0x232: {  	v14 =	vsub.s32 v14, v0  }
0x233: {  	v14 =	vand.u32 $0xFFFFFFE0, v14  }
0x234: {  	vm1 =	vlt.s32 v12, v11;
	vm0 =	veq.s32 v14, $0xE0  }
0x235: {  	vm0 =	vmand vm1, vm0  }
0x236: {  	v14 =	vsel vm0, $0x1, v3  }
0x237: {  	(xrf0) =	vadd.scan.msk.s32 $0xffff, v14;
	_ =	sdelay $0x4  }
0x238: {  	p0 =	sne.s32 s31, $0x1;
	v14 =	vsel vm0, $0xFFFFFFFF, v3  }
.Ltmp26:
0x239: {  	v16 =	vadd.s32 s0, v14;
	v15, _, _ =	vpop (xrf0);
	(pc) =	sbr.rel @!p0 .LBB2_39-.Ltmp26, $4  }
0x23a: {  	v14 =	vld.idx.msk [tilespmem:v12+s20+$0x0], $0xffff;
	v12 =	vxor.u32 $0x80000000, v15;
	v15 =	vadd.s32 v15, v16  }
0x23b: {  	(xrf0) =	vmax.scan.msk.u32 $0xffff, v12  }
0x23c: {  	s2 =	simm.s32 $0x10  }
0x23d: {  	s9 =	sadd.s32 $0xFFFFFFFF, s31;
	p1 =	por $0x1, $0x1;
	s1 =	smov.u32 s0;
	v12 =	vor.u32 s2, v2  }
.LBB2_40:
0x23e: {  	p0 =	sne.s32 s9, $0x1  }
0x23f: {  	[tilespmem:v15+s22+$0x0] =	vst.idx.msk vm0, v13  }
0x240: {  	[tilespmem:v15+s23+$0x0] =	vst.idx.msk vm0, v14  }
0x241: {  	v14, _, _ =	vpop (xrf0)  }
0x242: {  	v13 =	vld.idx.msk [tilespmem:v12+s19+$0x0], $0xffff;
	(v2sf) =	vpush v14, $0xF;
	_ =	sdelay $0x5  }
0x243: {  	v14 =	vshrl.u32 v13, $0x7  }
0x244: {  	v14 =	vsub.s32 v14, v0  }
0x245: {  	v14 =	vand.u32 $0xFFFFFFE0, v14  }
0x246: {  	vm1 =	vlt.s32 v12, v11;
	vm0 =	veq.s32 v14, $0xE0  }
0x247: {  	vm0 =	vmand vm1, vm0  }
0x248: {  	v14 =	vsel vm0, $0xFFFFFFFF, v3;
	v15 =	vsel vm0, $0x1, v3  }
0x249: {  	(xrf0) =	vadd.scan.msk.s32 $0xffff, v15;
	_ =	sdelay $0x2  }
0x24a: {  	s10 =	spop (v2sf)  }
0x24b: {  	s1 =	sadd.s32 s10, s1  }
0x24c: {  	s1 =	sadd.s32 $0x80000000, s1  }
.Ltmp27:
0x24d: {  	v15 =	vadd.s32 s1, v14;
	v16, _, _ =	vpop (xrf0);
	(pc) =	sbr.rel @p0 .LBB2_40-.Ltmp27, $4  }
0x24e: {  	v14 =	vld.idx.msk [tilespmem:v12+s20+$0x0], $0xffff;
	v15 =	vadd.s32 v16, v15;
	v12 =	vxor.u32 $0x80000000, v16  }
0x24f: {  	(xrf0) =	vmax.scan.msk.u32 $0xffff, v12  }
0x250: {  	s2 =	sadd.s32 $0x10, s2  }
0x251: {  	s9 =	sadd.s32 $0xFFFFFFFF, s9;
	v12 =	vor.u32 s2, v2  }
.LBB2_41:
0x252: {  	_ =	sdelay $0x4  }
0x253: {  	[tilespmem:v15+s22+$0x0] =	vst.idx.msk @p1 vm0, v13  }
0x254: {  	[tilespmem:v15+s23+$0x0] =	vst.idx.msk @p1 vm0, v14  }
0x255: {  	v13 =	vld.idx.msk [tilespmem:v12+s19+$0x0], $0xffff;
	_ =	sdelay $0x4  }
0x256: {  	v61 =	vshrl.u32 v13, $0x7  }
0x257: {  	v14 =	vsub.s32 v61, v0  }
0x258: {  	v14 =	vand.u32 $0xFFFFFFE0, v14  }
0x259: {  	vm1 =	vlt.s32 v12, v11;
	vm15 =	veq.s32 v14, $0xE0  }
0x25a: {  	vm0 =	vmand vm1, vm15  }
0x25b: {  	v11 =	vsel vm0, $0x1, v3  }
0x25c: {  	(xrf0) =	vadd.scan.msk.s32 $0xffff, v11;
	_ =	sdelay $0x4  }
0x25d: {  	v11, _, _ =	vpop @p1 (xrf0)  }
0x25e: {  	v62, _, _ =	vpop (xrf0)  }
0x25f: {  	(v2sf) =	vpush @p1 v11, $0xF;
	v11 =	vxor.u32 $0x80000000, v62  }
0x260: {  	(xrf0) =	vmax.scan.msk.u32 $0xffff, v11;
	_ =	sdelay $0x5  }
0x261: {  	v11, _, _ =	vpop (xrf0)  }
0x262: {  	(v2sf) =	vpush v11, $0xF;
	_ =	sdelay $0x6  }
0x263: {  	s2 =	spop @p1 (v2sf)  }
0x264: {  	s1 =	sadd.s32 @p1 s2, s1  }
0x265: {  	s1 =	sadd.s32 @p1 $0x80000000, s1  }
0x266: {  	v11 =	vsel vm0, $0xFFFFFFFF, v3;
	s0 =	smov.u32 @p1 s1  }
0x267: {  	v11 =	vadd.s32 s0, v11  }
0x268: {  	v11 =	vadd.s32 v62, v11  }
0x269: {  	v63 =	vld.idx.msk [tilespmem:v12+s20+$0x0], $0xffff  }
.Ltmp28:
0x26a: {  	_ = 	snop;
	(pc) =	sbr.rel .LBB2_42-.Ltmp28, $4  }
0x26b: {  	s31 =	spop (v2sf)  }
0x26c: {  	s0 =	sadd.s32 s31, s0  }
0x26d: {  	[tilespmem:v11+s22+$0x0] =	vst.idx.msk vm0, v13;
	s0 =	sadd.s32 $0x80000000, s0  }
0x26e: {  	[tilespmem:v11+s23+$0x0] =	vst.idx.msk vm0, v63;
	v11 =	vmov s0  }
.LBB2_65:
0x26f: {  	v11 =	vimm.s32 $0x0;
	_ =	sdelay $0x4  }
0x270: {  	[tilespmem:v11+s24+$0x0] =	vst.idx.msk $0x1, v11  }
0x271: {  	[tilespmem:v4+s21+$0x0] =	vst.idx.msk $0x1, v11  }
0x272: {  	[tilespmem:v4+s24+$0x0] =	vst.idx.msk $0x1, v11  }
0x273: {  	[tilespmem:v5+s21+$0x0] =	vst.idx.msk $0x1, v11  }
0x274: {  	[tilespmem:v5+s24+$0x0] =	vst.idx.msk $0x1, v11  }
0x275: {  	[tilespmem:v6+s21+$0x0] =	vst.idx.msk $0x1, v11  }
0x276: {  	[tilespmem:v6+s24+$0x0] =	vst.idx.msk $0x1, v11  }
0x277: {  	[tilespmem:v7+s21+$0x0] =	vst.idx.msk $0x1, v11  }
0x278: {  	[tilespmem:v7+s24+$0x0] =	vst.idx.msk $0x1, v11  }
0x279: {  	[tilespmem:v8+s21+$0x0] =	vst.idx.msk $0x1, v11  }
0x27a: {  	[tilespmem:v8+s24+$0x0] =	vst.idx.msk $0x1, v11  }
0x27b: {  	[tilespmem:v9+s21+$0x0] =	vst.idx.msk $0x1, v11  }
0x27c: {  	[tilespmem:v9+s24+$0x0] =	vst.idx.msk $0x1, v11  }
0x27d: {  	[tilespmem:v10+s21+$0x0] =	vst.idx.msk $0x1, v11  }
.LBB2_42:
.Ltmp29:
0x27e: {  	_ = 	snop;
	(pc) =	sbr.rel .LBB2_43-.Ltmp29, $2  }
0x27f: {  	_ =	sdelay $0x2  }
0x280: {  	[tilespmem:v10+s24+$0x0] =	vst.idx.msk $0x1, v11;
	s1 =	simm.s32 $0x0;
	s0 =	simm.s32 $0x0;
	s31 =	simm.s32 $0x0  }
.LBB2_48:
0x281: {  	s17 =	simm.s32 $0x1  }
.LBB2_57:
0x282: {  	_ = 	snop  }
0x283: {  	p0 =	por p2, !p0  }
0x284: {  	[sflag:s9] =	ssyncset.done @!p0 $0x0  }
0x285: {  	[sflag:s9] =	ssyncadd.s32 @!p0 $0xFFFFC000  }
0x286: {  	v15 =	vld.idx.msk [tilespmem:v17+s19+$0x0], $0xffff;
	_ =	sdelay $0x3  }
0x287: {  	s1 =	sadd.s32 s10, s0  }
0x288: {  	s18 =	sshra.s32 s1, $0x1F;
	v16 =	vand.u32 $0xFFFFFF80, v15  }
0x289: {  	s9 =	sshrl.u32 s18, $0x19;
	v15 =	vand.u32 $0x7F, v15;
	v14 =	vadd.s32 v16, v14  }
0x28a: {  	s9 =	sadd.s32 s9, s1;
	v14 =	vor.u32 v15, v14  }
0x28b: {  	s9 =	sand.u32 $0xFFFFFF80, s9  }
0x28c: {  	s1 =	ssub.s32 s1, s9  }
0x28d: {  	v18 =	vmov s1  }
0x28e: {  	v19 =	vshll.u32 v18, $0x7  }
0x28f: {  	v20 =	vor.u32 v2, v19;
	v13 =	vadd.s32 v16, v13;
	v14 =	vld.idx.msk [tilespmem:v14+s16+$0x0], $0xffff  }
0x290: {  	v13 =	vor.u32 v15, v13;
	_ =	sdelay $0x3  }
0x291: {  	v61 =	vor.u32 $0x10, v2;
	v60 =	vld.idx.msk [tilespmem:v17+s20+$0x0], $0xffff;
	[tilespmem:v20+s25+$0x0] =	vst.idx.msk $0xffff, v14  }
0x292: {  	v12 =	vadd.s32 v16, v12;
	v14 =	vor.u32 v61, v19;
	v13 =	vld.idx.msk [tilespmem:v13+s16+$0x0], $0xffff  }
0x293: {  	v12 =	vor.u32 v15, v12;
	_ =	sdelay $0x3  }
0x294: {  	v62 =	vor.u32 $0x20, v2;
	[tilespmem:v14+s25+$0x0] =	vst.idx.msk $0xffff, v13  }
0x295: {  	v11 =	vadd.s32 v16, v11;
	v13 =	vor.u32 v62, v19;
	v12 =	vld.idx.msk [tilespmem:v12+s16+$0x0], $0xffff  }
0x296: {  	v11 =	vor.u32 v15, v11;
	_ =	sdelay $0x3  }
0x297: {  	v63 =	vor.u32 $0x30, v2;
	[tilespmem:v13+s25+$0x0] =	vst.idx.msk $0xffff, v12  }
0x298: {  	v12 =	vor.u32 v63, v19;
	v11 =	vld.idx.msk [tilespmem:v11+s16+$0x0], $0xffff;
	_ =	sdelay $0x3  }
0x299: {  	p0 =	sne.s32 s1, $0x7F  }
0x29a: {  	s1 =	simm.s32 @!p0 $0x80;
	[tilespmem:v12+s25+$0x0] =	vst.idx.msk $0xffff, v11  }
0x29b: {  	s9 =	simm.s32 @!p0 $0x1E100;
	s10 =	simm.s32 @!p0 $0x1A100;
	s12 =	simm.s32 @!p0 $0x4;
	[tilespmem:v18+s26+$0x0] =	vst.idx.msk $0x1, v60  }
0x29c: {  	[hbm4b:s5+s1] =	stream.indirect.scatter @!p0 [tilespmem:s10], [sflag:$0x4], $0x80, s9, s1, $0xb8;
	[tilespmem:$0x1E180] =	vst v63  }
0x29d: {  	v11 =	vxor.u32 $0x80000000, v60;
	_ =	swait.ge @!p0 [sflag:s12], $0x4000  }
0x29e: {  	(xrf0) =	vmax.scan.msk.u32 $0xffff, v11;
	_ =	sdelay $0x5  }
0x29f: {  	v11, _, _ =	vpop (xrf0)  }
0x2a0: {  	(v2sf) =	vpush v11, $0xF;
	_ =	sdelay $0xe  }
0x2a1: {  	[sflag:s12] =	ssyncset.done @!p0 $0x0;
	s29 =	spop (v2sf)  }
0x2a2: {  	s0 =	sadd.s32 s17, s0;
	[sflag:s12] =	ssyncadd.s32 @!p0 $0xFFFFC000;
	s1 =	sxor.u32 $0x80000000, s29  }
.LBB2_58:
0x2a3: {  	p0 =	sge.u32 s31, s11  }
0x2a4: {  	p1 =	seq.s32 @!p0 s2, $0x1  }
0x2a5: {  	p2 =	por !p1, p0  }
0x2a6: {  	s9 =	sshll.u32 @!p2 s28, $0x7  }
0x2a7: {  	s9 =	sand.u32 @!p2 $0x1FFFFF80, s9  }
0x2a8: {  	s10 =	simm.s32 @!p2 $0x400;
	s9 =	sadd.s32 @!p2 s3, s9  }
0x2a9: {  	s12 =	simm.s32 @!p2 $0x7A1400;
	s17 =	simm.s32 @!p2 $0x16100;
	s9 =	sadd.s32 @!p2 $0x180, s9  }
0x2aa: {  	[tilespmem:s17], [sflag:$0x2] =	stream.strided.gather @!p2 [hbm4b:s9+s10], $0x2000, s12, s10, $0x38;
	[tilespmem:$0x1E180] =	vst v63  }
0x2ab: {  	p2 =	por p1, p0  }
0x2ac: {  	p2 =	sne.s32 @!p2 s2, $0x0  }
0x2ad: {  	p1 =	por @!p0 p2, p1  }
0x2ae: {  	p1 =	por p1, p0  }
0x2af: {  	s9 =	sshll.u32 @!p1 s28, $0x7  }
0x2b0: {  	s9 =	sand.u32 @!p1 $0x1FFFFF80, s9  }
0x2b1: {  	s10 =	simm.s32 @!p1 $0x400;
	s9 =	sadd.s32 @!p1 s3, s9  }
0x2b2: {  	s12 =	simm.s32 @!p1 $0x7A1400;
	s17 =	simm.s32 @!p1 $0x14100;
	s9 =	sadd.s32 @!p1 $0x180, s9  }
0x2b3: {  	[tilespmem:s17], [sflag:$0x1] =	stream.strided.gather @!p1 [hbm4b:s9+s10], $0x2000, s12, s10, $0x38;
	[tilespmem:$0x1E180] =	vst v63  }
0x2b4: {  	p1 =	slt.u32 @!p0 s2, $0x2  }
0x2b5: {  	p0 =	por p1, p0  }
0x2b6: {  	s2 =	sshll.u32 @!p0 s28, $0x7  }
0x2b7: {  	s2 =	sand.u32 @!p0 $0x1FFFFF80, s2  }
0x2b8: {  	s31 =	sadd.s32 $0x1, s31;
	s9 =	simm.s32 @!p0 $0x400;
	s2 =	sadd.s32 @!p0 s3, s2  }
0x2b9: {  	s10 =	simm.s32 @!p0 $0x7A1400;
	s12 =	simm.s32 @!p0 $0x18100;
	s2 =	sadd.s32 @!p0 $0x180, s2  }
0x2ba: {  	[tilespmem:s12], [sflag:$0x3] =	stream.strided.gather @!p0 [hbm4b:s2+s9], $0x2000, s10, s9, $0x38;
	[tilespmem:$0x1E180] =	vst v63  }
0x2bb: {  	p0 =	sne.s32 s31, s7  }
.Ltmp30:
0x2bc: {  	_ = 	snop;
	(pc) =	sbr.rel @!p0 .LBB2_59-.Ltmp30, $1  }
0x2bd: {  	_ =	sdelay $0x3  }
.LBB2_43:
0x2be: {  	s2 =	smulhi.u32 $0xAAAAAAAB, s31;
	_ =	sdelay $0x1  }
0x2bf: {  	s2 =	sshrl.u32 s2, $0x1  }
0x2c0: {  	s2 =	smul.u32 $0x3, s2  }
0x2c1: {  	s9 =	sshrl.u32 s31, $0x5  }
0x2c2: {  	v11 =	vmov s9;
	s2 =	ssub.s32 s31, s2  }
0x2c3: {  	s9 =	simm.s32 $0x2;
	v11 =	vbroadcast v11, $0x0;
	p0 =	seq.s32 s2, $0x1  }
0x2c4: {  	p1 =	seq.s32 s2, $0x0;
	s9 =	simm.s32 @!p0 $0x3  }
0x2c5: {  	s9 =	simm.s32 @p1 $0x1  }
0x2c6: {  	_ =	swait.ge [sflag:s9], $0x2000  }
0x2c7: {  	[sflag:s9] =	ssyncset.done $0x0  }
0x2c8: {  	[sflag:s9] =	ssyncadd.s32 $0xFFFFE000  }
0x2c9: {  	v12 =	vld.idx.msk [tilespmem:v11+s21+$0x0], $0xffff  }
0x2ca: {  	v11 =	vld.idx.msk [tilespmem:v11+s24+$0x0], $0xffff;
	_ =	sdelay $0x3  }
0x2cb: {  	v12 =	vxor.u32 $0x80000000, v12  }
0x2cc: {  	v11 =	vxor.u32 $0x80000000, v11;
	(xrf0) =	vmax.scan.msk.u32 $0xffff, v12  }
0x2cd: {  	(xrf0) =	vmax.scan.msk.u32 $0xffff, v11;
	_ =	sdelay $0x4  }
0x2ce: {  	v11, _, _ =	vpop (xrf0)  }
0x2cf: {  	(v2sf) =	vpush v11, $0xF;
	v11, _, _ =	vpop (xrf0)  }
0x2d0: {  	(v2sf) =	vpush v11, $0xF;
	_ =	sdelay $0xd  }
0x2d1: {  	s29 =	spop (v2sf)  }
0x2d2: {  	s10 =	spop (v2sf)  }
0x2d3: {  	s18 =	sxor.u32 $0x80000000, s29;
	s9 =	sxor.u32 $0x80000000, s10  }
0x2d4: {  	s10 =	ssub.s32 s9, s18  }
0x2d5: {  	s10 =	sadd.s32 $0xF, s10  }
0x2d6: {  	p0 =	slt.s32 s10, $0x10  }
.Ltmp31:
0x2d7: {  	_ = 	snop;
	(pc) =	sbr.rel @p0 .LBB2_58-.Ltmp31, $2  }
0x2d8: {  	_ =	sdelay $0x2  }
0x2d9: {  	s28 =	sadd.s32 s6, s31  }
0x2da: {  	s12 =	sshra.s32 s10, $0x1F  }
0x2db: {  	s12 =	sshrl.u32 s12, $0x1C  }
0x2dc: {  	s12 =	sadd.s32 s12, s10  }
0x2dd: {  	s29 =	sshra.s32 s12, $0x4  }
0x2de: {  	p1 =	seq.s32 s29, $0x1  }
.Ltmp32:
0x2df: {  	_ = 	snop;
	(pc) =	sbr.rel @p1 .LBB2_45-.Ltmp32, $3  }
0x2e0: {  	_ =	sdelay $0x1  }
0x2e1: {  	s17 =	sshll.u32 s28, $0x7;
	p0 =	por $0x0, $0x0  }
0x2e2: {  	v12 =	vmov s28;
	v13 =	vmov s9;
	v11 =	vmov s17;
	s17 =	simm.s32 $0x0;
	s12 =	sadd.s32 $0x0, s18;
	s9 =	sadd.s32 $0xFFFFFFFF, s29  }
0x2e3: {  	v15 =	vadd.s32 s12, v2;
	_ =	sdelay $0x4  }
0x2e4: {  	v14 =	vld.idx.msk [tilespmem:v15+s22+$0x0], $0xffff;
	_ =	sdelay $0x4  }
0x2e5: {  	v16 =	vshrl.u32 v14, $0x7  }
0x2e6: {  	vm1 =	vlt.s32 v15, v13;
	vm0 =	veq.s32 v16, v12  }
0x2e7: {  	vm0 =	vmand vm1, vm0  }
0x2e8: {  	v16 =	vsel vm0, $0x1, v3  }
0x2e9: {  	(xrf0) =	vadd.scan.msk.s32 $0xffff, v16;
	_ =	sdelay $0x4  }
0x2ea: {  	p1 =	seq.s32 s9, $0x1  }
.Ltmp33:
0x2eb: {  	v16 =	vsel vm0, $0xFFFFFFFF, v3;
	v17, _, _ =	vpop (xrf0);
	(pc) =	sbr.rel @p1 .LBB2_50-.Ltmp33, $4  }
0x2ec: {  	v16 =	vadd.s32 s17, v16;
	v18 =	vxor.u32 $0x80000000, v17  }
0x2ed: {  	v16 =	vadd.s32 v17, v16;
	(xrf0) =	vmax.scan.msk.u32 $0xffff, v18  }
0x2ee: {  	s10 =	simm.s32 $0x10;
	s12 =	sadd.s32 $0x10, s18;
	v15 =	vld.idx.msk [tilespmem:v15+s23+$0x0], $0xffff  }
0x2ef: {  	s29 =	sadd.s32 $0xFFFFFFFF, s9;
	p0 =	por $0x1, $0x1;
	s9 =	simm.s32 $0x0;
	v14 =	vsub.s32 v14, v11  }
.LBB2_51:
0x2f0: {  	p1 =	seq.s32 s29, $0x1;
	v17 =	vadd.s32 s12, v2;
	_ =	sdelay $0x1  }
0x2f1: {  	[tilespmem:v16+s19+$0x0] =	vst.idx.msk vm0, v14  }
0x2f2: {  	[tilespmem:v16+s20+$0x0] =	vst.idx.msk vm0, v15;
	v14, _, _ =	vpop (xrf0)  }
0x2f3: {  	(v2sf) =	vpush v14, $0xF  }
0x2f4: {  	v14 =	vld.idx.msk [tilespmem:v17+s22+$0x0], $0xffff;
	_ =	sdelay $0x5  }
0x2f5: {  	v15 =	vshrl.u32 v14, $0x7;
	v14 =	vsub.s32 v14, v11  }
0x2f6: {  	vm1 =	vlt.s32 v17, v13;
	vm0 =	veq.s32 v15, v12  }
0x2f7: {  	vm0 =	vmand vm1, vm0  }
0x2f8: {  	v15 =	vsel vm0, $0xFFFFFFFF, v3;
	v16 =	vsel vm0, $0x1, v3  }
0x2f9: {  	(xrf0) =	vadd.scan.msk.s32 $0xffff, v16;
	_ =	sdelay $0x3  }
0x2fa: {  	s12 =	spop (v2sf)  }
0x2fb: {  	s9 =	sadd.s32 s12, s9  }
.Ltmp34:
0x2fc: {  	v16, _, _ =	vpop (xrf0);
	s9 =	sadd.s32 $0x80000000, s9;
	(pc) =	sbr.rel @!p1 .LBB2_51-.Ltmp34, $4  }
0x2fd: {  	v18 =	vadd.s32 s9, v15;
	v19 =	vxor.u32 $0x80000000, v16  }
0x2fe: {  	v15 =	vld.idx.msk [tilespmem:v17+s23+$0x0], $0xffff;
	v16 =	vadd.s32 v16, v18;
	(xrf0) =	vmax.scan.msk.u32 $0xffff, v19  }
0x2ff: {  	s10 =	sadd.s32 $0x10, s10  }
0x300: {  	s29 =	sadd.s32 $0xFFFFFFFF, s29;
	s12 =	sadd.s32 s18, s10  }
.LBB2_52:
0x301: {  	_ =	sdelay $0x1  }
0x302: {  	v17 =	vadd.s32 s12, v2;
	_ =	sdelay $0x2  }
0x303: {  	[tilespmem:v16+s19+$0x0] =	vst.idx.msk @p0 vm0, v14  }
0x304: {  	[tilespmem:v16+s20+$0x0] =	vst.idx.msk @p0 vm0, v15  }
0x305: {  	v14 =	vld.idx.msk [tilespmem:v17+s22+$0x0], $0xffff;
	_ =	sdelay $0x4  }
0x306: {  	v58 =	vshrl.u32 v14, $0x7  }
0x307: {  	vm1 =	vlt.s32 v17, v13;
	vm15 =	veq.s32 v58, v12  }
0x308: {  	vm0 =	vmand vm1, vm15  }
0x309: {  	v59 =	vsel vm0, $0x1, v3  }
0x30a: {  	(xrf0) =	vadd.scan.msk.s32 $0xffff, v59;
	_ =	sdelay $0x4  }
0x30b: {  	v12, _, _ =	vpop @p0 (xrf0)  }
0x30c: {  	(v2sf) =	vpush @p0 v12, $0xF;
	v60, _, _ =	vpop (xrf0)  }
0x30d: {  	v61 =	vxor.u32 $0x80000000, v60  }
0x30e: {  	(xrf0) =	vmax.scan.msk.u32 $0xffff, v61;
	_ =	sdelay $0x5  }
0x30f: {  	v13, _, _ =	vpop (xrf0)  }
0x310: {  	(v2sf) =	vpush v13, $0xF;
	_ =	sdelay $0x5  }
0x311: {  	s10 =	spop @p0 (v2sf)  }
0x312: {  	s9 =	sadd.s32 @p0 s10, s9  }
0x313: {  	s9 =	sadd.s32 @p0 $0x80000000, s9  }
0x314: {  	v62 =	vsel vm0, $0xFFFFFFFF, v3;
	s17 =	smov.u32 @p0 s9  }
0x315: {  	v13 =	vadd.s32 s17, v62  }
0x316: {  	v12 =	vadd.s32 v60, v13  }
0x317: {  	v63 =	vld.idx.msk [tilespmem:v17+s23+$0x0], $0xffff;
	_ =	sdelay $0x2  }
0x318: {  	v11 =	vsub.s32 v14, v11;
	s9 =	spop (v2sf)  }
0x319: {  	[tilespmem:v12+s19+$0x0] =	vst.idx.msk vm0, v11;
	s29 =	sadd.s32 s9, s17  }
0x31a: {  	[tilespmem:v12+s20+$0x0] =	vst.idx.msk vm0, v63;
	s10 =	sadd.s32 $0x80000000, s29  }
0x31b: {  	p0 =	slt.s32 s10, $0x1  }
.Ltmp35:
0x31c: {  	_ = 	snop;
	(pc) =	sbr.rel @p0 .LBB2_58-.Ltmp35, $1  }
0x31d: {  	_ =	sdelay $0x3  }
0x31e: {  	v11 =	vmul.u32 $0x80, v2  }
0x31f: {  	s1 =	sshll.u32 s2, $0xD  }
0x320: {  	v14 =	vor.u32 s1, v11  }
0x321: {  	s9 =	sadd.s32 s17, s9;
	v12 =	vor.u32 $0x800, v11;
	v15 =	vor.u32 $0x1000, v11;
	v11 =	vor.u32 $0x1800, v11  }
0x322: {  	v13 =	vor.u32 s1, v12;
	v12 =	vor.u32 s1, v15;
	v11 =	vor.u32 s1, v11;
	s1 =	sadd.s32 $0x80000000, s9  }
0x323: {  	p1 =	sne.s32 s1, $0x1  }
.Ltmp36:
0x324: {  	_ = 	snop;
	(pc) =	sbr.rel @!p1 .LBB2_48-.Ltmp36, $3  }
0x325: {  	_ =	sdelay $0x1  }
0x326: {  	s10 =	simm.s32 $0x0  }
0x327: {  	s18 =	simm.s32 $0x1;
	p0 =	por $0x0, $0x0;
	v17 =	vmov s10  }
0x328: {  	_ =	sdelay $0x3  }
0x329: {  	v15 =	vld.idx.msk [tilespmem:v17+s19+$0x0], $0xffff;
	_ =	sdelay $0x3  }
0x32a: {  	s9 =	sadd.s32 $0x0, s0  }
0x32b: {  	s10 =	sshra.s32 s9, $0x1F;
	v18 =	vand.u32 $0xFFFFFF80, v15  }
0x32c: {  	s10 =	sshrl.u32 s10, $0x19;
	v19 =	vand.u32 $0x7F, v15;
	v15 =	vadd.s32 v18, v14  }
0x32d: {  	s10 =	sadd.s32 s10, s9;
	v15 =	vor.u32 v19, v15  }
0x32e: {  	s10 =	sand.u32 $0xFFFFFF80, s10  }
0x32f: {  	s9 =	ssub.s32 s9, s10  }
0x330: {  	v20 =	vmov s9  }
0x331: {  	v21 =	vshll.u32 v20, $0x7  }
0x332: {  	v16 =	vadd.s32 v18, v13;
	v22 =	vor.u32 v2, v21;
	v15 =	vld.idx.msk [tilespmem:v15+s16+$0x0], $0xffff  }
0x333: {  	v16 =	vor.u32 v19, v16;
	_ =	sdelay $0x3  }
0x334: {  	v17 =	vld.idx.msk [tilespmem:v17+s20+$0x0], $0xffff;
	[tilespmem:v22+s25+$0x0] =	vst.idx.msk $0xffff, v15;
	v15 =	vor.u32 $0x10, v2  }
0x335: {  	v62 =	vadd.s32 v18, v12;
	v16 =	vld.idx.msk [tilespmem:v16+s16+$0x0], $0xffff;
	v23 =	vor.u32 v15, v21  }
0x336: {  	v22 =	vor.u32 v19, v62;
	_ =	sdelay $0x3  }
0x337: {  	[tilespmem:v23+s25+$0x0] =	vst.idx.msk $0xffff, v16;
	v16 =	vor.u32 $0x20, v2  }
0x338: {  	v18 =	vadd.s32 v18, v11;
	v22 =	vld.idx.msk [tilespmem:v22+s16+$0x0], $0xffff;
	v63 =	vor.u32 v16, v21  }
0x339: {  	v19 =	vor.u32 v19, v18;
	_ =	sdelay $0x3  }
0x33a: {  	v18 =	vor.u32 $0x30, v2;
	[tilespmem:v63+s25+$0x0] =	vst.idx.msk $0xffff, v22  }
0x33b: {  	v21 =	vor.u32 v18, v21;
	v19 =	vld.idx.msk [tilespmem:v19+s16+$0x0], $0xffff;
	_ =	sdelay $0x3  }
0x33c: {  	p1 =	sne.s32 s1, $0x2  }
.Ltmp37:
0x33d: {  	p2 =	sne.s32 s9, $0x7F;
	[tilespmem:v21+s25+$0x0] =	vst.idx.msk $0xffff, v19;
	(pc) =	sbr.rel @!p1 .LBB2_54-.Ltmp37, $4  }
0x33e: {  	s9 =	simm.s32 @!p2 $0x80;
	s10 =	simm.s32 @!p2 $0x1E100;
	s12 =	simm.s32 @!p2 $0x1A100;
	[tilespmem:v20+s26+$0x0] =	vst.idx.msk $0x1, v17  }
0x33f: {  	v17 =	vmov s18;
	[hbm4b:s5+s9] =	stream.indirect.scatter @!p2 [tilespmem:s12], [sflag:$0x4], $0x80, s10, s9, $0xb8;
	[tilespmem:$0x1E180] =	vst v63  }
0x340: {  	s9 =	simm.s32 @!p2 $0x4  }
0x341: {  	s17 =	simm.s32 $0x2;
	p0 =	por $0x1, $0x1;
	_ =	swait.ge @!p2 [sflag:s9], $0x4000  }
.LBB2_55:
0x342: {  	[sflag:s9] =	ssyncset.done @!p2 $0x0;
	s10 =	smov.u32 s17;
	s17 =	sadd.s32 $0x1, s17  }
0x343: {  	p1 =	sne.s32 s1, s17;
	[sflag:s9] =	ssyncadd.s32 @!p2 $0xFFFFC000  }
0x344: {  	v19 =	vld.idx.msk [tilespmem:v17+s19+$0x0], $0xffff;
	_ =	sdelay $0x4  }
0x345: {  	s9 =	sadd.s32 s18, s0;
	s18 =	smov.u32 s10  }
0x346: {  	s10 =	sshra.s32 s9, $0x1F;
	v20 =	vand.u32 $0xFFFFFF80, v19;
	v19 =	vand.u32 $0x7F, v19  }
0x347: {  	s10 =	sshrl.u32 s10, $0x19;
	v21 =	vadd.s32 v20, v14;
	v22 =	vadd.s32 v20, v13;
	v23 =	vadd.s32 v20, v12  }
0x348: {  	s10 =	sadd.s32 s10, s9;
	v20 =	vadd.s32 v20, v11;
	v21 =	vor.u32 v19, v21;
	v23 =	vor.u32 v19, v23  }
0x349: {  	s10 =	sand.u32 $0xFFFFFF80, s10;
	v22 =	vor.u32 v19, v22;
	v19 =	vor.u32 v19, v20  }
0x34a: {  	s9 =	ssub.s32 s9, s10  }
0x34b: {  	v20 =	vmov s9  }
0x34c: {  	v24 =	vshll.u32 v20, $0x7  }
0x34d: {  	v25 =	vor.u32 v2, v24;
	v21 =	vld.idx.msk [tilespmem:v21+s16+$0x0], $0xffff;
	_ =	sdelay $0x3  }
0x34e: {  	v26 =	vld.idx.msk [tilespmem:v17+s20+$0x0], $0xffff;
	_ =	sdelay $0x1  }
0x34f: {  	[tilespmem:v25+s25+$0x0] =	vst.idx.msk $0xffff, v21  }
0x350: {  	v21 =	vor.u32 v15, v24;
	v17 =	vld.idx.msk [tilespmem:v22+s16+$0x0], $0xffff;
	_ =	sdelay $0x5  }
0x351: {  	[tilespmem:v21+s25+$0x0] =	vst.idx.msk $0xffff, v17  }
0x352: {  	v21 =	vor.u32 v16, v24;
	v17 =	vld.idx.msk [tilespmem:v23+s16+$0x0], $0xffff;
	_ =	sdelay $0x5  }
0x353: {  	[tilespmem:v21+s25+$0x0] =	vst.idx.msk $0xffff, v17  }
0x354: {  	v21 =	vor.u32 v18, v24;
	v19 =	vld.idx.msk [tilespmem:v19+s16+$0x0], $0xffff;
	_ =	sdelay $0x4  }
.Ltmp38:
0x355: {  	p2 =	sne.s32 s9, $0x7F;
	(pc) =	sbr.rel @p1 .LBB2_55-.Ltmp38, $4  }
0x356: {  	s10 =	simm.s32 @!p2 $0x80;
	s12 =	simm.s32 @!p2 $0x1E100;
	s29 =	simm.s32 @!p2 $0x1A100;
	v17 =	vmov s18;
	[tilespmem:v21+s25+$0x0] =	vst.idx.msk $0xffff, v19  }
0x357: {  	s9 =	simm.s32 @!p2 $0x4;
	[tilespmem:v20+s26+$0x0] =	vst.idx.msk $0x1, v26  }
0x358: {  	[hbm4b:s5+s10] =	stream.indirect.scatter @!p2 [tilespmem:s29], [sflag:$0x4], $0x80, s12, s10, $0xb8;
	[tilespmem:$0x1E180] =	vst v63  }
0x359: {  	_ =	swait.ge @!p2 [sflag:s9], $0x4000  }
.Ltmp39:
0x35a: {  	(pc) =	sbr.rel .LBB2_57-.Ltmp39, $2  }
0x35b: {  	_ =	sdelay $0x2  }
0x35c: {  	s10 =	smov.u32 s18  }
.LBB2_45:
.Ltmp40:
0x35d: {  	(pc) =	sbr.rel .LBB2_52-.Ltmp40, $2  }
0x35e: {  	_ =	sdelay $0x2  }
0x35f: {  	s9 =	simm.s32 $0x0  }
.LBB2_50:
.Ltmp41:
0x360: {  	(pc) =	sbr.rel .LBB2_52-.Ltmp41, $2  }
0x361: {  	_ =	sdelay $0x2  }
0x362: {  	s9 =	simm.s32 $0x0  }
.LBB2_54:
.Ltmp42:
0x363: {  	(pc) =	sbr.rel .LBB2_57-.Ltmp42, $2  }
0x364: {  	_ =	sdelay $0x2  }
0x365: {  	s10 =	simm.s32 $0x1  }
.LBB2_59:
0x366: {  	s2 =	sshra.s32 s0, $0x1F  }
0x367: {  	s2 =	sshrl.u32 s2, $0x19  }
0x368: {  	s2 =	sadd.s32 s2, s0  }
0x369: {  	s2 =	sand.u32 $0xFFFFFF80, s2  }
0x36a: {  	p0 =	slt.s32 s0, $0x1;
	s2 =	ssub.s32 s0, s2  }
0x36b: {  	p1 =	slt.s32 @!p0 s2, $0x1  }
0x36c: {  	p0 =	por p0, p1  }
.Ltmp43:
0x36d: {  	_ = 	snop;
	(pc) =	sbr.rel @p0 .LBB2_63-.Ltmp43, $1  }
0x36e: {  	_ =	sdelay $0x3  }
0x36f: {  	s0 =	sshll.u32 s2, $0x7  }
0x370: {  	s0 =	sadd.s32 $0xFFFFFF80, s0  }
0x371: {  	p0 =	sne.s32 s2, $0x7F;
	v19 =	vor.u32 s0, v2  }
.Ltmp44:
0x372: {  	_ = 	snop;
	(pc) =	sbr.rel @!p0 .LBB2_62-.Ltmp44, $4  }
0x373: {  	_ = 	snop  }
0x374: {  	v15 =	vor.u32 $0x10, v2;
	v12 =	vor.u32 $0x20, v2;
	v13 =	vmov s2  }
0x375: {  	v11 =	vor.u32 $0x30, v2;
	v14 =	vmov s1;
	v20 =	vshll.u32 v13, $0x7  }
0x376: {  	v17 =	vor.u32 s0, v15;
	v16 =	vor.u32 s0, v12;
	v18 =	vor.u32 s0, v11;
	s0 =	sadd.s32 $0x1, s2;
	v21 =	vld.idx.msk [tilespmem:v19+s25+$0x0], $0xffff  }
.LBB2_61:
0x377: {  	p0 =	sne.s32 s0, $0x7F;
	v22 =	vor.u32 v2, v20;
	_ =	sdelay $0x4  }
0x378: {  	[tilespmem:v22+s25+$0x0] =	vst.idx.msk $0xffff, v21  }
0x379: {  	v21 =	vld.idx.msk [tilespmem:v17+s25+$0x0], $0xffff  }
0x37a: {  	v22 =	vor.u32 v15, v20;
	_ =	sdelay $0x4  }
0x37b: {  	[tilespmem:v22+s25+$0x0] =	vst.idx.msk $0xffff, v21  }
0x37c: {  	v21 =	vld.idx.msk [tilespmem:v16+s25+$0x0], $0xffff  }
0x37d: {  	v22 =	vor.u32 v12, v20;
	_ =	sdelay $0x4  }
0x37e: {  	[tilespmem:v22+s25+$0x0] =	vst.idx.msk $0xffff, v21  }
0x37f: {  	v21 =	vld.idx.msk [tilespmem:v18+s25+$0x0], $0xffff  }
0x380: {  	v20 =	vor.u32 v11, v20;
	_ =	sdelay $0x2  }
.Ltmp45:
0x381: {  	(pc) =	sbr.rel @p0 .LBB2_61-.Ltmp45, $4  }
0x382: {  	_ = 	snop  }
0x383: {  	[tilespmem:v20+s25+$0x0] =	vst.idx.msk $0xffff, v21  }
0x384: {  	[tilespmem:v13+s26+$0x0] =	vst.idx.msk $0x1, v14;
	v13 =	vmov s0  }
0x385: {  	s0 =	sadd.s32 $0x1, s0;
	v21 =	vld.idx.msk [tilespmem:v19+s25+$0x0], $0xffff;
	v20 =	vshll.u32 v13, $0x7  }
.Ltmp46:
0x386: {  	_ = 	snop;
	(pc) =	sbr.rel .LBB2_62-.Ltmp46, $1  }
0x387: {  	_ =	sdelay $0x3  }
.LBB2_9:
.Ltmp47:
0x388: {  	(pc) =	sbr.rel .LBB2_13-.Ltmp47, $2  }
0x389: {  	_ =	sdelay $0x2  }
0x38a: {  	s2 =	smov.u32 s1  }
.LBB2_18:
.Ltmp48:
0x38b: {  	(pc) =	sbr.rel .LBB2_22-.Ltmp48, $2  }
0x38c: {  	_ =	sdelay $0x2  }
0x38d: {  	s2 =	smov.u32 s1  }
.LBB2_27:
.Ltmp49:
0x38e: {  	(pc) =	sbr.rel .LBB2_31-.Ltmp49, $2  }
0x38f: {  	_ =	sdelay $0x2  }
0x390: {  	s2 =	smov.u32 s1  }
.LBB2_32:
.Ltmp50:
0x391: {  	(pc) =	sbr.rel .LBB2_36-.Ltmp50, $2  }
0x392: {  	_ =	sdelay $0x2  }
0x393: {  	s0 =	smov.u32 s1  }
.LBB2_37:
.Ltmp51:
0x394: {  	(pc) =	sbr.rel .LBB2_41-.Ltmp51, $2  }
0x395: {  	_ =	sdelay $0x2  }
0x396: {  	s1 =	smov.u32 s0  }
.LBB2_6:
.Ltmp52:
0x397: {  	(pc) =	sbr.rel .LBB2_8-.Ltmp52, $2  }
0x398: {  	_ =	sdelay $0x2  }
0x399: {  	s2 =	simm.s32 $0x0  }
.LBB2_11:
.Ltmp53:
0x39a: {  	(pc) =	sbr.rel .LBB2_13-.Ltmp53, $2  }
0x39b: {  	_ =	sdelay $0x2  }
0x39c: {  	s2 =	smov.u32 s1  }
.LBB2_15:
.Ltmp54:
0x39d: {  	(pc) =	sbr.rel .LBB2_17-.Ltmp54, $2  }
0x39e: {  	_ =	sdelay $0x2  }
0x39f: {  	s2 =	smov.u32 s1  }
.LBB2_20:
.Ltmp55:
0x3a0: {  	(pc) =	sbr.rel .LBB2_22-.Ltmp55, $2  }
0x3a1: {  	_ =	sdelay $0x2  }
0x3a2: {  	s2 =	smov.u32 s1  }
.LBB2_24:
.Ltmp56:
0x3a3: {  	(pc) =	sbr.rel .LBB2_26-.Ltmp56, $2  }
0x3a4: {  	_ =	sdelay $0x2  }
0x3a5: {  	s2 =	smov.u32 s1  }
.LBB2_29:
.Ltmp57:
0x3a6: {  	(pc) =	sbr.rel .LBB2_31-.Ltmp57, $2  }
0x3a7: {  	_ =	sdelay $0x2  }
0x3a8: {  	s2 =	smov.u32 s1  }
.LBB2_34:
.Ltmp58:
0x3a9: {  	(pc) =	sbr.rel .LBB2_36-.Ltmp58, $2  }
0x3aa: {  	_ =	sdelay $0x2  }
0x3ab: {  	s0 =	smov.u32 s1  }
.LBB2_39:
.Ltmp59:
0x3ac: {  	(pc) =	sbr.rel .LBB2_41-.Ltmp59, $2  }
0x3ad: {  	_ =	sdelay $0x2  }
0x3ae: {  	s1 =	smov.u32 s0  }
.LBB2_64:
0x3af: {  	_ =	sfence.sel $0x180000  }
0x3b0: {  	[bflag:$0x0] =	sbarrier.arrive $0xFFFF  }
0x3b1: {  	_ =	strace $0x90000047  }
0x3b2: {  	s0 =	stileid.u32;
	[bflag:$0x2] =	sbarrier.arrive $0xFFFF  }
0x3b3: {  	p0 =	sne.s32 s0, $0x0;
	s0 =	rddreg [dreg:$0x3]  }
0x3b4: {  	s0 =	sadd.s32 @!p0 $0x100000, s0  }
0x3b5: {  	[sflag:s0] =	ssyncadd.tile.s32 @!p0 $0x1;
	_ =	shalt  }
.Lfunc_end2:
_tile_overlayer_lowered:
.L_overlay_start_2:
0x3b6: {  	(tag) =	ssettag $0x2  }
0x3b7: {  	s0 =	rddreg [dreg:$0x0];
	s2 =	stileid.u32  }
0x3b8: {  	s1 =	rddreg [dreg:$0x1];
	p0 =	sne.s32 s2, $0x0  }
0x3b9: {  	s3 =	rddreg [dreg:$0x2];
	[bflag:$0x3] =	sbarrier.arrive $0xFFFF;
	s2 =	simm.s32 @!p0 $0x1C05  }
0x3ba: {  	[timem:s3], [sflag:s2] =	dma.local @!p0 [hbm:s0], s1  }
0x3bb: {  	s0 =	simm.s32 @!p0 $0x5  }
0x3bc: {  	_ =	swait.ge @!p0 [sflag:s0], s1  }
0x3bd: {  	s1 =	ssub.s32 @!p0 $0x0, s1;
	[sflag:s0] =	ssyncset.done @!p0 $0x0  }
0x3be: {  	[sflag:s0] =	ssyncadd.s32 @!p0 s1  }
0x3bf: {  	[bflag:$0x3] =	sbarrier.arrive $0xFFFF  }
0x3c0: {  	_ =	shalt  }

</sc_bundles>
